<compile_context>
chip_gen: v7x
topology: tpu7x:2x2x1
jax: 0.10.2.dev20260603
libtpu: 0.0.44.dev20260713+nightly
codegen_flags: <defaults>
</compile_context>

<pallas_src>
import functools

import jax
import jax.numpy as jnp
from jax import lax
from jax.experimental import pallas as pl
from jax.experimental.pallas import tpu as pltpu
from jax.experimental.pallas import tpu_sc as plsc

N = 10000
E = 320000
F_IN = 128
HIDDEN = 64
N_CLASSES = 40
CPAD = 48

NC = 2
NS = 16
NW = NC * NS
L = 16

N_PAD = 10240
EA = E + N
EP = 331776
CE = 5184
NCHUNK = (EP // NC) // CE
NVEC = CE // L
DEG_W = EP // NW

f32 = jnp.float32
i32 = jnp.int32


@functools.cache
def _mesh():
    return plsc.VectorSubcoreMesh(
        core_axis_name="c", subcore_axis_name="s",
        num_cores=NC, num_subcores=NS)


_SC_PARAMS = pltpu.CompilerParams(needs_layout_passes=False)



def _deg_body(dst_hbm, zeros_hbm, out, didx, dacc, sem):
    c = lax.axis_index("c")
    s = lax.axis_index("s")
    wid = c * NS + s
    pltpu.sync_copy(zeros_hbm, dacc)
    pltpu.sync_copy(dst_hbm.at[pl.ds(wid * DEG_W, DEG_W)], didx)
    ones16 = jnp.full((L,), 1.0, f32)
    row16 = jnp.zeros((L,), i32)

    def step(v, carry):
        d16 = didx[pl.ds(v * L, L)]
        plsc.addupdate_scatter(dacc, [row16, d16], ones16)
        return carry

    lax.fori_loop(0, DEG_W // L, step, 0)
    pltpu.sync_copy(dacc, out.at[wid])


@functools.cache
def _deg_call():
    return pl.kernel(
        _deg_body,
        out_type=jax.ShapeDtypeStruct((NW, 1, N_PAD), f32),
        mesh=_mesh(),
        compiler_params=_SC_PARAMS,
        scratch_types=[
            pltpu.VMEM((DEG_W,), i32),
            pltpu.VMEM((1, N_PAD), f32),
            pltpu.SemaphoreType.DMA,
        ],
    )



def _scat_body(tab_hbm, src_hbm, dst_hbm, dinv_hbm, zeros_hbm, out,
               sidx0, sidx1, didx0, didx1, tab_v, acc_v, dinv_v,
               ssem0, ssem1, dsem0, dsem1, D, WC):
    c = lax.axis_index("c")
    s = lax.axis_index("s")
    pltpu.sync_copy(tab_hbm.at[s], tab_v)
    pltpu.sync_copy(zeros_hbm, acc_v)
    pltpu.sync_copy(dinv_hbm, dinv_v)

    def scale_tab(j, carry):
        sl = pl.ds(j * L, L)
        dv = dinv_v[sl]
        for cc in range(WC):
            tab_v[cc, sl] = tab_v[cc, sl] * dv
        return carry

    lax.fori_loop(0, N_PAD // L, scale_tab, 0)

    ebase = c * (EP // NC)
    sbufs = (sidx0, sidx1)
    dbufs = (didx0, didx1)
    ssems = (ssem0, ssem1)
    dsems = (dsem0, dsem1)
    for b in range(2):
        pltpu.async_copy(src_hbm.at[pl.ds(ebase + b * CE, CE)],
                         sbufs[b], ssems[b])
        pltpu.async_copy(dst_hbm.at[pl.ds(ebase + b * CE, CE)],
                         dbufs[b], dsems[b])

    def chunk(k2, carry):
        for b in range(2):
            kk = k2 * 2 + b
            base = ebase + kk * CE
            pltpu.make_async_copy(
                src_hbm.at[pl.ds(base, CE)], sbufs[b], ssems[b]).wait()
            pltpu.make_async_copy(
                dst_hbm.at[pl.ds(base, CE)], dbufs[b], dsems[b]).wait()

            sidx = sbufs[b]
            didx = dbufs[b]

            @plsc.parallel_loop(0, NVEC, unroll=16)
            def _(v):
                sl = pl.ds(v * L, L)
                s16 = sidx[sl]
                d16 = didx[sl]
                vals = [plsc.load_gather(tab_v,
                                         [jnp.full((L,), cc, i32), s16])
                        for cc in range(WC)]
                for cc in range(WC):
                    plsc.addupdate_scatter(
                        acc_v, [jnp.full((L,), cc, i32), d16], vals[cc])

            @pl.when(kk < NCHUNK - 2)
            def _():
                nbase = ebase + (kk + 2) * CE
                pltpu.async_copy(src_hbm.at[pl.ds(nbase, CE)],
                                 sbufs[b], ssems[b])
                pltpu.async_copy(dst_hbm.at[pl.ds(nbase, CE)],
                                 dbufs[b], dsems[b])

        return carry

    lax.fori_loop(0, NCHUNK // 2, chunk, 0)

    def scale_acc(j, carry):
        sl = pl.ds(j * L, L)
        dv = dinv_v[sl]
        for cc in range(WC):
            acc_v[cc, sl] = acc_v[cc, sl] * dv
        return carry

    lax.fori_loop(0, N_PAD // L, scale_acc, 0)
    pltpu.sync_copy(acc_v, out.at[c, s])


@functools.cache
def _scat_call(D, WC):
    return pl.kernel(
        functools.partial(_scat_body, D=D, WC=WC),
        out_type=jax.ShapeDtypeStruct((NC, NS, WC, N_PAD), f32),
        mesh=_mesh(),
        compiler_params=_SC_PARAMS,
        scratch_types=[
            pltpu.VMEM((CE,), i32),
            pltpu.VMEM((CE,), i32),
            pltpu.VMEM((CE,), i32),
            pltpu.VMEM((CE,), i32),
            pltpu.VMEM((WC, N_PAD), f32),
            pltpu.VMEM((WC, N_PAD), f32),
            pltpu.VMEM((N_PAD,), f32),
            pltpu.SemaphoreType.DMA,
            pltpu.SemaphoreType.DMA,
            pltpu.SemaphoreType.DMA,
            pltpu.SemaphoreType.DMA,
        ],
    )



_RL = 2048
_GRID = N_PAD // _RL


def _tca_body(deg_ref, x_ref, w1_ref, ht_ref, dinv_ref):
    deg = jnp.sum(deg_ref[...], axis=0)
    dinv_ref[...] = lax.rsqrt(jnp.maximum(deg, 1.0))
    ht = lax.dot_general(
        w1_ref[...], x_ref[...], (((0,), (1,)), ((), ())),
        preferred_element_type=f32, precision=lax.Precision.HIGHEST)
    wc = HIDDEN // NS
    for k in range(NS):
        ht_ref[k] = ht[k * wc:(k + 1) * wc, :]


def _tca(deg_parts, x, W1):
    return pl.pallas_call(
        _tca_body,
        grid=(_GRID,),
        in_specs=[
            pl.BlockSpec((NW, 1, _RL), lambda i: (0, 0, i)),
            pl.BlockSpec((_RL, F_IN), lambda i: (i, 0)),
            pl.BlockSpec((F_IN, HIDDEN), lambda i: (0, 0)),
        ],
        out_specs=[
            pl.BlockSpec((NS, HIDDEN // NS, _RL), lambda i: (0, 0, i)),
            pl.BlockSpec((1, _RL), lambda i: (0, i)),
        ],
        out_shape=[
            jax.ShapeDtypeStruct((NS, HIDDEN // NS, N_PAD), f32),
            jax.ShapeDtypeStruct((1, N_PAD), f32),
        ],
    )(deg_parts, x, W1)


def _tcb_body(s1_ref, b1_ref, w2_ref, emb_ref, h2_ref):
    pre = s1_ref[0] + s1_ref[1] + b1_ref[...]
    emb = jnp.maximum(pre, 0.0)
    emb_ref[...] = emb
    h2 = lax.dot_general(
        w2_ref[...], emb, (((0,), (0,)), ((), ())),
        preferred_element_type=f32, precision=lax.Precision.HIGHEST)
    wc = CPAD // NS
    for k in range(NS):
        h2_ref[k] = h2[k * wc:(k + 1) * wc, :]


def _tcb(s1_parts, b1, W2p):
    return pl.pallas_call(
        _tcb_body,
        grid=(_GRID,),
        in_specs=[
            pl.BlockSpec((NC, HIDDEN, _RL), lambda i: (0, 0, i)),
            pl.BlockSpec((HIDDEN, 1), lambda i: (0, 0)),
            pl.BlockSpec((HIDDEN, CPAD), lambda i: (0, 0)),
        ],
        out_specs=[
            pl.BlockSpec((HIDDEN, _RL), lambda i: (0, i)),
            pl.BlockSpec((NS, CPAD // NS, _RL), lambda i: (0, 0, i)),
        ],
        out_shape=[
            jax.ShapeDtypeStruct((HIDDEN, N_PAD), f32),
            jax.ShapeDtypeStruct((NS, CPAD // NS, N_PAD), f32),
        ],
    )(s1_parts, b1, W2p)


def _tcc_body(s2_ref, b2_ref, out_ref):
    h2 = (s2_ref[0, :N_CLASSES, :] + s2_ref[1, :N_CLASSES, :]
          + b2_ref[...])
    m = jnp.max(h2, axis=0, keepdims=True)
    lse = jnp.log(jnp.sum(jnp.exp(h2 - m), axis=0, keepdims=True)) + m
    out_ref[...] = h2 - lse


def _tcc(s2_parts, b2):
    return pl.pallas_call(
        _tcc_body,
        grid=(_GRID,),
        in_specs=[
            pl.BlockSpec((NC, CPAD, _RL), lambda i: (0, 0, i)),
            pl.BlockSpec((N_CLASSES, 1), lambda i: (0, 0)),
        ],
        out_specs=pl.BlockSpec((N_CLASSES, _RL), lambda i: (0, i)),
        out_shape=jax.ShapeDtypeStruct((N_CLASSES, N_PAD), f32),
    )(s2_parts, b2)


def kernel(x, edge_index, W1, b1, W2, b2):
    src = edge_index[0].astype(i32)
    dst = edge_index[1].astype(i32)
    loop = jnp.arange(N, dtype=i32)
    npad = EP - EA
    pad_src = jnp.arange(npad, dtype=i32) % 8
    pad_dst = N + jnp.arange(npad, dtype=i32) % (N_PAD - N)
    srcp = jnp.concatenate([src, loop, pad_src])
    dstp = jnp.concatenate([dst, loop, pad_dst])

    zeros1 = jnp.zeros((1, N_PAD), f32)
    zeros_h = jnp.zeros((HIDDEN // NS, N_PAD), f32)
    zeros_c = jnp.zeros((CPAD // NS, N_PAD), f32)
    W2p = jnp.pad(W2, ((0, 0), (0, CPAD - N_CLASSES)))

    deg_parts = _deg_call()(dstp, zeros1)
    h1t, dinv = _tca(deg_parts, x, W1)
    dinv_flat = dinv.reshape(N_PAD)
    s1_parts = _scat_call(HIDDEN, HIDDEN // NS)(
        h1t, srcp, dstp, dinv_flat, zeros_h).reshape(NC, HIDDEN, N_PAD)
    embt, h2t = _tcb(s1_parts, b1.reshape(HIDDEN, 1), W2p)
    s2_parts = _scat_call(CPAD, CPAD // NS)(
        h2t, srcp, dstp, dinv_flat, zeros_c).reshape(NC, CPAD, N_PAD)
    logpt = _tcc(s2_parts, b2.reshape(N_CLASSES, 1))
    return (logpt[:, :N].T, embt[:, :N].T)

# --- scband reference (transcript-rebuilt; emitter-appended) ---
"""Pipeline reference for scband-gcn-27994596836121 (READ-ONLY COPY).

The authoritative reference and input builder live on the scoring server;
editing this copy changes nothing except your own understanding.
"""

import jax, jax.numpy as jnp
import numpy as np

N_NODES = 10000
N_EDGES = 320000
F_IN = 128
HIDDEN = 64
N_CLASSES = 40


def setup_inputs(seed: int = 0) -> dict:
    key = jax.random.key(seed)
    ks = jax.random.split(key, 6)
    x = jax.random.normal(ks[0], (N_NODES, F_IN), dtype=jnp.float32)
    edge_index = jax.random.randint(ks[1], (2, N_EDGES), 0, N_NODES, dtype=jnp.int32)
    # GCNConv parameters (glorot-like init); PyG lin has weight [out,in], we store [in,out]
    W1 = jax.random.normal(ks[2], (F_IN, HIDDEN), dtype=jnp.float32) * (1.0 / np.sqrt(F_IN))
    b1 = jnp.zeros((HIDDEN,), dtype=jnp.float32)
    W2 = jax.random.normal(ks[3], (HIDDEN, N_CLASSES), dtype=jnp.float32) * (1.0 / np.sqrt(HIDDEN))
    b2 = jnp.zeros((N_CLASSES,), dtype=jnp.float32)
    return {"x": x, "edge_index": edge_index, "W1": W1, "b1": b1, "W2": W2, "b2": b2}


def gcn_conv(x, edge_index, W, b):
    # Standard GCNConv: add self-loops, symmetric normalization D^-1/2 A D^-1/2,
    # linear transform, scatter-add aggregation, bias.
    n = x.shape[0]
    loop = jnp.arange(n, dtype=edge_index.dtype)
    src = jnp.concatenate([edge_index[0], loop])
    dst = jnp.concatenate([edge_index[1], loop])
    ones = jnp.ones(src.shape[0], dtype=x.dtype)
    deg = jax.ops.segment_sum(ones, dst, num_segments=n)
    dinv = jax.lax.rsqrt(jnp.clip(deg, 1.0, None))
    norm = dinv[src] * dinv[dst]
    h = x @ W
    msg = h[src] * norm[:, None]
    out = jax.ops.segment_sum(msg, dst, num_segments=n)
    return out + b


def reference(x, edge_index, W1, b1, W2, b2):
    emb = jax.nn.relu(gcn_conv(x, edge_index, W1, b1))
    # dropout is identity in eval mode (training=False)
    h = gcn_conv(emb, edge_index, W2, b2)
    return (jax.nn.log_softmax(h, axis=1), emb)

if __name__ == "__main__":
    import jax
    _d = setup_inputs()
    print(jax.jit(kernel)(*tuple(_d.values())))

</pallas_src>

<mosaic_0001>
#map = affine_map<(d0, d1) -> (0, 0, 0)>
#map1 = affine_map<(d0, d1) -> (0)>
#map2 = affine_map<(d0, d1) -> (0, 0)>
#map3 = affine_map<(d0, d1) -> (0, 0, 0, 0)>
module attributes {stable_mosaic.version = 14 : i64} {
  func.func @_scat_body(%arg0: i32, %arg1: i32, %arg2: memref<16x3x10240xf32, #tpu.memory_space<hbm>>, %arg3: memref<331776xi32, #tpu.memory_space<hbm>>, %arg4: memref<331776xi32, #tpu.memory_space<hbm>>, %arg5: memref<10240xf32, #tpu.memory_space<hbm>>, %arg6: memref<3x10240xf32, #tpu.memory_space<hbm>>, %arg7: memref<2x16x3x10240xf32, #tpu.memory_space<hbm>>, %arg8: memref<5184xi32, #tpu.memory_space<vmem>>, %arg9: memref<5184xi32, #tpu.memory_space<vmem>>, %arg10: memref<5184xi32, #tpu.memory_space<vmem>>, %arg11: memref<5184xi32, #tpu.memory_space<vmem>>, %arg12: memref<3x10240xf32, #tpu.memory_space<vmem>>, %arg13: memref<3x10240xf32, #tpu.memory_space<vmem>>, %arg14: memref<10240xf32, #tpu.memory_space<vmem>>, %arg15: memref<!tpu.dma_semaphore, #tpu.memory_space<semaphore_mem>>, %arg16: memref<!tpu.dma_semaphore, #tpu.memory_space<semaphore_mem>>, %arg17: memref<!tpu.dma_semaphore, #tpu.memory_space<semaphore_mem>>, %arg18: memref<!tpu.dma_semaphore, #tpu.memory_space<semaphore_mem>>) attributes {dimension_semantics = [#tpu.dimension_semantics<core_parallel>, #tpu.dimension_semantics<subcore_parallel>], iteration_bounds = array<i64: 2, 16>, scalar_prefetch = 0 : i64, scratch_operands = 11 : i64, tpu.core_type = #tpu.core_type<sc_vector_subcore>, window_params = [{transform_indices = #map}, {transform_indices = #map1}, {transform_indices = #map1}, {transform_indices = #map1}, {transform_indices = #map2}, {transform_indices = #map3}]} {
    "tpu.region"() ({
      %run_scoped3A = tpu.sem_alloc : memref<!tpu.dma_semaphore, #tpu.memory_space<semaphore_mem>>
      %dma_start3A_32 = arith.constant 0 : i32
      %dma_start3A_33 = arith.constant 0 : i32
      %dma_start3A_34 = tpu.memref_slice %arg2[%arg1, %dma_start3A_32, %dma_start3A_33] : memref<16x3x10240xf32, #tpu.memory_space<hbm>> -> memref<1x3x10240xf32, #tpu.memory_space<hbm>>
      %dma_start3A_35 = tpu.memref_squeeze %dma_start3A_34 : memref<1x3x10240xf32, #tpu.memory_space<hbm>> -> memref<3x10240xf32, #tpu.memory_space<hbm>>
      %dma_start3A_36 = arith.constant 0 : i32
      %dma_start3A_37 = arith.constant 0 : i32
      %dma_start3A_38 = tpu.memref_slice %arg2[%arg1, %dma_start3A_36, %dma_start3A_37] : memref<16x3x10240xf32, #tpu.memory_space<hbm>> -> memref<1x3x10240xf32, #tpu.memory_space<hbm>>
      %dma_start3A_39 = tpu.memref_squeeze %dma_start3A_38 : memref<1x3x10240xf32, #tpu.memory_space<hbm>> -> memref<3x10240xf32, #tpu.memory_space<hbm>>
      tpu.enqueue_dma source(%dma_start3A_39 : memref<3x10240xf32, #tpu.memory_space<hbm>>) target(%arg12 : memref<3x10240xf32, #tpu.memory_space<vmem>>) target_semaphore(%run_scoped3A : memref<!tpu.dma_semaphore, #tpu.memory_space<semaphore_mem>>)
      %dma_wait3A = arith.constant 0 : i32
      %dma_wait3A_40 = arith.constant 0 : i32
      %dma_wait3A_41 = tpu.memref_slice %arg2[%arg1, %dma_wait3A, %dma_wait3A_40] : memref<16x3x10240xf32, #tpu.memory_space<hbm>> -> memref<1x3x10240xf32, #tpu.memory_space<hbm>>
      %dma_wait3A_42 = tpu.memref_squeeze %dma_wait3A_41 : memref<1x3x10240xf32, #tpu.memory_space<hbm>> -> memref<3x10240xf32, #tpu.memory_space<hbm>>
      %dma_wait3A_43 = arith.constant 0 : i32
      %dma_wait3A_44 = arith.constant 0 : i32
      %dma_wait3A_45 = tpu.memref_slice %arg2[%arg1, %dma_wait3A_43, %dma_wait3A_44] : memref<16x3x10240xf32, #tpu.memory_space<hbm>> -> memref<1x3x10240xf32, #tpu.memory_space<hbm>>
      %dma_wait3A_46 = tpu.memref_squeeze %dma_wait3A_45 : memref<1x3x10240xf32, #tpu.memory_space<hbm>> -> memref<3x10240xf32, #tpu.memory_space<hbm>>
      tpu.wait_dma2 semaphore(%run_scoped3A : memref<!tpu.dma_semaphore, #tpu.memory_space<semaphore_mem>>) src(%dma_wait3A_46 : memref<3x10240xf32, #tpu.memory_space<hbm>>) dst(%arg12 : memref<3x10240xf32, #tpu.memory_space<vmem>>)
      tpu.yield
    }) : () -> ()
    "tpu.region"() ({
      %run_scoped3A = tpu.sem_alloc : memref<!tpu.dma_semaphore, #tpu.memory_space<semaphore_mem>>
      tpu.enqueue_dma source(%arg6 : memref<3x10240xf32, #tpu.memory_space<hbm>>) target(%arg13 : memref<3x10240xf32, #tpu.memory_space<vmem>>) target_semaphore(%run_scoped3A : memref<!tpu.dma_semaphore, #tpu.memory_space<semaphore_mem>>)
      tpu.wait_dma2 semaphore(%run_scoped3A : memref<!tpu.dma_semaphore, #tpu.memory_space<semaphore_mem>>) src(%arg6 : memref<3x10240xf32, #tpu.memory_space<hbm>>) dst(%arg13 : memref<3x10240xf32, #tpu.memory_space<vmem>>)
      tpu.yield
    }) : () -> ()
    "tpu.region"() ({
      %run_scoped3A = tpu.sem_alloc : memref<!tpu.dma_semaphore, #tpu.memory_space<semaphore_mem>>
      tpu.enqueue_dma source(%arg5 : memref<10240xf32, #tpu.memory_space<hbm>>) target(%arg14 : memref<10240xf32, #tpu.memory_space<vmem>>) target_semaphore(%run_scoped3A : memref<!tpu.dma_semaphore, #tpu.memory_space<semaphore_mem>>)
      tpu.wait_dma2 semaphore(%run_scoped3A : memref<!tpu.dma_semaphore, #tpu.memory_space<semaphore_mem>>) src(%arg5 : memref<10240xf32, #tpu.memory_space<hbm>>) dst(%arg14 : memref<10240xf32, #tpu.memory_space<vmem>>)
      tpu.yield
    }) : () -> ()
    %scan3A = arith.constant 0 : i32
    %scan3A_0 = arith.constant 0 : i32
    %scan3A_1 = arith.constant 640 : i32
    %scan3A_2 = arith.addi %scan3A_0, %scan3A_1 : i32
    %scan3A_3 = arith.constant 1 : i32
    scf.for %scan3A_32 = %scan3A_0 to %scan3A_2 step %scan3A_3  : i32 {
      %mul3A_33 = arith.constant 16 : i32
      %mul3A_34 = arith.muli %scan3A_32, %mul3A_33 : i32
      %get3A = arith.index_cast %mul3A_34 : i32 to index
      %get3A_35 = tpu.vector_load %arg14[%get3A] {strides = array<i32>} : memref<10240xf32, #tpu.memory_space<vmem>>, vector<16xf32>,
      %get3A_36 = arith.constant 0 : i32
      %get3A_37 = arith.index_cast %get3A_36 : i32 to index
      %get3A_38 = arith.index_cast %mul3A_34 : i32 to index
      %get3A_39 = tpu.vector_load %arg12[%get3A_37, %get3A_38] {strides = array<i32>} : memref<3x10240xf32, #tpu.memory_space<vmem>>, vector<16xf32>,
      %mul3A_40 = arith.mulf %get3A_39, %get3A_35 : vector<16xf32>
      %swap3A = arith.constant 0 : i32
      %swap3A_41 = arith.index_cast %swap3A : i32 to index
      %swap3A_42 = arith.index_cast %mul3A_34 : i32 to index
      %swap3A_43 = tpu.vector_load %arg12[%swap3A_41, %swap3A_42] {strides = array<i32>} : memref<3x10240xf32, #tpu.memory_space<vmem>>, vector<16xf32>,
      tpu.vector_store %arg12[%swap3A_41, %swap3A_42], %mul3A_40 {strides = array<i32>} : memref<3x10240xf32, #tpu.memory_space<vmem>>, vector<16xf32>,
      %get3A_44 = arith.constant 1 : i32
      %get3A_45 = arith.index_cast %get3A_44 : i32 to index
      %get3A_46 = arith.index_cast %mul3A_34 : i32 to index
      %get3A_47 = tpu.vector_load %arg12[%get3A_45, %get3A_46] {strides = array<i32>} : memref<3x10240xf32, #tpu.memory_space<vmem>>, vector<16xf32>,
      %mul3A_48 = arith.mulf %get3A_47, %get3A_35 : vector<16xf32>
      %swap3A_49 = arith.constant 1 : i32
      %swap3A_50 = arith.index_cast %swap3A_49 : i32 to index
      %swap3A_51 = arith.index_cast %mul3A_34 : i32 to index
      %swap3A_52 = tpu.vector_load %arg12[%swap3A_50, %swap3A_51] {strides = array<i32>} : memref<3x10240xf32, #tpu.memory_space<vmem>>, vector<16xf32>,
      tpu.vector_store %arg12[%swap3A_50, %swap3A_51], %mul3A_48 {strides = array<i32>} : memref<3x10240xf32, #tpu.memory_space<vmem>>, vector<16xf32>,
      %get3A_53 = arith.constant 2 : i32
      %get3A_54 = arith.index_cast %get3A_53 : i32 to index
      %get3A_55 = arith.index_cast %mul3A_34 : i32 to index
      %get3A_56 = tpu.vector_load %arg12[%get3A_54, %get3A_55] {strides = array<i32>} : memref<3x10240xf32, #tpu.memory_space<vmem>>, vector<16xf32>,
      %mul3A_57 = arith.mulf %get3A_56, %get3A_35 : vector<16xf32>
      %swap3A_58 = arith.constant 2 : i32
      %swap3A_59 = arith.index_cast %swap3A_58 : i32 to index
      %swap3A_60 = arith.index_cast %mul3A_34 : i32 to index
      %swap3A_61 = tpu.vector_load %arg12[%swap3A_59, %swap3A_60] {strides = array<i32>} : memref<3x10240xf32, #tpu.memory_space<vmem>>, vector<16xf32>,
      tpu.vector_store %arg12[%swap3A_59, %swap3A_60], %mul3A_57 {strides = array<i32>} : memref<3x10240xf32, #tpu.memory_space<vmem>>, vector<16xf32>,
    }
    %scan3A_4 = arith.constant 640 : i32
    %mul3A = arith.constant 165888 : i32
    %mul3A_5 = arith.muli %arg0, %mul3A : i32
    %add3A = arith.constant 0 : i32
    %add3A_6 = arith.addi %mul3A_5, %add3A : i32
    %dma_start3A = tpu.memref_slice %arg3[%add3A_6] : memref<331776xi32, #tpu.memory_space<hbm>> -> memref<5184xi32, #tpu.memory_space<hbm>>
    %dma_start3A_7 = tpu.memref_slice %arg3[%add3A_6] : memref<331776xi32, #tpu.memory_space<hbm>> -> memref<5184xi32, #tpu.memory_space<hbm>>
    tpu.enqueue_dma source(%dma_start3A_7 : memref<5184xi32, #tpu.memory_space<hbm>>) target(%arg8 : memref<5184xi32, #tpu.memory_space<vmem>>) target_semaphore(%arg15 : memref<!tpu.dma_semaphore, #tpu.memory_space<semaphore_mem>>)
    %add3A_8 = arith.constant 0 : i32
    %add3A_9 = arith.addi %mul3A_5, %add3A_8 : i32
    %dma_start3A_10 = tpu.memref_slice %arg4[%add3A_9] : memref<331776xi32, #tpu.memory_space<hbm>> -> memref<5184xi32, #tpu.memory_space<hbm>>
    %dma_start3A_11 = tpu.memref_slice %arg4[%add3A_9] : memref<331776xi32, #tpu.memory_space<hbm>> -> memref<5184xi32, #tpu.memory_space<hbm>>
    tpu.enqueue_dma source(%dma_start3A_11 : memref<5184xi32, #tpu.memory_space<hbm>>) target(%arg10 : memref<5184xi32, #tpu.memory_space<vmem>>) target_semaphore(%arg17 : memref<!tpu.dma_semaphore, #tpu.memory_space<semaphore_mem>>)
    %add3A_12 = arith.constant 5184 : i32
    %add3A_13 = arith.addi %mul3A_5, %add3A_12 : i32
    %dma_start3A_14 = tpu.memref_slice %arg3[%add3A_13] : memref<331776xi32, #tpu.memory_space<hbm>> -> memref<5184xi32, #tpu.memory_space<hbm>>
    %dma_start3A_15 = tpu.memref_slice %arg3[%add3A_13] : memref<331776xi32, #tpu.memory_space<hbm>> -> memref<5184xi32, #tpu.memory_space<hbm>>
    tpu.enqueue_dma source(%dma_start3A_15 : memref<5184xi32, #tpu.memory_space<hbm>>) target(%arg9 : memref<5184xi32, #tpu.memory_space<vmem>>) target_semaphore(%arg16 : memref<!tpu.dma_semaphore, #tpu.memory_space<semaphore_mem>>)
    %add3A_16 = arith.constant 5184 : i32
    %add3A_17 = arith.addi %mul3A_5, %add3A_16 : i32
    %dma_start3A_18 = tpu.memref_slice %arg4[%add3A_17] : memref<331776xi32, #tpu.memory_space<hbm>> -> memref<5184xi32, #tpu.memory_space<hbm>>
    %dma_start3A_19 = tpu.memref_slice %arg4[%add3A_17] : memref<331776xi32, #tpu.memory_space<hbm>> -> memref<5184xi32, #tpu.memory_space<hbm>>
    tpu.enqueue_dma source(%dma_start3A_19 : memref<5184xi32, #tpu.memory_space<hbm>>) target(%arg11 : memref<5184xi32, #tpu.memory_space<vmem>>) target_semaphore(%arg18 : memref<!tpu.dma_semaphore, #tpu.memory_space<semaphore_mem>>)
    %scan3A_20 = arith.constant 0 : i32
    %scan3A_21 = arith.constant 0 : i32
    %scan3A_22 = arith.constant 16 : i32
    %scan3A_23 = arith.addi %scan3A_21, %scan3A_22 : i32
    %scan3A_24 = arith.constant 1 : i32
    scf.for %scan3A_32 = %scan3A_21 to %scan3A_23 step %scan3A_24  : i32 {
      %mul3A_33 = arith.constant 2 : i32
      %mul3A_34 = arith.muli %scan3A_32, %mul3A_33 : i32
      %add3A_35 = arith.constant 0 : i32
      %add3A_36 = arith.addi %mul3A_34, %add3A_35 : i32
      %mul3A_37 = arith.constant 5184 : i32
      %mul3A_38 = arith.muli %add3A_36, %mul3A_37 : i32
      %add3A_39 = arith.addi %mul3A_5, %mul3A_38 : i32
      %dma_wait3A = tpu.memref_slice %arg3[%add3A_39] : memref<331776xi32, #tpu.memory_space<hbm>> -> memref<5184xi32, #tpu.memory_space<hbm>>
      %dma_wait3A_40 = tpu.memref_slice %arg3[%add3A_39] : memref<331776xi32, #tpu.memory_space<hbm>> -> memref<5184xi32, #tpu.memory_space<hbm>>
      tpu.wait_dma2 semaphore(%arg15 : memref<!tpu.dma_semaphore, #tpu.memory_space<semaphore_mem>>) src(%dma_wait3A_40 : memref<5184xi32, #tpu.memory_space<hbm>>) dst(%arg8 : memref<5184xi32, #tpu.memory_space<vmem>>)
      %dma_wait3A_41 = tpu.memref_slice %arg4[%add3A_39] : memref<331776xi32, #tpu.memory_space<hbm>> -> memref<5184xi32, #tpu.memory_space<hbm>>
      %dma_wait3A_42 = tpu.memref_slice %arg4[%add3A_39] : memref<331776xi32, #tpu.memory_space<hbm>> -> memref<5184xi32, #tpu.memory_space<hbm>>
      tpu.wait_dma2 semaphore(%arg17 : memref<!tpu.dma_semaphore, #tpu.memory_space<semaphore_mem>>) src(%dma_wait3A_42 : memref<5184xi32, #tpu.memory_space<hbm>>) dst(%arg10 : memref<5184xi32, #tpu.memory_space<vmem>>)
      %parallel_loop3A = arith.constant 0 : i32
      %parallel_loop3A_43 = arith.constant 324 : i32
      %parallel_loop3A_44 = arith.constant 1 : i32
      scf.for %parallel_loop3A_66 = %parallel_loop3A to %parallel_loop3A_43 step %parallel_loop3A_44  : i32 {
        %parallel_loop3A_67 = arith.constant 16 : i32
        %parallel_loop3A_68 = arith.muli %parallel_loop3A_66, %parallel_loop3A_67 : i32
        %parallel_loop3A_69 = arith.index_cast %parallel_loop3A_68 : i32 to index
        %parallel_loop3A_70 = tpu.vector_load %arg8[%parallel_loop3A_69] {strides = array<i32>} : memref<5184xi32, #tpu.memory_space<vmem>>, vector<16xi32>,
        %parallel_loop3A_71 = arith.index_cast %parallel_loop3A_68 : i32 to index
        %parallel_loop3A_72 = tpu.vector_load %arg10[%parallel_loop3A_71] {strides = array<i32>} : memref<5184xi32, #tpu.memory_space<vmem>>, vector<16xi32>,
        %parallel_loop3A_73 = arith.constant 0 : i32
        %parallel_loop3A_74 = vector.broadcast %parallel_loop3A_73 : i32 to vector<16xi32>
        %parallel_loop3A_75 = tpu.vector_load_idx %arg12[%parallel_loop3A_74, %parallel_loop3A_70] : memref<3x10240xf32, #tpu.memory_space<vmem>>[vector<16xi32>, vector<16xi32>], vector<16xf32>,
        %parallel_loop3A_76 = arith.constant 1 : i32
        %parallel_loop3A_77 = vector.broadcast %parallel_loop3A_76 : i32 to vector<16xi32>
        %parallel_loop3A_78 = tpu.vector_load_idx %arg12[%parallel_loop3A_77, %parallel_loop3A_70] : memref<3x10240xf32, #tpu.memory_space<vmem>>[vector<16xi32>, vector<16xi32>], vector<16xf32>,
        %parallel_loop3A_79 = arith.constant 2 : i32
        %parallel_loop3A_80 = vector.broadcast %parallel_loop3A_79 : i32 to vector<16xi32>
        %parallel_loop3A_81 = tpu.vector_load_idx %arg12[%parallel_loop3A_80, %parallel_loop3A_70] : memref<3x10240xf32, #tpu.memory_space<vmem>>[vector<16xi32>, vector<16xi32>], vector<16xf32>,
        %parallel_loop3A_82 = arith.constant 0 : i32
        %parallel_loop3A_83 = vector.broadcast %parallel_loop3A_82 : i32 to vector<16xi32>
        tpu.vector_store_idx %arg13[%parallel_loop3A_83, %parallel_loop3A_72], %parallel_loop3A_75 {add = true} : memref<3x10240xf32, #tpu.memory_space<vmem>>[vector<16xi32>, vector<16xi32>], vector<16xf32>,
        %parallel_loop3A_84 = arith.constant 1 : i32
        %parallel_loop3A_85 = vector.broadcast %parallel_loop3A_84 : i32 to vector<16xi32>
        tpu.vector_store_idx %arg13[%parallel_loop3A_85, %parallel_loop3A_72], %parallel_loop3A_78 {add = true} : memref<3x10240xf32, #tpu.memory_space<vmem>>[vector<16xi32>, vector<16xi32>], vector<16xf32>,
        %parallel_loop3A_86 = arith.constant 2 : i32
        %parallel_loop3A_87 = vector.broadcast %parallel_loop3A_86 : i32 to vector<16xi32>
        tpu.vector_store_idx %arg13[%parallel_loop3A_87, %parallel_loop3A_72], %parallel_loop3A_81 {add = true} : memref<3x10240xf32, #tpu.memory_space<vmem>>[vector<16xi32>, vector<16xi32>], vector<16xf32>,
      } {sc.loop_unroll_factor = 16 : i64, sc.parallel_access}
      %lt3A = arith.constant 30 : i32
      %lt3A_45 = arith.cmpi slt, %add3A_36, %lt3A : i32
      %convert_element_type3A = arith.extui %lt3A_45 : i1 to i32
      %cond3A = arith.constant 0 : i32
      %cond3A_46 = arith.cmpi ne, %convert_element_type3A, %cond3A : i32
      scf.if %cond3A_46 {
        %add3A_66 = arith.constant 2 : i32
        %add3A_67 = arith.addi %add3A_36, %add3A_66 : i32
        %mul3A_68 = arith.constant 5184 : i32
        %mul3A_69 = arith.muli %add3A_67, %mul3A_68 : i32
        %add3A_70 = arith.addi %mul3A_5, %mul3A_69 : i32
        %dma_start3A_71 = tpu.memref_slice %arg3[%add3A_70] : memref<331776xi32, #tpu.memory_space<hbm>> -> memref<5184xi32, #tpu.memory_space<hbm>>
        %dma_start3A_72 = tpu.memref_slice %arg3[%add3A_70] : memref<331776xi32, #tpu.memory_space<hbm>> -> memref<5184xi32, #tpu.memory_space<hbm>>
        tpu.enqueue_dma source(%dma_start3A_72 : memref<5184xi32, #tpu.memory_space<hbm>>) target(%arg8 : memref<5184xi32, #tpu.memory_space<vmem>>) target_semaphore(%arg15 : memref<!tpu.dma_semaphore, #tpu.memory_space<semaphore_mem>>)
        %dma_start3A_73 = tpu.memref_slice %arg4[%add3A_70] : memref<331776xi32, #tpu.memory_space<hbm>> -> memref<5184xi32, #tpu.memory_space<hbm>>
        %dma_start3A_74 = tpu.memref_slice %arg4[%add3A_70] : memref<331776xi32, #tpu.memory_space<hbm>> -> memref<5184xi32, #tpu.memory_space<hbm>>
        tpu.enqueue_dma source(%dma_start3A_74 : memref<5184xi32, #tpu.memory_space<hbm>>) target(%arg10 : memref<5184xi32, #tpu.memory_space<vmem>>) target_semaphore(%arg17 : memref<!tpu.dma_semaphore, #tpu.memory_space<semaphore_mem>>)
      } else {
      }
      %mul3A_47 = arith.constant 2 : i32
      %mul3A_48 = arith.muli %scan3A_32, %mul3A_47 : i32
      %add3A_49 = arith.constant 1 : i32
      %add3A_50 = arith.addi %mul3A_48, %add3A_49 : i32
      %mul3A_51 = arith.constant 5184 : i32
      %mul3A_52 = arith.muli %add3A_50, %mul3A_51 : i32
      %add3A_53 = arith.addi %mul3A_5, %mul3A_52 : i32
      %dma_wait3A_54 = tpu.memref_slice %arg3[%add3A_53] : memref<331776xi32, #tpu.memory_space<hbm>> -> memref<5184xi32, #tpu.memory_space<hbm>>
      %dma_wait3A_55 = tpu.memref_slice %arg3[%add3A_53] : memref<331776xi32, #tpu.memory_space<hbm>> -> memref<5184xi32, #tpu.memory_space<hbm>>
      tpu.wait_dma2 semaphore(%arg16 : memref<!tpu.dma_semaphore, #tpu.memory_space<semaphore_mem>>) src(%dma_wait3A_55 : memref<5184xi32, #tpu.memory_space<hbm>>) dst(%arg9 : memref<5184xi32, #tpu.memory_space<vmem>>)
      %dma_wait3A_56 = tpu.memref_slice %arg4[%add3A_53] : memref<331776xi32, #tpu.memory_space<hbm>> -> memref<5184xi32, #tpu.memory_space<hbm>>
      %dma_wait3A_57 = tpu.memref_slice %arg4[%add3A_53] : memref<331776xi32, #tpu.memory_space<hbm>> -> memref<5184xi32, #tpu.memory_space<hbm>>
      tpu.wait_dma2 semaphore(%arg18 : memref<!tpu.dma_semaphore, #tpu.memory_space<semaphore_mem>>) src(%dma_wait3A_57 : memref<5184xi32, #tpu.memory_space<hbm>>) dst(%arg11 : memref<5184xi32, #tpu.memory_space<vmem>>)
      %parallel_loop3A_58 = arith.constant 0 : i32
      %parallel_loop3A_59 = arith.constant 324 : i32
      %parallel_loop3A_60 = arith.constant 1 : i32
      scf.for %parallel_loop3A_66 = %parallel_loop3A_58 to %parallel_loop3A_59 step %parallel_loop3A_60  : i32 {
        %parallel_loop3A_67 = arith.constant 16 : i32
        %parallel_loop3A_68 = arith.muli %parallel_loop3A_66, %parallel_loop3A_67 : i32
        %parallel_loop3A_69 = arith.index_cast %parallel_loop3A_68 : i32 to index
        %parallel_loop3A_70 = tpu.vector_load %arg9[%parallel_loop3A_69] {strides = array<i32>} : memref<5184xi32, #tpu.memory_space<vmem>>, vector<16xi32>,
        %parallel_loop3A_71 = arith.index_cast %parallel_loop3A_68 : i32 to index
        %parallel_loop3A_72 = tpu.vector_load %arg11[%parallel_loop3A_71] {strides = array<i32>} : memref<5184xi32, #tpu.memory_space<vmem>>, vector<16xi32>,
        %parallel_loop3A_73 = arith.constant 0 : i32
        %parallel_loop3A_74 = vector.broadcast %parallel_loop3A_73 : i32 to vector<16xi32>
        %parallel_loop3A_75 = tpu.vector_load_idx %arg12[%parallel_loop3A_74, %parallel_loop3A_70] : memref<3x10240xf32, #tpu.memory_space<vmem>>[vector<16xi32>, vector<16xi32>], vector<16xf32>,
        %parallel_loop3A_76 = arith.constant 1 : i32
        %parallel_loop3A_77 = vector.broadcast %parallel_loop3A_76 : i32 to vector<16xi32>
        %parallel_loop3A_78 = tpu.vector_load_idx %arg12[%parallel_loop3A_77, %parallel_loop3A_70] : memref<3x10240xf32, #tpu.memory_space<vmem>>[vector<16xi32>, vector<16xi32>], vector<16xf32>,
        %parallel_loop3A_79 = arith.constant 2 : i32
        %parallel_loop3A_80 = vector.broadcast %parallel_loop3A_79 : i32 to vector<16xi32>
        %parallel_loop3A_81 = tpu.vector_load_idx %arg12[%parallel_loop3A_80, %parallel_loop3A_70] : memref<3x10240xf32, #tpu.memory_space<vmem>>[vector<16xi32>, vector<16xi32>], vector<16xf32>,
        %parallel_loop3A_82 = arith.constant 0 : i32
        %parallel_loop3A_83 = vector.broadcast %parallel_loop3A_82 : i32 to vector<16xi32>
        tpu.vector_store_idx %arg13[%parallel_loop3A_83, %parallel_loop3A_72], %parallel_loop3A_75 {add = true} : memref<3x10240xf32, #tpu.memory_space<vmem>>[vector<16xi32>, vector<16xi32>], vector<16xf32>,
        %parallel_loop3A_84 = arith.constant 1 : i32
        %parallel_loop3A_85 = vector.broadcast %parallel_loop3A_84 : i32 to vector<16xi32>
        tpu.vector_store_idx %arg13[%parallel_loop3A_85, %parallel_loop3A_72], %parallel_loop3A_78 {add = true} : memref<3x10240xf32, #tpu.memory_space<vmem>>[vector<16xi32>, vector<16xi32>], vector<16xf32>,
        %parallel_loop3A_86 = arith.constant 2 : i32
        %parallel_loop3A_87 = vector.broadcast %parallel_loop3A_86 : i32 to vector<16xi32>
        tpu.vector_store_idx %arg13[%parallel_loop3A_87, %parallel_loop3A_72], %parallel_loop3A_81 {add = true} : memref<3x10240xf32, #tpu.memory_space<vmem>>[vector<16xi32>, vector<16xi32>], vector<16xf32>,
      } {sc.loop_unroll_factor = 16 : i64, sc.parallel_access}
      %lt3A_61 = arith.constant 30 : i32
      %lt3A_62 = arith.cmpi slt, %add3A_50, %lt3A_61 : i32
      %convert_element_type3A_63 = arith.extui %lt3A_62 : i1 to i32
      %cond3A_64 = arith.constant 0 : i32
      %cond3A_65 = arith.cmpi ne, %convert_element_type3A_63, %cond3A_64 : i32
      scf.if %cond3A_65 {
        %add3A_66 = arith.constant 2 : i32
        %add3A_67 = arith.addi %add3A_50, %add3A_66 : i32
        %mul3A_68 = arith.constant 5184 : i32
        %mul3A_69 = arith.muli %add3A_67, %mul3A_68 : i32
        %add3A_70 = arith.addi %mul3A_5, %mul3A_69 : i32
        %dma_start3A_71 = tpu.memref_slice %arg3[%add3A_70] : memref<331776xi32, #tpu.memory_space<hbm>> -> memref<5184xi32, #tpu.memory_space<hbm>>
        %dma_start3A_72 = tpu.memref_slice %arg3[%add3A_70] : memref<331776xi32, #tpu.memory_space<hbm>> -> memref<5184xi32, #tpu.memory_space<hbm>>
        tpu.enqueue_dma source(%dma_start3A_72 : memref<5184xi32, #tpu.memory_space<hbm>>) target(%arg9 : memref<5184xi32, #tpu.memory_space<vmem>>) target_semaphore(%arg16 : memref<!tpu.dma_semaphore, #tpu.memory_space<semaphore_mem>>)
        %dma_start3A_73 = tpu.memref_slice %arg4[%add3A_70] : memref<331776xi32, #tpu.memory_space<hbm>> -> memref<5184xi32, #tpu.memory_space<hbm>>
        %dma_start3A_74 = tpu.memref_slice %arg4[%add3A_70] : memref<331776xi32, #tpu.memory_space<hbm>> -> memref<5184xi32, #tpu.memory_space<hbm>>
        tpu.enqueue_dma source(%dma_start3A_74 : memref<5184xi32, #tpu.memory_space<hbm>>) target(%arg11 : memref<5184xi32, #tpu.memory_space<vmem>>) target_semaphore(%arg18 : memref<!tpu.dma_semaphore, #tpu.memory_space<semaphore_mem>>)
      } else {
      }
    }
    %scan3A_25 = arith.constant 16 : i32
    %scan3A_26 = arith.constant 0 : i32
    %scan3A_27 = arith.constant 0 : i32
    %scan3A_28 = arith.constant 640 : i32
    %scan3A_29 = arith.addi %scan3A_27, %scan3A_28 : i32
    %scan3A_30 = arith.constant 1 : i32
    scf.for %scan3A_32 = %scan3A_27 to %scan3A_29 step %scan3A_30  : i32 {
      %mul3A_33 = arith.constant 16 : i32
      %mul3A_34 = arith.muli %scan3A_32, %mul3A_33 : i32
      %get3A = arith.index_cast %mul3A_34 : i32 to index
      %get3A_35 = tpu.vector_load %arg14[%get3A] {strides = array<i32>} : memref<10240xf32, #tpu.memory_space<vmem>>, vector<16xf32>,
      %get3A_36 = arith.constant 0 : i32
      %get3A_37 = arith.index_cast %get3A_36 : i32 to index
      %get3A_38 = arith.index_cast %mul3A_34 : i32 to index
      %get3A_39 = tpu.vector_load %arg13[%get3A_37, %get3A_38] {strides = array<i32>} : memref<3x10240xf32, #tpu.memory_space<vmem>>, vector<16xf32>,
      %mul3A_40 = arith.mulf %get3A_39, %get3A_35 : vector<16xf32>
      %swap3A = arith.constant 0 : i32
      %swap3A_41 = arith.index_cast %swap3A : i32 to index
      %swap3A_42 = arith.index_cast %mul3A_34 : i32 to index
      %swap3A_43 = tpu.vector_load %arg13[%swap3A_41, %swap3A_42] {strides = array<i32>} : memref<3x10240xf32, #tpu.memory_space<vmem>>, vector<16xf32>,
      tpu.vector_store %arg13[%swap3A_41, %swap3A_42], %mul3A_40 {strides = array<i32>} : memref<3x10240xf32, #tpu.memory_space<vmem>>, vector<16xf32>,
      %get3A_44 = arith.constant 1 : i32
      %get3A_45 = arith.index_cast %get3A_44 : i32 to index
      %get3A_46 = arith.index_cast %mul3A_34 : i32 to index
      %get3A_47 = tpu.vector_load %arg13[%get3A_45, %get3A_46] {strides = array<i32>} : memref<3x10240xf32, #tpu.memory_space<vmem>>, vector<16xf32>,
      %mul3A_48 = arith.mulf %get3A_47, %get3A_35 : vector<16xf32>
      %swap3A_49 = arith.constant 1 : i32
      %swap3A_50 = arith.index_cast %swap3A_49 : i32 to index
      %swap3A_51 = arith.index_cast %mul3A_34 : i32 to index
      %swap3A_52 = tpu.vector_load %arg13[%swap3A_50, %swap3A_51] {strides = array<i32>} : memref<3x10240xf32, #tpu.memory_space<vmem>>, vector<16xf32>,
      tpu.vector_store %arg13[%swap3A_50, %swap3A_51], %mul3A_48 {strides = array<i32>} : memref<3x10240xf32, #tpu.memory_space<vmem>>, vector<16xf32>,
      %get3A_53 = arith.constant 2 : i32
      %get3A_54 = arith.index_cast %get3A_53 : i32 to index
      %get3A_55 = arith.index_cast %mul3A_34 : i32 to index
      %get3A_56 = tpu.vector_load %arg13[%get3A_54, %get3A_55] {strides = array<i32>} : memref<3x10240xf32, #tpu.memory_space<vmem>>, vector<16xf32>,
      %mul3A_57 = arith.mulf %get3A_56, %get3A_35 : vector<16xf32>
      %swap3A_58 = arith.constant 2 : i32
      %swap3A_59 = arith.index_cast %swap3A_58 : i32 to index
      %swap3A_60 = arith.index_cast %mul3A_34 : i32 to index
      %swap3A_61 = tpu.vector_load %arg13[%swap3A_59, %swap3A_60] {strides = array<i32>} : memref<3x10240xf32, #tpu.memory_space<vmem>>, vector<16xf32>,
      tpu.vector_store %arg13[%swap3A_59, %swap3A_60], %mul3A_57 {strides = array<i32>} : memref<3x10240xf32, #tpu.memory_space<vmem>>, vector<16xf32>,
    }
    %scan3A_31 = arith.constant 640 : i32
    "tpu.region"() ({
      %run_scoped3A = tpu.sem_alloc : memref<!tpu.dma_semaphore, #tpu.memory_space<semaphore_mem>>
      %dma_start3A_32 = arith.constant 0 : i32
      %dma_start3A_33 = arith.constant 0 : i32
      %dma_start3A_34 = tpu.memref_slice %arg7[%arg0, %arg1, %dma_start3A_32, %dma_start3A_33] : memref<2x16x3x10240xf32, #tpu.memory_space<hbm>> -> memref<1x1x3x10240xf32, #tpu.memory_space<hbm>>
      %dma_start3A_35 = tpu.memref_squeeze %dma_start3A_34 : memref<1x1x3x10240xf32, #tpu.memory_space<hbm>> -> memref<3x10240xf32, #tpu.memory_space<hbm>>
      %dma_start3A_36 = arith.constant 0 : i32
      %dma_start3A_37 = arith.constant 0 : i32
      %dma_start3A_38 = tpu.memref_slice %arg7[%arg0, %arg1, %dma_start3A_36, %dma_start3A_37] : memref<2x16x3x10240xf32, #tpu.memory_space<hbm>> -> memref<1x1x3x10240xf32, #tpu.memory_space<hbm>>
      %dma_start3A_39 = tpu.memref_squeeze %dma_start3A_38 : memref<1x1x3x10240xf32, #tpu.memory_space<hbm>> -> memref<3x10240xf32, #tpu.memory_space<hbm>>
      tpu.enqueue_dma source(%arg13 : memref<3x10240xf32, #tpu.memory_space<vmem>>) target(%dma_start3A_39 : memref<3x10240xf32, #tpu.memory_space<hbm>>) target_semaphore(%run_scoped3A : memref<!tpu.dma_semaphore, #tpu.memory_space<semaphore_mem>>)
      %dma_wait3A = arith.constant 0 : i32
      %dma_wait3A_40 = arith.constant 0 : i32
      %dma_wait3A_41 = tpu.memref_slice %arg7[%arg0, %arg1, %dma_wait3A, %dma_wait3A_40] : memref<2x16x3x10240xf32, #tpu.memory_space<hbm>> -> memref<1x1x3x10240xf32, #tpu.memory_space<hbm>>
      %dma_wait3A_42 = tpu.memref_squeeze %dma_wait3A_41 : memref<1x1x3x10240xf32, #tpu.memory_space<hbm>> -> memref<3x10240xf32, #tpu.memory_space<hbm>>
      %dma_wait3A_43 = arith.constant 0 : i32
      %dma_wait3A_44 = arith.constant 0 : i32
      %dma_wait3A_45 = tpu.memref_slice %arg7[%arg0, %arg1, %dma_wait3A_43, %dma_wait3A_44] : memref<2x16x3x10240xf32, #tpu.memory_space<hbm>> -> memref<1x1x3x10240xf32, #tpu.memory_space<hbm>>
      %dma_wait3A_46 = tpu.memref_squeeze %dma_wait3A_45 : memref<1x1x3x10240xf32, #tpu.memory_space<hbm>> -> memref<3x10240xf32, #tpu.memory_space<hbm>>
      tpu.wait_dma2 semaphore(%run_scoped3A : memref<!tpu.dma_semaphore, #tpu.memory_space<semaphore_mem>>) src(%arg13 : memref<3x10240xf32, #tpu.memory_space<vmem>>) dst(%dma_wait3A_46 : memref<3x10240xf32, #tpu.memory_space<hbm>>)
      tpu.yield
    }) : () -> ()
    return
  }
}

#map = affine_map<(d0, d1) -> (0)>
#map1 = affine_map<(d0, d1) -> (0, 0)>
#map2 = affine_map<(d0, d1) -> (0, 0, 0)>
module attributes {stable_mosaic.version = 14 : i64} {
  func.func @_deg_body(%arg0: i32, %arg1: i32, %arg2: memref<331776xi32, #tpu.memory_space<hbm>>, %arg3: memref<1x10240xf32, #tpu.memory_space<hbm>>, %arg4: memref<32x1x10240xf32, #tpu.memory_space<hbm>>, %arg5: memref<10368xi32, #tpu.memory_space<vmem>>, %arg6: memref<1x10240xf32, #tpu.memory_space<vmem>>, %arg7: memref<!tpu.dma_semaphore, #tpu.memory_space<semaphore_mem>>) attributes {dimension_semantics = [#tpu.dimension_semantics<core_parallel>, #tpu.dimension_semantics<subcore_parallel>], iteration_bounds = array<i64: 2, 16>, scalar_prefetch = 0 : i64, scratch_operands = 3 : i64, tpu.core_type = #tpu.core_type<sc_vector_subcore>, window_params = [{transform_indices = #map}, {transform_indices = #map1}, {transform_indices = #map2}]} {
    %mul3A = arith.constant 16 : i32
    %mul3A_0 = arith.muli %arg0, %mul3A : i32
    %add3A = arith.addi %mul3A_0, %arg1 : i32
    "tpu.region"() ({
      %run_scoped3A = tpu.sem_alloc : memref<!tpu.dma_semaphore, #tpu.memory_space<semaphore_mem>>
      tpu.enqueue_dma source(%arg3 : memref<1x10240xf32, #tpu.memory_space<hbm>>) target(%arg6 : memref<1x10240xf32, #tpu.memory_space<vmem>>) target_semaphore(%run_scoped3A : memref<!tpu.dma_semaphore, #tpu.memory_space<semaphore_mem>>)
      tpu.wait_dma2 semaphore(%run_scoped3A : memref<!tpu.dma_semaphore, #tpu.memory_space<semaphore_mem>>) src(%arg3 : memref<1x10240xf32, #tpu.memory_space<hbm>>) dst(%arg6 : memref<1x10240xf32, #tpu.memory_space<vmem>>)
      tpu.yield
    }) : () -> ()
    %mul3A_1 = arith.constant 10368 : i32
    %mul3A_2 = arith.muli %add3A, %mul3A_1 : i32
    "tpu.region"() ({
      %run_scoped3A = tpu.sem_alloc : memref<!tpu.dma_semaphore, #tpu.memory_space<semaphore_mem>>
      %dma_start3A = tpu.memref_slice %arg2[%mul3A_2] : memref<331776xi32, #tpu.memory_space<hbm>> -> memref<10368xi32, #tpu.memory_space<hbm>>
      %dma_start3A_11 = tpu.memref_slice %arg2[%mul3A_2] : memref<331776xi32, #tpu.memory_space<hbm>> -> memref<10368xi32, #tpu.memory_space<hbm>>
      tpu.enqueue_dma source(%dma_start3A_11 : memref<10368xi32, #tpu.memory_space<hbm>>) target(%arg5 : memref<10368xi32, #tpu.memory_space<vmem>>) target_semaphore(%run_scoped3A : memref<!tpu.dma_semaphore, #tpu.memory_space<semaphore_mem>>)
      %dma_wait3A = tpu.memref_slice %arg2[%mul3A_2] : memref<331776xi32, #tpu.memory_space<hbm>> -> memref<10368xi32, #tpu.memory_space<hbm>>
      %dma_wait3A_12 = tpu.memref_slice %arg2[%mul3A_2] : memref<331776xi32, #tpu.memory_space<hbm>> -> memref<10368xi32, #tpu.memory_space<hbm>>
      tpu.wait_dma2 semaphore(%run_scoped3A : memref<!tpu.dma_semaphore, #tpu.memory_space<semaphore_mem>>) src(%dma_wait3A_12 : memref<10368xi32, #tpu.memory_space<hbm>>) dst(%arg5 : memref<10368xi32, #tpu.memory_space<vmem>>)
      tpu.yield
    }) : () -> ()
    %broadcast_in_dim3A = arith.constant 1.000000e+00 : f32
    %broadcast_in_dim3A_3 = vector.broadcast %broadcast_in_dim3A : f32 to vector<16xf32>
    %broadcast_in_dim3A_4 = arith.constant 0 : i32
    %broadcast_in_dim3A_5 = vector.broadcast %broadcast_in_dim3A_4 : i32 to vector<16xi32>
    %scan3A = arith.constant 0 : i32
    %scan3A_6 = arith.constant 0 : i32
    %scan3A_7 = arith.constant 648 : i32
    %scan3A_8 = arith.addi %scan3A_6, %scan3A_7 : i32
    %scan3A_9 = arith.constant 1 : i32
    scf.for %scan3A_11 = %scan3A_6 to %scan3A_8 step %scan3A_9  : i32 {
      %mul3A_12 = arith.constant 16 : i32
      %mul3A_13 = arith.muli %scan3A_11, %mul3A_12 : i32
      %get3A = arith.index_cast %mul3A_13 : i32 to index
      %get3A_14 = tpu.vector_load %arg5[%get3A] {strides = array<i32>} : memref<10368xi32, #tpu.memory_space<vmem>>, vector<16xi32>,
      tpu.vector_store_idx %arg6[%broadcast_in_dim3A_5, %get3A_14], %broadcast_in_dim3A_3 {add = true} : memref<1x10240xf32, #tpu.memory_space<vmem>>[vector<16xi32>, vector<16xi32>], vector<16xf32>,
    }
    %scan3A_10 = arith.constant 648 : i32
    "tpu.region"() ({
      %run_scoped3A = tpu.sem_alloc : memref<!tpu.dma_semaphore, #tpu.memory_space<semaphore_mem>>
      %dma_start3A = arith.constant 0 : i32
      %dma_start3A_11 = arith.constant 0 : i32
      %dma_start3A_12 = tpu.memref_slice %arg4[%add3A, %dma_start3A, %dma_start3A_11] : memref<32x1x10240xf32, #tpu.memory_space<hbm>> -> memref<1x1x10240xf32, #tpu.memory_space<hbm>>
      %dma_start3A_13 = tpu.memref_squeeze %dma_start3A_12 : memref<1x1x10240xf32, #tpu.memory_space<hbm>> -> memref<1x10240xf32, #tpu.memory_space<hbm>>
      %dma_start3A_14 = arith.constant 0 : i32
      %dma_start3A_15 = arith.constant 0 : i32
      %dma_start3A_16 = tpu.memref_slice %arg4[%add3A, %dma_start3A_14, %dma_start3A_15] : memref<32x1x10240xf32, #tpu.memory_space<hbm>> -> memref<1x1x10240xf32, #tpu.memory_space<hbm>>
      %dma_start3A_17 = tpu.memref_squeeze %dma_start3A_16 : memref<1x1x10240xf32, #tpu.memory_space<hbm>> -> memref<1x10240xf32, #tpu.memory_space<hbm>>
      tpu.enqueue_dma source(%arg6 : memref<1x10240xf32, #tpu.memory_space<vmem>>) target(%dma_start3A_17 : memref<1x10240xf32, #tpu.memory_space<hbm>>) target_semaphore(%run_scoped3A : memref<!tpu.dma_semaphore, #tpu.memory_space<semaphore_mem>>)
      %dma_wait3A = arith.constant 0 : i32
      %dma_wait3A_18 = arith.constant 0 : i32
      %dma_wait3A_19 = tpu.memref_slice %arg4[%add3A, %dma_wait3A, %dma_wait3A_18] : memref<32x1x10240xf32, #tpu.memory_space<hbm>> -> memref<1x1x10240xf32, #tpu.memory_space<hbm>>
      %dma_wait3A_20 = tpu.memref_squeeze %dma_wait3A_19 : memref<1x1x10240xf32, #tpu.memory_space<hbm>> -> memref<1x10240xf32, #tpu.memory_space<hbm>>
      %dma_wait3A_21 = arith.constant 0 : i32
      %dma_wait3A_22 = arith.constant 0 : i32
      %dma_wait3A_23 = tpu.memref_slice %arg4[%add3A, %dma_wait3A_21, %dma_wait3A_22] : memref<32x1x10240xf32, #tpu.memory_space<hbm>> -> memref<1x1x10240xf32, #tpu.memory_space<hbm>>
      %dma_wait3A_24 = tpu.memref_squeeze %dma_wait3A_23 : memref<1x1x10240xf32, #tpu.memory_space<hbm>> -> memref<1x10240xf32, #tpu.memory_space<hbm>>
      tpu.wait_dma2 semaphore(%run_scoped3A : memref<!tpu.dma_semaphore, #tpu.memory_space<semaphore_mem>>) src(%arg6 : memref<1x10240xf32, #tpu.memory_space<vmem>>) dst(%dma_wait3A_24 : memref<1x10240xf32, #tpu.memory_space<hbm>>)
      tpu.yield
    }) : () -> ()
    return
  }
}

#map = affine_map<(d0, d1) -> (0, 0, 0)>
#map1 = affine_map<(d0, d1) -> (0)>
#map2 = affine_map<(d0, d1) -> (0, 0)>
#map3 = affine_map<(d0, d1) -> (0, 0, 0, 0)>
module attributes {stable_mosaic.version = 14 : i64} {
  func.func @_scat_body(%arg0: i32, %arg1: i32, %arg2: memref<16x4x10240xf32, #tpu.memory_space<hbm>>, %arg3: memref<331776xi32, #tpu.memory_space<hbm>>, %arg4: memref<331776xi32, #tpu.memory_space<hbm>>, %arg5: memref<10240xf32, #tpu.memory_space<hbm>>, %arg6: memref<4x10240xf32, #tpu.memory_space<hbm>>, %arg7: memref<2x16x4x10240xf32, #tpu.memory_space<hbm>>, %arg8: memref<5184xi32, #tpu.memory_space<vmem>>, %arg9: memref<5184xi32, #tpu.memory_space<vmem>>, %arg10: memref<5184xi32, #tpu.memory_space<vmem>>, %arg11: memref<5184xi32, #tpu.memory_space<vmem>>, %arg12: memref<4x10240xf32, #tpu.memory_space<vmem>>, %arg13: memref<4x10240xf32, #tpu.memory_space<vmem>>, %arg14: memref<10240xf32, #tpu.memory_space<vmem>>, %arg15: memref<!tpu.dma_semaphore, #tpu.memory_space<semaphore_mem>>, %arg16: memref<!tpu.dma_semaphore, #tpu.memory_space<semaphore_mem>>, %arg17: memref<!tpu.dma_semaphore, #tpu.memory_space<semaphore_mem>>, %arg18: memref<!tpu.dma_semaphore, #tpu.memory_space<semaphore_mem>>) attributes {dimension_semantics = [#tpu.dimension_semantics<core_parallel>, #tpu.dimension_semantics<subcore_parallel>], iteration_bounds = array<i64: 2, 16>, scalar_prefetch = 0 : i64, scratch_operands = 11 : i64, tpu.core_type = #tpu.core_type<sc_vector_subcore>, window_params = [{transform_indices = #map}, {transform_indices = #map1}, {transform_indices = #map1}, {transform_indices = #map1}, {transform_indices = #map2}, {transform_indices = #map3}]} {
    "tpu.region"() ({
      %run_scoped3A = tpu.sem_alloc : memref<!tpu.dma_semaphore, #tpu.memory_space<semaphore_mem>>
      %dma_start3A_32 = arith.constant 0 : i32
      %dma_start3A_33 = arith.constant 0 : i32
      %dma_start3A_34 = tpu.memref_slice %arg2[%arg1, %dma_start3A_32, %dma_start3A_33] : memref<16x4x10240xf32, #tpu.memory_space<hbm>> -> memref<1x4x10240xf32, #tpu.memory_space<hbm>>
      %dma_start3A_35 = tpu.memref_squeeze %dma_start3A_34 : memref<1x4x10240xf32, #tpu.memory_space<hbm>> -> memref<4x10240xf32, #tpu.memory_space<hbm>>
      %dma_start3A_36 = arith.constant 0 : i32
      %dma_start3A_37 = arith.constant 0 : i32
      %dma_start3A_38 = tpu.memref_slice %arg2[%arg1, %dma_start3A_36, %dma_start3A_37] : memref<16x4x10240xf32, #tpu.memory_space<hbm>> -> memref<1x4x10240xf32, #tpu.memory_space<hbm>>
      %dma_start3A_39 = tpu.memref_squeeze %dma_start3A_38 : memref<1x4x10240xf32, #tpu.memory_space<hbm>> -> memref<4x10240xf32, #tpu.memory_space<hbm>>
      tpu.enqueue_dma source(%dma_start3A_39 : memref<4x10240xf32, #tpu.memory_space<hbm>>) target(%arg12 : memref<4x10240xf32, #tpu.memory_space<vmem>>) target_semaphore(%run_scoped3A : memref<!tpu.dma_semaphore, #tpu.memory_space<semaphore_mem>>)
      %dma_wait3A = arith.constant 0 : i32
      %dma_wait3A_40 = arith.constant 0 : i32
      %dma_wait3A_41 = tpu.memref_slice %arg2[%arg1, %dma_wait3A, %dma_wait3A_40] : memref<16x4x10240xf32, #tpu.memory_space<hbm>> -> memref<1x4x10240xf32, #tpu.memory_space<hbm>>
      %dma_wait3A_42 = tpu.memref_squeeze %dma_wait3A_41 : memref<1x4x10240xf32, #tpu.memory_space<hbm>> -> memref<4x10240xf32, #tpu.memory_space<hbm>>
      %dma_wait3A_43 = arith.constant 0 : i32
      %dma_wait3A_44 = arith.constant 0 : i32
      %dma_wait3A_45 = tpu.memref_slice %arg2[%arg1, %dma_wait3A_43, %dma_wait3A_44] : memref<16x4x10240xf32, #tpu.memory_space<hbm>> -> memref<1x4x10240xf32, #tpu.memory_space<hbm>>
      %dma_wait3A_46 = tpu.memref_squeeze %dma_wait3A_45 : memref<1x4x10240xf32, #tpu.memory_space<hbm>> -> memref<4x10240xf32, #tpu.memory_space<hbm>>
      tpu.wait_dma2 semaphore(%run_scoped3A : memref<!tpu.dma_semaphore, #tpu.memory_space<semaphore_mem>>) src(%dma_wait3A_46 : memref<4x10240xf32, #tpu.memory_space<hbm>>) dst(%arg12 : memref<4x10240xf32, #tpu.memory_space<vmem>>)
      tpu.yield
    }) : () -> ()
    "tpu.region"() ({
      %run_scoped3A = tpu.sem_alloc : memref<!tpu.dma_semaphore, #tpu.memory_space<semaphore_mem>>
      tpu.enqueue_dma source(%arg6 : memref<4x10240xf32, #tpu.memory_space<hbm>>) target(%arg13 : memref<4x10240xf32, #tpu.memory_space<vmem>>) target_semaphore(%run_scoped3A : memref<!tpu.dma_semaphore, #tpu.memory_space<semaphore_mem>>)
      tpu.wait_dma2 semaphore(%run_scoped3A : memref<!tpu.dma_semaphore, #tpu.memory_space<semaphore_mem>>) src(%arg6 : memref<4x10240xf32, #tpu.memory_space<hbm>>) dst(%arg13 : memref<4x10240xf32, #tpu.memory_space<vmem>>)
      tpu.yield
    }) : () -> ()
    "tpu.region"() ({
      %run_scoped3A = tpu.sem_alloc : memref<!tpu.dma_semaphore, #tpu.memory_space<semaphore_mem>>
      tpu.enqueue_dma source(%arg5 : memref<10240xf32, #tpu.memory_space<hbm>>) target(%arg14 : memref<10240xf32, #tpu.memory_space<vmem>>) target_semaphore(%run_scoped3A : memref<!tpu.dma_semaphore, #tpu.memory_space<semaphore_mem>>)
      tpu.wait_dma2 semaphore(%run_scoped3A : memref<!tpu.dma_semaphore, #tpu.memory_space<semaphore_mem>>) src(%arg5 : memref<10240xf32, #tpu.memory_space<hbm>>) dst(%arg14 : memref<10240xf32, #tpu.memory_space<vmem>>)
      tpu.yield
    }) : () -> ()
    %scan3A = arith.constant 0 : i32
    %scan3A_0 = arith.constant 0 : i32
    %scan3A_1 = arith.constant 640 : i32
    %scan3A_2 = arith.addi %scan3A_0, %scan3A_1 : i32
    %scan3A_3 = arith.constant 1 : i32
    scf.for %scan3A_32 = %scan3A_0 to %scan3A_2 step %scan3A_3  : i32 {
      %mul3A_33 = arith.constant 16 : i32
      %mul3A_34 = arith.muli %scan3A_32, %mul3A_33 : i32
      %get3A = arith.index_cast %mul3A_34 : i32 to index
      %get3A_35 = tpu.vector_load %arg14[%get3A] {strides = array<i32>} : memref<10240xf32, #tpu.memory_space<vmem>>, vector<16xf32>,
      %get3A_36 = arith.constant 0 : i32
      %get3A_37 = arith.index_cast %get3A_36 : i32 to index
      %get3A_38 = arith.index_cast %mul3A_34 : i32 to index
      %get3A_39 = tpu.vector_load %arg12[%get3A_37, %get3A_38] {strides = array<i32>} : memref<4x10240xf32, #tpu.memory_space<vmem>>, vector<16xf32>,
      %mul3A_40 = arith.mulf %get3A_39, %get3A_35 : vector<16xf32>
      %swap3A = arith.constant 0 : i32
      %swap3A_41 = arith.index_cast %swap3A : i32 to index
      %swap3A_42 = arith.index_cast %mul3A_34 : i32 to index
      %swap3A_43 = tpu.vector_load %arg12[%swap3A_41, %swap3A_42] {strides = array<i32>} : memref<4x10240xf32, #tpu.memory_space<vmem>>, vector<16xf32>,
      tpu.vector_store %arg12[%swap3A_41, %swap3A_42], %mul3A_40 {strides = array<i32>} : memref<4x10240xf32, #tpu.memory_space<vmem>>, vector<16xf32>,
      %get3A_44 = arith.constant 1 : i32
      %get3A_45 = arith.index_cast %get3A_44 : i32 to index
      %get3A_46 = arith.index_cast %mul3A_34 : i32 to index
      %get3A_47 = tpu.vector_load %arg12[%get3A_45, %get3A_46] {strides = array<i32>} : memref<4x10240xf32, #tpu.memory_space<vmem>>, vector<16xf32>,
      %mul3A_48 = arith.mulf %get3A_47, %get3A_35 : vector<16xf32>
      %swap3A_49 = arith.constant 1 : i32
      %swap3A_50 = arith.index_cast %swap3A_49 : i32 to index
      %swap3A_51 = arith.index_cast %mul3A_34 : i32 to index
      %swap3A_52 = tpu.vector_load %arg12[%swap3A_50, %swap3A_51] {strides = array<i32>} : memref<4x10240xf32, #tpu.memory_space<vmem>>, vector<16xf32>,
      tpu.vector_store %arg12[%swap3A_50, %swap3A_51], %mul3A_48 {strides = array<i32>} : memref<4x10240xf32, #tpu.memory_space<vmem>>, vector<16xf32>,
      %get3A_53 = arith.constant 2 : i32
      %get3A_54 = arith.index_cast %get3A_53 : i32 to index
      %get3A_55 = arith.index_cast %mul3A_34 : i32 to index
      %get3A_56 = tpu.vector_load %arg12[%get3A_54, %get3A_55] {strides = array<i32>} : memref<4x10240xf32, #tpu.memory_space<vmem>>, vector<16xf32>,
      %mul3A_57 = arith.mulf %get3A_56, %get3A_35 : vector<16xf32>
      %swap3A_58 = arith.constant 2 : i32
      %swap3A_59 = arith.index_cast %swap3A_58 : i32 to index
      %swap3A_60 = arith.index_cast %mul3A_34 : i32 to index
      %swap3A_61 = tpu.vector_load %arg12[%swap3A_59, %swap3A_60] {strides = array<i32>} : memref<4x10240xf32, #tpu.memory_space<vmem>>, vector<16xf32>,
      tpu.vector_store %arg12[%swap3A_59, %swap3A_60], %mul3A_57 {strides = array<i32>} : memref<4x10240xf32, #tpu.memory_space<vmem>>, vector<16xf32>,
      %get3A_62 = arith.constant 3 : i32
      %get3A_63 = arith.index_cast %get3A_62 : i32 to index
      %get3A_64 = arith.index_cast %mul3A_34 : i32 to index
      %get3A_65 = tpu.vector_load %arg12[%get3A_63, %get3A_64] {strides = array<i32>} : memref<4x10240xf32, #tpu.memory_space<vmem>>, vector<16xf32>,
      %mul3A_66 = arith.mulf %get3A_65, %get3A_35 : vector<16xf32>
      %swap3A_67 = arith.constant 3 : i32
      %swap3A_68 = arith.index_cast %swap3A_67 : i32 to index
      %swap3A_69 = arith.index_cast %mul3A_34 : i32 to index
      %swap3A_70 = tpu.vector_load %arg12[%swap3A_68, %swap3A_69] {strides = array<i32>} : memref<4x10240xf32, #tpu.memory_space<vmem>>, vector<16xf32>,
      tpu.vector_store %arg12[%swap3A_68, %swap3A_69], %mul3A_66 {strides = array<i32>} : memref<4x10240xf32, #tpu.memory_space<vmem>>, vector<16xf32>,
    }
    %scan3A_4 = arith.constant 640 : i32
    %mul3A = arith.constant 165888 : i32
    %mul3A_5 = arith.muli %arg0, %mul3A : i32
    %add3A = arith.constant 0 : i32
    %add3A_6 = arith.addi %mul3A_5, %add3A : i32
    %dma_start3A = tpu.memref_slice %arg3[%add3A_6] : memref<331776xi32, #tpu.memory_space<hbm>> -> memref<5184xi32, #tpu.memory_space<hbm>>
    %dma_start3A_7 = tpu.memref_slice %arg3[%add3A_6] : memref<331776xi32, #tpu.memory_space<hbm>> -> memref<5184xi32, #tpu.memory_space<hbm>>
    tpu.enqueue_dma source(%dma_start3A_7 : memref<5184xi32, #tpu.memory_space<hbm>>) target(%arg8 : memref<5184xi32, #tpu.memory_space<vmem>>) target_semaphore(%arg15 : memref<!tpu.dma_semaphore, #tpu.memory_space<semaphore_mem>>)
    %add3A_8 = arith.constant 0 : i32
    %add3A_9 = arith.addi %mul3A_5, %add3A_8 : i32
    %dma_start3A_10 = tpu.memref_slice %arg4[%add3A_9] : memref<331776xi32, #tpu.memory_space<hbm>> -> memref<5184xi32, #tpu.memory_space<hbm>>
    %dma_start3A_11 = tpu.memref_slice %arg4[%add3A_9] : memref<331776xi32, #tpu.memory_space<hbm>> -> memref<5184xi32, #tpu.memory_space<hbm>>
    tpu.enqueue_dma source(%dma_start3A_11 : memref<5184xi32, #tpu.memory_space<hbm>>) target(%arg10 : memref<5184xi32, #tpu.memory_space<vmem>>) target_semaphore(%arg17 : memref<!tpu.dma_semaphore, #tpu.memory_space<semaphore_mem>>)
    %add3A_12 = arith.constant 5184 : i32
    %add3A_13 = arith.addi %mul3A_5, %add3A_12 : i32
    %dma_start3A_14 = tpu.memref_slice %arg3[%add3A_13] : memref<331776xi32, #tpu.memory_space<hbm>> -> memref<5184xi32, #tpu.memory_space<hbm>>
    %dma_start3A_15 = tpu.memref_slice %arg3[%add3A_13] : memref<331776xi32, #tpu.memory_space<hbm>> -> memref<5184xi32, #tpu.memory_space<hbm>>
    tpu.enqueue_dma source(%dma_start3A_15 : memref<5184xi32, #tpu.memory_space<hbm>>) target(%arg9 : memref<5184xi32, #tpu.memory_space<vmem>>) target_semaphore(%arg16 : memref<!tpu.dma_semaphore, #tpu.memory_space<semaphore_mem>>)
    %add3A_16 = arith.constant 5184 : i32
    %add3A_17 = arith.addi %mul3A_5, %add3A_16 : i32
    %dma_start3A_18 = tpu.memref_slice %arg4[%add3A_17] : memref<331776xi32, #tpu.memory_space<hbm>> -> memref<5184xi32, #tpu.memory_space<hbm>>
    %dma_start3A_19 = tpu.memref_slice %arg4[%add3A_17] : memref<331776xi32, #tpu.memory_space<hbm>> -> memref<5184xi32, #tpu.memory_space<hbm>>
    tpu.enqueue_dma source(%dma_start3A_19 : memref<5184xi32, #tpu.memory_space<hbm>>) target(%arg11 : memref<5184xi32, #tpu.memory_space<vmem>>) target_semaphore(%arg18 : memref<!tpu.dma_semaphore, #tpu.memory_space<semaphore_mem>>)
    %scan3A_20 = arith.constant 0 : i32
    %scan3A_21 = arith.constant 0 : i32
    %scan3A_22 = arith.constant 16 : i32
    %scan3A_23 = arith.addi %scan3A_21, %scan3A_22 : i32
    %scan3A_24 = arith.constant 1 : i32
    scf.for %scan3A_32 = %scan3A_21 to %scan3A_23 step %scan3A_24  : i32 {
      %mul3A_33 = arith.constant 2 : i32
      %mul3A_34 = arith.muli %scan3A_32, %mul3A_33 : i32
      %add3A_35 = arith.constant 0 : i32
      %add3A_36 = arith.addi %mul3A_34, %add3A_35 : i32
      %mul3A_37 = arith.constant 5184 : i32
      %mul3A_38 = arith.muli %add3A_36, %mul3A_37 : i32
      %add3A_39 = arith.addi %mul3A_5, %mul3A_38 : i32
      %dma_wait3A = tpu.memref_slice %arg3[%add3A_39] : memref<331776xi32, #tpu.memory_space<hbm>> -> memref<5184xi32, #tpu.memory_space<hbm>>
      %dma_wait3A_40 = tpu.memref_slice %arg3[%add3A_39] : memref<331776xi32, #tpu.memory_space<hbm>> -> memref<5184xi32, #tpu.memory_space<hbm>>
      tpu.wait_dma2 semaphore(%arg15 : memref<!tpu.dma_semaphore, #tpu.memory_space<semaphore_mem>>) src(%dma_wait3A_40 : memref<5184xi32, #tpu.memory_space<hbm>>) dst(%arg8 : memref<5184xi32, #tpu.memory_space<vmem>>)
      %dma_wait3A_41 = tpu.memref_slice %arg4[%add3A_39] : memref<331776xi32, #tpu.memory_space<hbm>> -> memref<5184xi32, #tpu.memory_space<hbm>>
      %dma_wait3A_42 = tpu.memref_slice %arg4[%add3A_39] : memref<331776xi32, #tpu.memory_space<hbm>> -> memref<5184xi32, #tpu.memory_space<hbm>>
      tpu.wait_dma2 semaphore(%arg17 : memref<!tpu.dma_semaphore, #tpu.memory_space<semaphore_mem>>) src(%dma_wait3A_42 : memref<5184xi32, #tpu.memory_space<hbm>>) dst(%arg10 : memref<5184xi32, #tpu.memory_space<vmem>>)
      %parallel_loop3A = arith.constant 0 : i32
      %parallel_loop3A_43 = arith.constant 324 : i32
      %parallel_loop3A_44 = arith.constant 1 : i32
      scf.for %parallel_loop3A_66 = %parallel_loop3A to %parallel_loop3A_43 step %parallel_loop3A_44  : i32 {
        %parallel_loop3A_67 = arith.constant 16 : i32
        %parallel_loop3A_68 = arith.muli %parallel_loop3A_66, %parallel_loop3A_67 : i32
        %parallel_loop3A_69 = arith.index_cast %parallel_loop3A_68 : i32 to index
        %parallel_loop3A_70 = tpu.vector_load %arg8[%parallel_loop3A_69] {strides = array<i32>} : memref<5184xi32, #tpu.memory_space<vmem>>, vector<16xi32>,
        %parallel_loop3A_71 = arith.index_cast %parallel_loop3A_68 : i32 to index
        %parallel_loop3A_72 = tpu.vector_load %arg10[%parallel_loop3A_71] {strides = array<i32>} : memref<5184xi32, #tpu.memory_space<vmem>>, vector<16xi32>,
        %parallel_loop3A_73 = arith.constant 0 : i32
        %parallel_loop3A_74 = vector.broadcast %parallel_loop3A_73 : i32 to vector<16xi32>
        %parallel_loop3A_75 = tpu.vector_load_idx %arg12[%parallel_loop3A_74, %parallel_loop3A_70] : memref<4x10240xf32, #tpu.memory_space<vmem>>[vector<16xi32>, vector<16xi32>], vector<16xf32>,
        %parallel_loop3A_76 = arith.constant 1 : i32
        %parallel_loop3A_77 = vector.broadcast %parallel_loop3A_76 : i32 to vector<16xi32>
        %parallel_loop3A_78 = tpu.vector_load_idx %arg12[%parallel_loop3A_77, %parallel_loop3A_70] : memref<4x10240xf32, #tpu.memory_space<vmem>>[vector<16xi32>, vector<16xi32>], vector<16xf32>,
        %parallel_loop3A_79 = arith.constant 2 : i32
        %parallel_loop3A_80 = vector.broadcast %parallel_loop3A_79 : i32 to vector<16xi32>
        %parallel_loop3A_81 = tpu.vector_load_idx %arg12[%parallel_loop3A_80, %parallel_loop3A_70] : memref<4x10240xf32, #tpu.memory_space<vmem>>[vector<16xi32>, vector<16xi32>], vector<16xf32>,
        %parallel_loop3A_82 = arith.constant 3 : i32
        %parallel_loop3A_83 = vector.broadcast %parallel_loop3A_82 : i32 to vector<16xi32>
        %parallel_loop3A_84 = tpu.vector_load_idx %arg12[%parallel_loop3A_83, %parallel_loop3A_70] : memref<4x10240xf32, #tpu.memory_space<vmem>>[vector<16xi32>, vector<16xi32>], vector<16xf32>,
        %parallel_loop3A_85 = arith.constant 0 : i32
        %parallel_loop3A_86 = vector.broadcast %parallel_loop3A_85 : i32 to vector<16xi32>
        tpu.vector_store_idx %arg13[%parallel_loop3A_86, %parallel_loop3A_72], %parallel_loop3A_75 {add = true} : memref<4x10240xf32, #tpu.memory_space<vmem>>[vector<16xi32>, vector<16xi32>], vector<16xf32>,
        %parallel_loop3A_87 = arith.constant 1 : i32
        %parallel_loop3A_88 = vector.broadcast %parallel_loop3A_87 : i32 to vector<16xi32>
        tpu.vector_store_idx %arg13[%parallel_loop3A_88, %parallel_loop3A_72], %parallel_loop3A_78 {add = true} : memref<4x10240xf32, #tpu.memory_space<vmem>>[vector<16xi32>, vector<16xi32>], vector<16xf32>,
        %parallel_loop3A_89 = arith.constant 2 : i32
        %parallel_loop3A_90 = vector.broadcast %parallel_loop3A_89 : i32 to vector<16xi32>
        tpu.vector_store_idx %arg13[%parallel_loop3A_90, %parallel_loop3A_72], %parallel_loop3A_81 {add = true} : memref<4x10240xf32, #tpu.memory_space<vmem>>[vector<16xi32>, vector<16xi32>], vector<16xf32>,
        %parallel_loop3A_91 = arith.constant 3 : i32
        %parallel_loop3A_92 = vector.broadcast %parallel_loop3A_91 : i32 to vector<16xi32>
        tpu.vector_store_idx %arg13[%parallel_loop3A_92, %parallel_loop3A_72], %parallel_loop3A_84 {add = true} : memref<4x10240xf32, #tpu.memory_space<vmem>>[vector<16xi32>, vector<16xi32>], vector<16xf32>,
      } {sc.loop_unroll_factor = 16 : i64, sc.parallel_access}
      %lt3A = arith.constant 30 : i32
      %lt3A_45 = arith.cmpi slt, %add3A_36, %lt3A : i32
      %convert_element_type3A = arith.extui %lt3A_45 : i1 to i32
      %cond3A = arith.constant 0 : i32
      %cond3A_46 = arith.cmpi ne, %convert_element_type3A, %cond3A : i32
      scf.if %cond3A_46 {
        %add3A_66 = arith.constant 2 : i32
        %add3A_67 = arith.addi %add3A_36, %add3A_66 : i32
        %mul3A_68 = arith.constant 5184 : i32
        %mul3A_69 = arith.muli %add3A_67, %mul3A_68 : i32
        %add3A_70 = arith.addi %mul3A_5, %mul3A_69 : i32
        %dma_start3A_71 = tpu.memref_slice %arg3[%add3A_70] : memref<331776xi32, #tpu.memory_space<hbm>> -> memref<5184xi32, #tpu.memory_space<hbm>>
        %dma_start3A_72 = tpu.memref_slice %arg3[%add3A_70] : memref<331776xi32, #tpu.memory_space<hbm>> -> memref<5184xi32, #tpu.memory_space<hbm>>
        tpu.enqueue_dma source(%dma_start3A_72 : memref<5184xi32, #tpu.memory_space<hbm>>) target(%arg8 : memref<5184xi32, #tpu.memory_space<vmem>>) target_semaphore(%arg15 : memref<!tpu.dma_semaphore, #tpu.memory_space<semaphore_mem>>)
        %dma_start3A_73 = tpu.memref_slice %arg4[%add3A_70] : memref<331776xi32, #tpu.memory_space<hbm>> -> memref<5184xi32, #tpu.memory_space<hbm>>
        %dma_start3A_74 = tpu.memref_slice %arg4[%add3A_70] : memref<331776xi32, #tpu.memory_space<hbm>> -> memref<5184xi32, #tpu.memory_space<hbm>>
        tpu.enqueue_dma source(%dma_start3A_74 : memref<5184xi32, #tpu.memory_space<hbm>>) target(%arg10 : memref<5184xi32, #tpu.memory_space<vmem>>) target_semaphore(%arg17 : memref<!tpu.dma_semaphore, #tpu.memory_space<semaphore_mem>>)
      } else {
      }
      %mul3A_47 = arith.constant 2 : i32
      %mul3A_48 = arith.muli %scan3A_32, %mul3A_47 : i32
      %add3A_49 = arith.constant 1 : i32
      %add3A_50 = arith.addi %mul3A_48, %add3A_49 : i32
      %mul3A_51 = arith.constant 5184 : i32
      %mul3A_52 = arith.muli %add3A_50, %mul3A_51 : i32
      %add3A_53 = arith.addi %mul3A_5, %mul3A_52 : i32
      %dma_wait3A_54 = tpu.memref_slice %arg3[%add3A_53] : memref<331776xi32, #tpu.memory_space<hbm>> -> memref<5184xi32, #tpu.memory_space<hbm>>
      %dma_wait3A_55 = tpu.memref_slice %arg3[%add3A_53] : memref<331776xi32, #tpu.memory_space<hbm>> -> memref<5184xi32, #tpu.memory_space<hbm>>
      tpu.wait_dma2 semaphore(%arg16 : memref<!tpu.dma_semaphore, #tpu.memory_space<semaphore_mem>>) src(%dma_wait3A_55 : memref<5184xi32, #tpu.memory_space<hbm>>) dst(%arg9 : memref<5184xi32, #tpu.memory_space<vmem>>)
      %dma_wait3A_56 = tpu.memref_slice %arg4[%add3A_53] : memref<331776xi32, #tpu.memory_space<hbm>> -> memref<5184xi32, #tpu.memory_space<hbm>>
      %dma_wait3A_57 = tpu.memref_slice %arg4[%add3A_53] : memref<331776xi32, #tpu.memory_space<hbm>> -> memref<5184xi32, #tpu.memory_space<hbm>>
      tpu.wait_dma2 semaphore(%arg18 : memref<!tpu.dma_semaphore, #tpu.memory_space<semaphore_mem>>) src(%dma_wait3A_57 : memref<5184xi32, #tpu.memory_space<hbm>>) dst(%arg11 : memref<5184xi32, #tpu.memory_space<vmem>>)
      %parallel_loop3A_58 = arith.constant 0 : i32
      %parallel_loop3A_59 = arith.constant 324 : i32
      %parallel_loop3A_60 = arith.constant 1 : i32
      scf.for %parallel_loop3A_66 = %parallel_loop3A_58 to %parallel_loop3A_59 step %parallel_loop3A_60  : i32 {
        %parallel_loop3A_67 = arith.constant 16 : i32
        %parallel_loop3A_68 = arith.muli %parallel_loop3A_66, %parallel_loop3A_67 : i32
        %parallel_loop3A_69 = arith.index_cast %parallel_loop3A_68 : i32 to index
        %parallel_loop3A_70 = tpu.vector_load %arg9[%parallel_loop3A_69] {strides = array<i32>} : memref<5184xi32, #tpu.memory_space<vmem>>, vector<16xi32>,
        %parallel_loop3A_71 = arith.index_cast %parallel_loop3A_68 : i32 to index
        %parallel_loop3A_72 = tpu.vector_load %arg11[%parallel_loop3A_71] {strides = array<i32>} : memref<5184xi32, #tpu.memory_space<vmem>>, vector<16xi32>,
        %parallel_loop3A_73 = arith.constant 0 : i32
        %parallel_loop3A_74 = vector.broadcast %parallel_loop3A_73 : i32 to vector<16xi32>
        %parallel_loop3A_75 = tpu.vector_load_idx %arg12[%parallel_loop3A_74, %parallel_loop3A_70] : memref<4x10240xf32, #tpu.memory_space<vmem>>[vector<16xi32>, vector<16xi32>], vector<16xf32>,
        %parallel_loop3A_76 = arith.constant 1 : i32
        %parallel_loop3A_77 = vector.broadcast %parallel_loop3A_76 : i32 to vector<16xi32>
        %parallel_loop3A_78 = tpu.vector_load_idx %arg12[%parallel_loop3A_77, %parallel_loop3A_70] : memref<4x10240xf32, #tpu.memory_space<vmem>>[vector<16xi32>, vector<16xi32>], vector<16xf32>,
        %parallel_loop3A_79 = arith.constant 2 : i32
        %parallel_loop3A_80 = vector.broadcast %parallel_loop3A_79 : i32 to vector<16xi32>
        %parallel_loop3A_81 = tpu.vector_load_idx %arg12[%parallel_loop3A_80, %parallel_loop3A_70] : memref<4x10240xf32, #tpu.memory_space<vmem>>[vector<16xi32>, vector<16xi32>], vector<16xf32>,
        %parallel_loop3A_82 = arith.constant 3 : i32
        %parallel_loop3A_83 = vector.broadcast %parallel_loop3A_82 : i32 to vector<16xi32>
        %parallel_loop3A_84 = tpu.vector_load_idx %arg12[%parallel_loop3A_83, %parallel_loop3A_70] : memref<4x10240xf32, #tpu.memory_space<vmem>>[vector<16xi32>, vector<16xi32>], vector<16xf32>,
        %parallel_loop3A_85 = arith.constant 0 : i32
        %parallel_loop3A_86 = vector.broadcast %parallel_loop3A_85 : i32 to vector<16xi32>
        tpu.vector_store_idx %arg13[%parallel_loop3A_86, %parallel_loop3A_72], %parallel_loop3A_75 {add = true} : memref<4x10240xf32, #tpu.memory_space<vmem>>[vector<16xi32>, vector<16xi32>], vector<16xf32>,
        %parallel_loop3A_87 = arith.constant 1 : i32
        %parallel_loop3A_88 = vector.broadcast %parallel_loop3A_87 : i32 to vector<16xi32>
        tpu.vector_store_idx %arg13[%parallel_loop3A_88, %parallel_loop3A_72], %parallel_loop3A_78 {add = true} : memref<4x10240xf32, #tpu.memory_space<vmem>>[vector<16xi32>, vector<16xi32>], vector<16xf32>,
        %parallel_loop3A_89 = arith.constant 2 : i32
        %parallel_loop3A_90 = vector.broadcast %parallel_loop3A_89 : i32 to vector<16xi32>
        tpu.vector_store_idx %arg13[%parallel_loop3A_90, %parallel_loop3A_72], %parallel_loop3A_81 {add = true} : memref<4x10240xf32, #tpu.memory_space<vmem>>[vector<16xi32>, vector<16xi32>], vector<16xf32>,
        %parallel_loop3A_91 = arith.constant 3 : i32
        %parallel_loop3A_92 = vector.broadcast %parallel_loop3A_91 : i32 to vector<16xi32>
        tpu.vector_store_idx %arg13[%parallel_loop3A_92, %parallel_loop3A_72], %parallel_loop3A_84 {add = true} : memref<4x10240xf32, #tpu.memory_space<vmem>>[vector<16xi32>, vector<16xi32>], vector<16xf32>,
      } {sc.loop_unroll_factor = 16 : i64, sc.parallel_access}
      %lt3A_61 = arith.constant 30 : i32
      %lt3A_62 = arith.cmpi slt, %add3A_50, %lt3A_61 : i32
      %convert_element_type3A_63 = arith.extui %lt3A_62 : i1 to i32
      %cond3A_64 = arith.constant 0 : i32
      %cond3A_65 = arith.cmpi ne, %convert_element_type3A_63, %cond3A_64 : i32
      scf.if %cond3A_65 {
        %add3A_66 = arith.constant 2 : i32
        %add3A_67 = arith.addi %add3A_50, %add3A_66 : i32
        %mul3A_68 = arith.constant 5184 : i32
        %mul3A_69 = arith.muli %add3A_67, %mul3A_68 : i32
        %add3A_70 = arith.addi %mul3A_5, %mul3A_69 : i32
        %dma_start3A_71 = tpu.memref_slice %arg3[%add3A_70] : memref<331776xi32, #tpu.memory_space<hbm>> -> memref<5184xi32, #tpu.memory_space<hbm>>
        %dma_start3A_72 = tpu.memref_slice %arg3[%add3A_70] : memref<331776xi32, #tpu.memory_space<hbm>> -> memref<5184xi32, #tpu.memory_space<hbm>>
        tpu.enqueue_dma source(%dma_start3A_72 : memref<5184xi32, #tpu.memory_space<hbm>>) target(%arg9 : memref<5184xi32, #tpu.memory_space<vmem>>) target_semaphore(%arg16 : memref<!tpu.dma_semaphore, #tpu.memory_space<semaphore_mem>>)
        %dma_start3A_73 = tpu.memref_slice %arg4[%add3A_70] : memref<331776xi32, #tpu.memory_space<hbm>> -> memref<5184xi32, #tpu.memory_space<hbm>>
        %dma_start3A_74 = tpu.memref_slice %arg4[%add3A_70] : memref<331776xi32, #tpu.memory_space<hbm>> -> memref<5184xi32, #tpu.memory_space<hbm>>
        tpu.enqueue_dma source(%dma_start3A_74 : memref<5184xi32, #tpu.memory_space<hbm>>) target(%arg11 : memref<5184xi32, #tpu.memory_space<vmem>>) target_semaphore(%arg18 : memref<!tpu.dma_semaphore, #tpu.memory_space<semaphore_mem>>)
      } else {
      }
    }
    %scan3A_25 = arith.constant 16 : i32
    %scan3A_26 = arith.constant 0 : i32
    %scan3A_27 = arith.constant 0 : i32
    %scan3A_28 = arith.constant 640 : i32
    %scan3A_29 = arith.addi %scan3A_27, %scan3A_28 : i32
    %scan3A_30 = arith.constant 1 : i32
    scf.for %scan3A_32 = %scan3A_27 to %scan3A_29 step %scan3A_30  : i32 {
      %mul3A_33 = arith.constant 16 : i32
      %mul3A_34 = arith.muli %scan3A_32, %mul3A_33 : i32
      %get3A = arith.index_cast %mul3A_34 : i32 to index
      %get3A_35 = tpu.vector_load %arg14[%get3A] {strides = array<i32>} : memref<10240xf32, #tpu.memory_space<vmem>>, vector<16xf32>,
      %get3A_36 = arith.constant 0 : i32
      %get3A_37 = arith.index_cast %get3A_36 : i32 to index
      %get3A_38 = arith.index_cast %mul3A_34 : i32 to index
      %get3A_39 = tpu.vector_load %arg13[%get3A_37, %get3A_38] {strides = array<i32>} : memref<4x10240xf32, #tpu.memory_space<vmem>>, vector<16xf32>,
      %mul3A_40 = arith.mulf %get3A_39, %get3A_35 : vector<16xf32>
      %swap3A = arith.constant 0 : i32
      %swap3A_41 = arith.index_cast %swap3A : i32 to index
      %swap3A_42 = arith.index_cast %mul3A_34 : i32 to index
      %swap3A_43 = tpu.vector_load %arg13[%swap3A_41, %swap3A_42] {strides = array<i32>} : memref<4x10240xf32, #tpu.memory_space<vmem>>, vector<16xf32>,
      tpu.vector_store %arg13[%swap3A_41, %swap3A_42], %mul3A_40 {strides = array<i32>} : memref<4x10240xf32, #tpu.memory_space<vmem>>, vector<16xf32>,
      %get3A_44 = arith.constant 1 : i32
      %get3A_45 = arith.index_cast %get3A_44 : i32 to index
      %get3A_46 = arith.index_cast %mul3A_34 : i32 to index
      %get3A_47 = tpu.vector_load %arg13[%get3A_45, %get3A_46] {strides = array<i32>} : memref<4x10240xf32, #tpu.memory_space<vmem>>, vector<16xf32>,
      %mul3A_48 = arith.mulf %get3A_47, %get3A_35 : vector<16xf32>
      %swap3A_49 = arith.constant 1 : i32
      %swap3A_50 = arith.index_cast %swap3A_49 : i32 to index
      %swap3A_51 = arith.index_cast %mul3A_34 : i32 to index
      %swap3A_52 = tpu.vector_load %arg13[%swap3A_50, %swap3A_51] {strides = array<i32>} : memref<4x10240xf32, #tpu.memory_space<vmem>>, vector<16xf32>,
      tpu.vector_store %arg13[%swap3A_50, %swap3A_51], %mul3A_48 {strides = array<i32>} : memref<4x10240xf32, #tpu.memory_space<vmem>>, vector<16xf32>,
      %get3A_53 = arith.constant 2 : i32
      %get3A_54 = arith.index_cast %get3A_53 : i32 to index
      %get3A_55 = arith.index_cast %mul3A_34 : i32 to index
      %get3A_56 = tpu.vector_load %arg13[%get3A_54, %get3A_55] {strides = array<i32>} : memref<4x10240xf32, #tpu.memory_space<vmem>>, vector<16xf32>,
      %mul3A_57 = arith.mulf %get3A_56, %get3A_35 : vector<16xf32>
      %swap3A_58 = arith.constant 2 : i32
      %swap3A_59 = arith.index_cast %swap3A_58 : i32 to index
      %swap3A_60 = arith.index_cast %mul3A_34 : i32 to index
      %swap3A_61 = tpu.vector_load %arg13[%swap3A_59, %swap3A_60] {strides = array<i32>} : memref<4x10240xf32, #tpu.memory_space<vmem>>, vector<16xf32>,
      tpu.vector_store %arg13[%swap3A_59, %swap3A_60], %mul3A_57 {strides = array<i32>} : memref<4x10240xf32, #tpu.memory_space<vmem>>, vector<16xf32>,
      %get3A_62 = arith.constant 3 : i32
      %get3A_63 = arith.index_cast %get3A_62 : i32 to index
      %get3A_64 = arith.index_cast %mul3A_34 : i32 to index
      %get3A_65 = tpu.vector_load %arg13[%get3A_63, %get3A_64] {strides = array<i32>} : memref<4x10240xf32, #tpu.memory_space<vmem>>, vector<16xf32>,
      %mul3A_66 = arith.mulf %get3A_65, %get3A_35 : vector<16xf32>
      %swap3A_67 = arith.constant 3 : i32
      %swap3A_68 = arith.index_cast %swap3A_67 : i32 to index
      %swap3A_69 = arith.index_cast %mul3A_34 : i32 to index
      %swap3A_70 = tpu.vector_load %arg13[%swap3A_68, %swap3A_69] {strides = array<i32>} : memref<4x10240xf32, #tpu.memory_space<vmem>>, vector<16xf32>,
      tpu.vector_store %arg13[%swap3A_68, %swap3A_69], %mul3A_66 {strides = array<i32>} : memref<4x10240xf32, #tpu.memory_space<vmem>>, vector<16xf32>,
    }
    %scan3A_31 = arith.constant 640 : i32
    "tpu.region"() ({
      %run_scoped3A = tpu.sem_alloc : memref<!tpu.dma_semaphore, #tpu.memory_space<semaphore_mem>>
      %dma_start3A_32 = arith.constant 0 : i32
      %dma_start3A_33 = arith.constant 0 : i32
      %dma_start3A_34 = tpu.memref_slice %arg7[%arg0, %arg1, %dma_start3A_32, %dma_start3A_33] : memref<2x16x4x10240xf32, #tpu.memory_space<hbm>> -> memref<1x1x4x10240xf32, #tpu.memory_space<hbm>>
      %dma_start3A_35 = tpu.memref_squeeze %dma_start3A_34 : memref<1x1x4x10240xf32, #tpu.memory_space<hbm>> -> memref<4x10240xf32, #tpu.memory_space<hbm>>
      %dma_start3A_36 = arith.constant 0 : i32
      %dma_start3A_37 = arith.constant 0 : i32
      %dma_start3A_38 = tpu.memref_slice %arg7[%arg0, %arg1, %dma_start3A_36, %dma_start3A_37] : memref<2x16x4x10240xf32, #tpu.memory_space<hbm>> -> memref<1x1x4x10240xf32, #tpu.memory_space<hbm>>
      %dma_start3A_39 = tpu.memref_squeeze %dma_start3A_38 : memref<1x1x4x10240xf32, #tpu.memory_space<hbm>> -> memref<4x10240xf32, #tpu.memory_space<hbm>>
      tpu.enqueue_dma source(%arg13 : memref<4x10240xf32, #tpu.memory_space<vmem>>) target(%dma_start3A_39 : memref<4x10240xf32, #tpu.memory_space<hbm>>) target_semaphore(%run_scoped3A : memref<!tpu.dma_semaphore, #tpu.memory_space<semaphore_mem>>)
      %dma_wait3A = arith.constant 0 : i32
      %dma_wait3A_40 = arith.constant 0 : i32
      %dma_wait3A_41 = tpu.memref_slice %arg7[%arg0, %arg1, %dma_wait3A, %dma_wait3A_40] : memref<2x16x4x10240xf32, #tpu.memory_space<hbm>> -> memref<1x1x4x10240xf32, #tpu.memory_space<hbm>>
      %dma_wait3A_42 = tpu.memref_squeeze %dma_wait3A_41 : memref<1x1x4x10240xf32, #tpu.memory_space<hbm>> -> memref<4x10240xf32, #tpu.memory_space<hbm>>
      %dma_wait3A_43 = arith.constant 0 : i32
      %dma_wait3A_44 = arith.constant 0 : i32
      %dma_wait3A_45 = tpu.memref_slice %arg7[%arg0, %arg1, %dma_wait3A_43, %dma_wait3A_44] : memref<2x16x4x10240xf32, #tpu.memory_space<hbm>> -> memref<1x1x4x10240xf32, #tpu.memory_space<hbm>>
      %dma_wait3A_46 = tpu.memref_squeeze %dma_wait3A_45 : memref<1x1x4x10240xf32, #tpu.memory_space<hbm>> -> memref<4x10240xf32, #tpu.memory_space<hbm>>
      tpu.wait_dma2 semaphore(%run_scoped3A : memref<!tpu.dma_semaphore, #tpu.memory_space<semaphore_mem>>) src(%arg13 : memref<4x10240xf32, #tpu.memory_space<vmem>>) dst(%dma_wait3A_46 : memref<4x10240xf32, #tpu.memory_space<hbm>>)
      tpu.yield
    }) : () -> ()
    return
  }
}

module attributes {stable_mosaic.version = 14 : i64} {
  func.func @_tca_body(%arg0: i32, %arg1: memref<32x1x2048xf32, #tpu.memory_space<vmem>>, %arg2: memref<2048x128xf32, #tpu.memory_space<vmem>>, %arg3: memref<128x64xf32, #tpu.memory_space<vmem>>, %arg4: memref<16x4x2048xf32, #tpu.memory_space<vmem>>, %arg5: memref<1x2048xf32, #tpu.memory_space<vmem>>) attributes {dimension_semantics = [#tpu.dimension_semantics<arbitrary>], iteration_bounds = array<i64: 5>, scalar_prefetch = 0 : i64, scratch_operands = 0 : i64, tpu.core_type = #tpu.core_type<tc>, window_params = [{transform_indices = @transform_0, window_bounds = array<i64: 32, 1, 2048>}, {transform_indices = @transform_1, window_bounds = array<i64: 2048, 128>}, {pipeline_mode = #tpu.pipeline_mode<synchronous>, transform_indices = @transform_2, window_bounds = array<i64: 128, 64>}, {transform_indices = @transform_3, window_bounds = array<i64: 16, 4, 2048>}, {transform_indices = @transform_4, window_bounds = array<i64: 1, 2048>}]} {
    %get3A = arith.constant 0 : index
    %get3A_0 = arith.constant 0 : index
    %get3A_1 = arith.constant 0 : index
    %get3A_2 = vector.load %arg1[%get3A, %get3A_0, %get3A_1] : memref<32x1x2048xf32, #tpu.memory_space<vmem>>, vector<32x1x2048xf32>
    %reduce_sum3A = arith.constant dense<0.000000e+00> : vector<1x2048xf32>
    %reduce_sum3A_3 = vector.multi_reduction <add>, %get3A_2, %reduce_sum3A [0] : vector<32x1x2048xf32> to vector<1x2048xf32>
    %max3A = arith.constant 1.000000e+00 : f32
    %max3A_4 = vector.broadcast %max3A : f32 to vector<1x2048xf32>
    %max3A_5 = arith.maximumf %reduce_sum3A_3, %max3A_4 : vector<1x2048xf32>
    %rsqrt3A = math.rsqrt %max3A_5 : vector<1x2048xf32>
    %swap3A = arith.constant 0 : index
    %swap3A_6 = arith.constant 0 : index
    %swap3A_7 = vector.load %arg5[%swap3A, %swap3A_6] : memref<1x2048xf32, #tpu.memory_space<vmem>>, vector<1x2048xf32>
    tpu.vector_store %arg5[%swap3A, %swap3A_6], %rsqrt3A {strides = array<i32>} : memref<1x2048xf32, #tpu.memory_space<vmem>>, vector<1x2048xf32>,
    %get3A_8 = arith.constant 0 : index
    %get3A_9 = arith.constant 0 : index
    %get3A_10 = vector.load %arg3[%get3A_8, %get3A_9] : memref<128x64xf32, #tpu.memory_space<vmem>>, vector<128x64xf32>
    %get3A_11 = arith.constant 0 : index
    %get3A_12 = arith.constant 0 : index
    %get3A_13 = vector.load %arg2[%get3A_11, %get3A_12] : memref<2048x128xf32, #tpu.memory_space<vmem>>, vector<2048x128xf32>
    %dot_general3A = arith.constant dense<0.000000e+00> : vector<64x2048xf32>
    %dot_general3A_14 = tpu.matmul %get3A_10, %get3A_13, %dot_general3A {dimension_numbers = #tpu.dot_dimension_numbers<[0], [1], [1], [0], [0, 1, 1, 0], [], []>, precision = #tpu.contract_precision<fp32>, transpose_lhs_hint = false} : vector<128x64xf32>, vector<2048x128xf32>, vector<64x2048xf32> -> vector<64x2048xf32>
    %slice3A = vector.extract_strided_slice %dot_general3A_14 {offsets = [0, 0], sizes = [4, 2048], strides = [1, 1]} : vector<64x2048xf32> to vector<4x2048xf32>
    %swap3A_15 = arith.constant 0 : index
    %swap3A_16 = arith.constant 0 : index
    %swap3A_17 = arith.constant 0 : index
    %swap3A_18 = vector.load %arg4[%swap3A_15, %swap3A_16, %swap3A_17] : memref<16x4x2048xf32, #tpu.memory_space<vmem>>, vector<1x4x2048xf32>
    %swap3A_19 = vector.shape_cast %swap3A_18 : vector<1x4x2048xf32> to vector<4x2048xf32>
    %swap3A_20 = vector.shape_cast %slice3A : vector<4x2048xf32> to vector<1x4x2048xf32>
    tpu.vector_store %arg4[%swap3A_15, %swap3A_16, %swap3A_17], %swap3A_20 {strides = array<i32>} : memref<16x4x2048xf32, #tpu.memory_space<vmem>>, vector<1x4x2048xf32>,
    %slice3A_21 = vector.extract_strided_slice %dot_general3A_14 {offsets = [4, 0], sizes = [4, 2048], strides = [1, 1]} : vector<64x2048xf32> to vector<4x2048xf32>
    %swap3A_22 = arith.constant 1 : index
    %swap3A_23 = arith.constant 0 : index
    %swap3A_24 = arith.constant 0 : index
    %swap3A_25 = vector.load %arg4[%swap3A_22, %swap3A_23, %swap3A_24] : memref<16x4x2048xf32, #tpu.memory_space<vmem>>, vector<1x4x2048xf32>
    %swap3A_26 = vector.shape_cast %swap3A_25 : vector<1x4x2048xf32> to vector<4x2048xf32>
    %swap3A_27 = vector.shape_cast %slice3A_21 : vector<4x2048xf32> to vector<1x4x2048xf32>
    tpu.vector_store %arg4[%swap3A_22, %swap3A_23, %swap3A_24], %swap3A_27 {strides = array<i32>} : memref<16x4x2048xf32, #tpu.memory_space<vmem>>, vector<1x4x2048xf32>,
    %slice3A_28 = vector.extract_strided_slice %dot_general3A_14 {offsets = [8, 0], sizes = [4, 2048], strides = [1, 1]} : vector<64x2048xf32> to vector<4x2048xf32>
    %swap3A_29 = arith.constant 2 : index
    %swap3A_30 = arith.constant 0 : index
    %swap3A_31 = arith.constant 0 : index
    %swap3A_32 = vector.load %arg4[%swap3A_29, %swap3A_30, %swap3A_31] : memref<16x4x2048xf32, #tpu.memory_space<vmem>>, vector<1x4x2048xf32>
    %swap3A_33 = vector.shape_cast %swap3A_32 : vector<1x4x2048xf32> to vector<4x2048xf32>
    %swap3A_34 = vector.shape_cast %slice3A_28 : vector<4x2048xf32> to vector<1x4x2048xf32>
    tpu.vector_store %arg4[%swap3A_29, %swap3A_30, %swap3A_31], %swap3A_34 {strides = array<i32>} : memref<16x4x2048xf32, #tpu.memory_space<vmem>>, vector<1x4x2048xf32>,
    %slice3A_35 = vector.extract_strided_slice %dot_general3A_14 {offsets = [12, 0], sizes = [4, 2048], strides = [1, 1]} : vector<64x2048xf32> to vector<4x2048xf32>
    %swap3A_36 = arith.constant 3 : index
    %swap3A_37 = arith.constant 0 : index
    %swap3A_38 = arith.constant 0 : index
    %swap3A_39 = vector.load %arg4[%swap3A_36, %swap3A_37, %swap3A_38] : memref<16x4x2048xf32, #tpu.memory_space<vmem>>, vector<1x4x2048xf32>
    %swap3A_40 = vector.shape_cast %swap3A_39 : vector<1x4x2048xf32> to vector<4x2048xf32>
    %swap3A_41 = vector.shape_cast %slice3A_35 : vector<4x2048xf32> to vector<1x4x2048xf32>
    tpu.vector_store %arg4[%swap3A_36, %swap3A_37, %swap3A_38], %swap3A_41 {strides = array<i32>} : memref<16x4x2048xf32, #tpu.memory_space<vmem>>, vector<1x4x2048xf32>,
    %slice3A_42 = vector.extract_strided_slice %dot_general3A_14 {offsets = [16, 0], sizes = [4, 2048], strides = [1, 1]} : vector<64x2048xf32> to vector<4x2048xf32>
    %swap3A_43 = arith.constant 4 : index
    %swap3A_44 = arith.constant 0 : index
    %swap3A_45 = arith.constant 0 : index
    %swap3A_46 = vector.load %arg4[%swap3A_43, %swap3A_44, %swap3A_45] : memref<16x4x2048xf32, #tpu.memory_space<vmem>>, vector<1x4x2048xf32>
    %swap3A_47 = vector.shape_cast %swap3A_46 : vector<1x4x2048xf32> to vector<4x2048xf32>
    %swap3A_48 = vector.shape_cast %slice3A_42 : vector<4x2048xf32> to vector<1x4x2048xf32>
    tpu.vector_store %arg4[%swap3A_43, %swap3A_44, %swap3A_45], %swap3A_48 {strides = array<i32>} : memref<16x4x2048xf32, #tpu.memory_space<vmem>>, vector<1x4x2048xf32>,
    %slice3A_49 = vector.extract_strided_slice %dot_general3A_14 {offsets = [20, 0], sizes = [4, 2048], strides = [1, 1]} : vector<64x2048xf32> to vector<4x2048xf32>
    %swap3A_50 = arith.constant 5 : index
    %swap3A_51 = arith.constant 0 : index
    %swap3A_52 = arith.constant 0 : index
    %swap3A_53 = vector.load %arg4[%swap3A_50, %swap3A_51, %swap3A_52] : memref<16x4x2048xf32, #tpu.memory_space<vmem>>, vector<1x4x2048xf32>
    %swap3A_54 = vector.shape_cast %swap3A_53 : vector<1x4x2048xf32> to vector<4x2048xf32>
    %swap3A_55 = vector.shape_cast %slice3A_49 : vector<4x2048xf32> to vector<1x4x2048xf32>
    tpu.vector_store %arg4[%swap3A_50, %swap3A_51, %swap3A_52], %swap3A_55 {strides = array<i32>} : memref<16x4x2048xf32, #tpu.memory_space<vmem>>, vector<1x4x2048xf32>,
    %slice3A_56 = vector.extract_strided_slice %dot_general3A_14 {offsets = [24, 0], sizes = [4, 2048], strides = [1, 1]} : vector<64x2048xf32> to vector<4x2048xf32>
    %swap3A_57 = arith.constant 6 : index
    %swap3A_58 = arith.constant 0 : index
    %swap3A_59 = arith.constant 0 : index
    %swap3A_60 = vector.load %arg4[%swap3A_57, %swap3A_58, %swap3A_59] : memref<16x4x2048xf32, #tpu.memory_space<vmem>>, vector<1x4x2048xf32>
    %swap3A_61 = vector.shape_cast %swap3A_60 : vector<1x4x2048xf32> to vector<4x2048xf32>
    %swap3A_62 = vector.shape_cast %slice3A_56 : vector<4x2048xf32> to vector<1x4x2048xf32>
    tpu.vector_store %arg4[%swap3A_57, %swap3A_58, %swap3A_59], %swap3A_62 {strides = array<i32>} : memref<16x4x2048xf32, #tpu.memory_space<vmem>>, vector<1x4x2048xf32>,
    %slice3A_63 = vector.extract_strided_slice %dot_general3A_14 {offsets = [28, 0], sizes = [4, 2048], strides = [1, 1]} : vector<64x2048xf32> to vector<4x2048xf32>
    %swap3A_64 = arith.constant 7 : index
    %swap3A_65 = arith.constant 0 : index
    %swap3A_66 = arith.constant 0 : index
    %swap3A_67 = vector.load %arg4[%swap3A_64, %swap3A_65, %swap3A_66] : memref<16x4x2048xf32, #tpu.memory_space<vmem>>, vector<1x4x2048xf32>
    %swap3A_68 = vector.shape_cast %swap3A_67 : vector<1x4x2048xf32> to vector<4x2048xf32>
    %swap3A_69 = vector.shape_cast %slice3A_63 : vector<4x2048xf32> to vector<1x4x2048xf32>
    tpu.vector_store %arg4[%swap3A_64, %swap3A_65, %swap3A_66], %swap3A_69 {strides = array<i32>} : memref<16x4x2048xf32, #tpu.memory_space<vmem>>, vector<1x4x2048xf32>,
    %slice3A_70 = vector.extract_strided_slice %dot_general3A_14 {offsets = [32, 0], sizes = [4, 2048], strides = [1, 1]} : vector<64x2048xf32> to vector<4x2048xf32>
    %swap3A_71 = arith.constant 8 : index
    %swap3A_72 = arith.constant 0 : index
    %swap3A_73 = arith.constant 0 : index
    %swap3A_74 = vector.load %arg4[%swap3A_71, %swap3A_72, %swap3A_73] : memref<16x4x2048xf32, #tpu.memory_space<vmem>>, vector<1x4x2048xf32>
    %swap3A_75 = vector.shape_cast %swap3A_74 : vector<1x4x2048xf32> to vector<4x2048xf32>
    %swap3A_76 = vector.shape_cast %slice3A_70 : vector<4x2048xf32> to vector<1x4x2048xf32>
    tpu.vector_store %arg4[%swap3A_71, %swap3A_72, %swap3A_73], %swap3A_76 {strides = array<i32>} : memref<16x4x2048xf32, #tpu.memory_space<vmem>>, vector<1x4x2048xf32>,
    %slice3A_77 = vector.extract_strided_slice %dot_general3A_14 {offsets = [36, 0], sizes = [4, 2048], strides = [1, 1]} : vector<64x2048xf32> to vector<4x2048xf32>
    %swap3A_78 = arith.constant 9 : index
    %swap3A_79 = arith.constant 0 : index
    %swap3A_80 = arith.constant 0 : index
    %swap3A_81 = vector.load %arg4[%swap3A_78, %swap3A_79, %swap3A_80] : memref<16x4x2048xf32, #tpu.memory_space<vmem>>, vector<1x4x2048xf32>
    %swap3A_82 = vector.shape_cast %swap3A_81 : vector<1x4x2048xf32> to vector<4x2048xf32>
    %swap3A_83 = vector.shape_cast %slice3A_77 : vector<4x2048xf32> to vector<1x4x2048xf32>
    tpu.vector_store %arg4[%swap3A_78, %swap3A_79, %swap3A_80], %swap3A_83 {strides = array<i32>} : memref<16x4x2048xf32, #tpu.memory_space<vmem>>, vector<1x4x2048xf32>,
    %slice3A_84 = vector.extract_strided_slice %dot_general3A_14 {offsets = [40, 0], sizes = [4, 2048], strides = [1, 1]} : vector<64x2048xf32> to vector<4x2048xf32>
    %swap3A_85 = arith.constant 10 : index
    %swap3A_86 = arith.constant 0 : index
    %swap3A_87 = arith.constant 0 : index
    %swap3A_88 = vector.load %arg4[%swap3A_85, %swap3A_86, %swap3A_87] : memref<16x4x2048xf32, #tpu.memory_space<vmem>>, vector<1x4x2048xf32>
    %swap3A_89 = vector.shape_cast %swap3A_88 : vector<1x4x2048xf32> to vector<4x2048xf32>
    %swap3A_90 = vector.shape_cast %slice3A_84 : vector<4x2048xf32> to vector<1x4x2048xf32>
    tpu.vector_store %arg4[%swap3A_85, %swap3A_86, %swap3A_87], %swap3A_90 {strides = array<i32>} : memref<16x4x2048xf32, #tpu.memory_space<vmem>>, vector<1x4x2048xf32>,
    %slice3A_91 = vector.extract_strided_slice %dot_general3A_14 {offsets = [44, 0], sizes = [4, 2048], strides = [1, 1]} : vector<64x2048xf32> to vector<4x2048xf32>
    %swap3A_92 = arith.constant 11 : index
    %swap3A_93 = arith.constant 0 : index
    %swap3A_94 = arith.constant 0 : index
    %swap3A_95 = vector.load %arg4[%swap3A_92, %swap3A_93, %swap3A_94] : memref<16x4x2048xf32, #tpu.memory_space<vmem>>, vector<1x4x2048xf32>
    %swap3A_96 = vector.shape_cast %swap3A_95 : vector<1x4x2048xf32> to vector<4x2048xf32>
    %swap3A_97 = vector.shape_cast %slice3A_91 : vector<4x2048xf32> to vector<1x4x2048xf32>
    tpu.vector_store %arg4[%swap3A_92, %swap3A_93, %swap3A_94], %swap3A_97 {strides = array<i32>} : memref<16x4x2048xf32, #tpu.memory_space<vmem>>, vector<1x4x2048xf32>,
    %slice3A_98 = vector.extract_strided_slice %dot_general3A_14 {offsets = [48, 0], sizes = [4, 2048], strides = [1, 1]} : vector<64x2048xf32> to vector<4x2048xf32>
    %swap3A_99 = arith.constant 12 : index
    %swap3A_100 = arith.constant 0 : index
    %swap3A_101 = arith.constant 0 : index
    %swap3A_102 = vector.load %arg4[%swap3A_99, %swap3A_100, %swap3A_101] : memref<16x4x2048xf32, #tpu.memory_space<vmem>>, vector<1x4x2048xf32>
    %swap3A_103 = vector.shape_cast %swap3A_102 : vector<1x4x2048xf32> to vector<4x2048xf32>
    %swap3A_104 = vector.shape_cast %slice3A_98 : vector<4x2048xf32> to vector<1x4x2048xf32>
    tpu.vector_store %arg4[%swap3A_99, %swap3A_100, %swap3A_101], %swap3A_104 {strides = array<i32>} : memref<16x4x2048xf32, #tpu.memory_space<vmem>>, vector<1x4x2048xf32>,
    %slice3A_105 = vector.extract_strided_slice %dot_general3A_14 {offsets = [52, 0], sizes = [4, 2048], strides = [1, 1]} : vector<64x2048xf32> to vector<4x2048xf32>
    %swap3A_106 = arith.constant 13 : index
    %swap3A_107 = arith.constant 0 : index
    %swap3A_108 = arith.constant 0 : index
    %swap3A_109 = vector.load %arg4[%swap3A_106, %swap3A_107, %swap3A_108] : memref<16x4x2048xf32, #tpu.memory_space<vmem>>, vector<1x4x2048xf32>
    %swap3A_110 = vector.shape_cast %swap3A_109 : vector<1x4x2048xf32> to vector<4x2048xf32>
    %swap3A_111 = vector.shape_cast %slice3A_105 : vector<4x2048xf32> to vector<1x4x2048xf32>
    tpu.vector_store %arg4[%swap3A_106, %swap3A_107, %swap3A_108], %swap3A_111 {strides = array<i32>} : memref<16x4x2048xf32, #tpu.memory_space<vmem>>, vector<1x4x2048xf32>,
    %slice3A_112 = vector.extract_strided_slice %dot_general3A_14 {offsets = [56, 0], sizes = [4, 2048], strides = [1, 1]} : vector<64x2048xf32> to vector<4x2048xf32>
    %swap3A_113 = arith.constant 14 : index
    %swap3A_114 = arith.constant 0 : index
    %swap3A_115 = arith.constant 0 : index
    %swap3A_116 = vector.load %arg4[%swap3A_113, %swap3A_114, %swap3A_115] : memref<16x4x2048xf32, #tpu.memory_space<vmem>>, vector<1x4x2048xf32>
    %swap3A_117 = vector.shape_cast %swap3A_116 : vector<1x4x2048xf32> to vector<4x2048xf32>
    %swap3A_118 = vector.shape_cast %slice3A_112 : vector<4x2048xf32> to vector<1x4x2048xf32>
    tpu.vector_store %arg4[%swap3A_113, %swap3A_114, %swap3A_115], %swap3A_118 {strides = array<i32>} : memref<16x4x2048xf32, #tpu.memory_space<vmem>>, vector<1x4x2048xf32>,
    %slice3A_119 = vector.extract_strided_slice %dot_general3A_14 {offsets = [60, 0], sizes = [4, 2048], strides = [1, 1]} : vector<64x2048xf32> to vector<4x2048xf32>
    %swap3A_120 = arith.constant 15 : index
    %swap3A_121 = arith.constant 0 : index
    %swap3A_122 = arith.constant 0 : index
    %swap3A_123 = vector.load %arg4[%swap3A_120, %swap3A_121, %swap3A_122] : memref<16x4x2048xf32, #tpu.memory_space<vmem>>, vector<1x4x2048xf32>
    %swap3A_124 = vector.shape_cast %swap3A_123 : vector<1x4x2048xf32> to vector<4x2048xf32>
    %swap3A_125 = vector.shape_cast %slice3A_119 : vector<4x2048xf32> to vector<1x4x2048xf32>
    tpu.vector_store %arg4[%swap3A_120, %swap3A_121, %swap3A_122], %swap3A_125 {strides = array<i32>} : memref<16x4x2048xf32, #tpu.memory_space<vmem>>, vector<1x4x2048xf32>,
    return
  }
  func.func @transform_0(%arg0: i32) -> (i32, i32, i32) {
    %c0_i32 = arith.constant 0 : i32
    %c0_i32_0 = arith.constant 0 : i32
    %c0_i32_1 = arith.constant 0 : i32
    return %c0_i32, %c0_i32_0, %arg0 : i32, i32, i32
  }
  func.func @transform_1(%arg0: i32) -> (i32, i32) {
    %c0_i32 = arith.constant 0 : i32
    %c0_i32_0 = arith.constant 0 : i32
    return %arg0, %c0_i32 : i32, i32
  }
  func.func @transform_2(%arg0: i32) -> (i32, i32) {
    %c0_i32 = arith.constant 0 : i32
    %c0_i32_0 = arith.constant 0 : i32
    %c0_i32_1 = arith.constant 0 : i32
    return %c0_i32, %c0_i32_0 : i32, i32
  }
  func.func @transform_3(%arg0: i32) -> (i32, i32, i32) {
    %c0_i32 = arith.constant 0 : i32
    %c0_i32_0 = arith.constant 0 : i32
    %c0_i32_1 = arith.constant 0 : i32
    return %c0_i32, %c0_i32_0, %arg0 : i32, i32, i32
  }
  func.func @transform_4(%arg0: i32) -> (i32, i32) {
    %c0_i32 = arith.constant 0 : i32
    %c0_i32_0 = arith.constant 0 : i32
    return %c0_i32, %arg0 : i32, i32
  }
}

module attributes {stable_mosaic.version = 14 : i64} {
  func.func @_tcb_body(%arg0: i32, %arg1: memref<2x64x2048xf32, #tpu.memory_space<vmem>>, %arg2: memref<64x1xf32, #tpu.memory_space<vmem>>, %arg3: memref<64x48xf32, #tpu.memory_space<vmem>>, %arg4: memref<64x2048xf32, #tpu.memory_space<vmem>>, %arg5: memref<16x3x2048xf32, #tpu.memory_space<vmem>>) attributes {dimension_semantics = [#tpu.dimension_semantics<arbitrary>], iteration_bounds = array<i64: 5>, scalar_prefetch = 0 : i64, scratch_operands = 0 : i64, tpu.core_type = #tpu.core_type<tc>, window_params = [{transform_indices = @transform_0, window_bounds = array<i64: 2, 64, 2048>}, {pipeline_mode = #tpu.pipeline_mode<synchronous>, transform_indices = @transform_1, window_bounds = array<i64: 64, 1>}, {pipeline_mode = #tpu.pipeline_mode<synchronous>, transform_indices = @transform_2, window_bounds = array<i64: 64, 48>}, {transform_indices = @transform_3, window_bounds = array<i64: 64, 2048>}, {transform_indices = @transform_4, window_bounds = array<i64: 16, 3, 2048>}]} {
    %get3A = arith.constant 0 : index
    %get3A_0 = arith.constant 0 : index
    %get3A_1 = arith.constant 0 : index
    %get3A_2 = vector.load %arg1[%get3A, %get3A_0, %get3A_1] : memref<2x64x2048xf32, #tpu.memory_space<vmem>>, vector<1x64x2048xf32>
    %get3A_3 = vector.shape_cast %get3A_2 : vector<1x64x2048xf32> to vector<64x2048xf32>
    %get3A_4 = arith.constant 1 : index
    %get3A_5 = arith.constant 0 : index
    %get3A_6 = arith.constant 0 : index
    %get3A_7 = vector.load %arg1[%get3A_4, %get3A_5, %get3A_6] : memref<2x64x2048xf32, #tpu.memory_space<vmem>>, vector<1x64x2048xf32>
    %get3A_8 = vector.shape_cast %get3A_7 : vector<1x64x2048xf32> to vector<64x2048xf32>
    %add3A = arith.addf %get3A_3, %get3A_8 : vector<64x2048xf32>
    %get3A_9 = arith.constant 0 : index
    %get3A_10 = arith.constant 0 : index
    %get3A_11 = vector.load %arg2[%get3A_9, %get3A_10] : memref<64x1xf32, #tpu.memory_space<vmem>>, vector<64x1xf32>
    %add3A_12 = vector.broadcast %get3A_11 : vector<64x1xf32> to vector<64x2048xf32>
    %add3A_13 = arith.addf %add3A, %add3A_12 : vector<64x2048xf32>
    %max3A = arith.constant 0.000000e+00 : f32
    %max3A_14 = vector.broadcast %max3A : f32 to vector<64x2048xf32>
    %max3A_15 = arith.maximumf %add3A_13, %max3A_14 : vector<64x2048xf32>
    %swap3A = arith.constant 0 : index
    %swap3A_16 = arith.constant 0 : index
    %swap3A_17 = vector.load %arg4[%swap3A, %swap3A_16] : memref<64x2048xf32, #tpu.memory_space<vmem>>, vector<64x2048xf32>
    tpu.vector_store %arg4[%swap3A, %swap3A_16], %max3A_15 {strides = array<i32>} : memref<64x2048xf32, #tpu.memory_space<vmem>>, vector<64x2048xf32>,
    %get3A_18 = arith.constant 0 : index
    %get3A_19 = arith.constant 0 : index
    %get3A_20 = vector.load %arg3[%get3A_18, %get3A_19] : memref<64x48xf32, #tpu.memory_space<vmem>>, vector<64x48xf32>
    %dot_general3A = arith.constant dense<0.000000e+00> : vector<48x2048xf32>
    %dot_general3A_21 = tpu.matmul %get3A_20, %max3A_15, %dot_general3A {dimension_numbers = #tpu.dot_dimension_numbers<[0], [0], [1], [1], [0, 1, 1, 1], [], []>, precision = #tpu.contract_precision<fp32>, transpose_lhs_hint = false} : vector<64x48xf32>, vector<64x2048xf32>, vector<48x2048xf32> -> vector<48x2048xf32>
    %slice3A = vector.extract_strided_slice %dot_general3A_21 {offsets = [0, 0], sizes = [3, 2048], strides = [1, 1]} : vector<48x2048xf32> to vector<3x2048xf32>
    %swap3A_22 = arith.constant 0 : index
    %swap3A_23 = arith.constant 0 : index
    %swap3A_24 = arith.constant 0 : index
    %swap3A_25 = vector.load %arg5[%swap3A_22, %swap3A_23, %swap3A_24] : memref<16x3x2048xf32, #tpu.memory_space<vmem>>, vector<1x3x2048xf32>
    %swap3A_26 = vector.shape_cast %swap3A_25 : vector<1x3x2048xf32> to vector<3x2048xf32>
    %swap3A_27 = vector.shape_cast %slice3A : vector<3x2048xf32> to vector<1x3x2048xf32>
    tpu.vector_store %arg5[%swap3A_22, %swap3A_23, %swap3A_24], %swap3A_27 {strides = array<i32>} : memref<16x3x2048xf32, #tpu.memory_space<vmem>>, vector<1x3x2048xf32>,
    %slice3A_28 = vector.extract_strided_slice %dot_general3A_21 {offsets = [3, 0], sizes = [3, 2048], strides = [1, 1]} : vector<48x2048xf32> to vector<3x2048xf32>
    %swap3A_29 = arith.constant 1 : index
    %swap3A_30 = arith.constant 0 : index
    %swap3A_31 = arith.constant 0 : index
    %swap3A_32 = vector.load %arg5[%swap3A_29, %swap3A_30, %swap3A_31] : memref<16x3x2048xf32, #tpu.memory_space<vmem>>, vector<1x3x2048xf32>
    %swap3A_33 = vector.shape_cast %swap3A_32 : vector<1x3x2048xf32> to vector<3x2048xf32>
    %swap3A_34 = vector.shape_cast %slice3A_28 : vector<3x2048xf32> to vector<1x3x2048xf32>
    tpu.vector_store %arg5[%swap3A_29, %swap3A_30, %swap3A_31], %swap3A_34 {strides = array<i32>} : memref<16x3x2048xf32, #tpu.memory_space<vmem>>, vector<1x3x2048xf32>,
    %slice3A_35 = vector.extract_strided_slice %dot_general3A_21 {offsets = [6, 0], sizes = [3, 2048], strides = [1, 1]} : vector<48x2048xf32> to vector<3x2048xf32>
    %swap3A_36 = arith.constant 2 : index
    %swap3A_37 = arith.constant 0 : index
    %swap3A_38 = arith.constant 0 : index
    %swap3A_39 = vector.load %arg5[%swap3A_36, %swap3A_37, %swap3A_38] : memref<16x3x2048xf32, #tpu.memory_space<vmem>>, vector<1x3x2048xf32>
    %swap3A_40 = vector.shape_cast %swap3A_39 : vector<1x3x2048xf32> to vector<3x2048xf32>
    %swap3A_41 = vector.shape_cast %slice3A_35 : vector<3x2048xf32> to vector<1x3x2048xf32>
    tpu.vector_store %arg5[%swap3A_36, %swap3A_37, %swap3A_38], %swap3A_41 {strides = array<i32>} : memref<16x3x2048xf32, #tpu.memory_space<vmem>>, vector<1x3x2048xf32>,
    %slice3A_42 = vector.extract_strided_slice %dot_general3A_21 {offsets = [9, 0], sizes = [3, 2048], strides = [1, 1]} : vector<48x2048xf32> to vector<3x2048xf32>
    %swap3A_43 = arith.constant 3 : index
    %swap3A_44 = arith.constant 0 : index
    %swap3A_45 = arith.constant 0 : index
    %swap3A_46 = vector.load %arg5[%swap3A_43, %swap3A_44, %swap3A_45] : memref<16x3x2048xf32, #tpu.memory_space<vmem>>, vector<1x3x2048xf32>
    %swap3A_47 = vector.shape_cast %swap3A_46 : vector<1x3x2048xf32> to vector<3x2048xf32>
    %swap3A_48 = vector.shape_cast %slice3A_42 : vector<3x2048xf32> to vector<1x3x2048xf32>
    tpu.vector_store %arg5[%swap3A_43, %swap3A_44, %swap3A_45], %swap3A_48 {strides = array<i32>} : memref<16x3x2048xf32, #tpu.memory_space<vmem>>, vector<1x3x2048xf32>,
    %slice3A_49 = vector.extract_strided_slice %dot_general3A_21 {offsets = [12, 0], sizes = [3, 2048], strides = [1, 1]} : vector<48x2048xf32> to vector<3x2048xf32>
    %swap3A_50 = arith.constant 4 : index
    %swap3A_51 = arith.constant 0 : index
    %swap3A_52 = arith.constant 0 : index
    %swap3A_53 = vector.load %arg5[%swap3A_50, %swap3A_51, %swap3A_52] : memref<16x3x2048xf32, #tpu.memory_space<vmem>>, vector<1x3x2048xf32>
    %swap3A_54 = vector.shape_cast %swap3A_53 : vector<1x3x2048xf32> to vector<3x2048xf32>
    %swap3A_55 = vector.shape_cast %slice3A_49 : vector<3x2048xf32> to vector<1x3x2048xf32>
    tpu.vector_store %arg5[%swap3A_50, %swap3A_51, %swap3A_52], %swap3A_55 {strides = array<i32>} : memref<16x3x2048xf32, #tpu.memory_space<vmem>>, vector<1x3x2048xf32>,
    %slice3A_56 = vector.extract_strided_slice %dot_general3A_21 {offsets = [15, 0], sizes = [3, 2048], strides = [1, 1]} : vector<48x2048xf32> to vector<3x2048xf32>
    %swap3A_57 = arith.constant 5 : index
    %swap3A_58 = arith.constant 0 : index
    %swap3A_59 = arith.constant 0 : index
    %swap3A_60 = vector.load %arg5[%swap3A_57, %swap3A_58, %swap3A_59] : memref<16x3x2048xf32, #tpu.memory_space<vmem>>, vector<1x3x2048xf32>
    %swap3A_61 = vector.shape_cast %swap3A_60 : vector<1x3x2048xf32> to vector<3x2048xf32>
    %swap3A_62 = vector.shape_cast %slice3A_56 : vector<3x2048xf32> to vector<1x3x2048xf32>
    tpu.vector_store %arg5[%swap3A_57, %swap3A_58, %swap3A_59], %swap3A_62 {strides = array<i32>} : memref<16x3x2048xf32, #tpu.memory_space<vmem>>, vector<1x3x2048xf32>,
    %slice3A_63 = vector.extract_strided_slice %dot_general3A_21 {offsets = [18, 0], sizes = [3, 2048], strides = [1, 1]} : vector<48x2048xf32> to vector<3x2048xf32>
    %swap3A_64 = arith.constant 6 : index
    %swap3A_65 = arith.constant 0 : index
    %swap3A_66 = arith.constant 0 : index
    %swap3A_67 = vector.load %arg5[%swap3A_64, %swap3A_65, %swap3A_66] : memref<16x3x2048xf32, #tpu.memory_space<vmem>>, vector<1x3x2048xf32>
    %swap3A_68 = vector.shape_cast %swap3A_67 : vector<1x3x2048xf32> to vector<3x2048xf32>
    %swap3A_69 = vector.shape_cast %slice3A_63 : vector<3x2048xf32> to vector<1x3x2048xf32>
    tpu.vector_store %arg5[%swap3A_64, %swap3A_65, %swap3A_66], %swap3A_69 {strides = array<i32>} : memref<16x3x2048xf32, #tpu.memory_space<vmem>>, vector<1x3x2048xf32>,
    %slice3A_70 = vector.extract_strided_slice %dot_general3A_21 {offsets = [21, 0], sizes = [3, 2048], strides = [1, 1]} : vector<48x2048xf32> to vector<3x2048xf32>
    %swap3A_71 = arith.constant 7 : index
    %swap3A_72 = arith.constant 0 : index
    %swap3A_73 = arith.constant 0 : index
    %swap3A_74 = vector.load %arg5[%swap3A_71, %swap3A_72, %swap3A_73] : memref<16x3x2048xf32, #tpu.memory_space<vmem>>, vector<1x3x2048xf32>
    %swap3A_75 = vector.shape_cast %swap3A_74 : vector<1x3x2048xf32> to vector<3x2048xf32>
    %swap3A_76 = vector.shape_cast %slice3A_70 : vector<3x2048xf32> to vector<1x3x2048xf32>
    tpu.vector_store %arg5[%swap3A_71, %swap3A_72, %swap3A_73], %swap3A_76 {strides = array<i32>} : memref<16x3x2048xf32, #tpu.memory_space<vmem>>, vector<1x3x2048xf32>,
    %slice3A_77 = vector.extract_strided_slice %dot_general3A_21 {offsets = [24, 0], sizes = [3, 2048], strides = [1, 1]} : vector<48x2048xf32> to vector<3x2048xf32>
    %swap3A_78 = arith.constant 8 : index
    %swap3A_79 = arith.constant 0 : index
    %swap3A_80 = arith.constant 0 : index
    %swap3A_81 = vector.load %arg5[%swap3A_78, %swap3A_79, %swap3A_80] : memref<16x3x2048xf32, #tpu.memory_space<vmem>>, vector<1x3x2048xf32>
    %swap3A_82 = vector.shape_cast %swap3A_81 : vector<1x3x2048xf32> to vector<3x2048xf32>
    %swap3A_83 = vector.shape_cast %slice3A_77 : vector<3x2048xf32> to vector<1x3x2048xf32>
    tpu.vector_store %arg5[%swap3A_78, %swap3A_79, %swap3A_80], %swap3A_83 {strides = array<i32>} : memref<16x3x2048xf32, #tpu.memory_space<vmem>>, vector<1x3x2048xf32>,
    %slice3A_84 = vector.extract_strided_slice %dot_general3A_21 {offsets = [27, 0], sizes = [3, 2048], strides = [1, 1]} : vector<48x2048xf32> to vector<3x2048xf32>
    %swap3A_85 = arith.constant 9 : index
    %swap3A_86 = arith.constant 0 : index
    %swap3A_87 = arith.constant 0 : index
    %swap3A_88 = vector.load %arg5[%swap3A_85, %swap3A_86, %swap3A_87] : memref<16x3x2048xf32, #tpu.memory_space<vmem>>, vector<1x3x2048xf32>
    %swap3A_89 = vector.shape_cast %swap3A_88 : vector<1x3x2048xf32> to vector<3x2048xf32>
    %swap3A_90 = vector.shape_cast %slice3A_84 : vector<3x2048xf32> to vector<1x3x2048xf32>
    tpu.vector_store %arg5[%swap3A_85, %swap3A_86, %swap3A_87], %swap3A_90 {strides = array<i32>} : memref<16x3x2048xf32, #tpu.memory_space<vmem>>, vector<1x3x2048xf32>,
    %slice3A_91 = vector.extract_strided_slice %dot_general3A_21 {offsets = [30, 0], sizes = [3, 2048], strides = [1, 1]} : vector<48x2048xf32> to vector<3x2048xf32>
    %swap3A_92 = arith.constant 10 : index
    %swap3A_93 = arith.constant 0 : index
    %swap3A_94 = arith.constant 0 : index
    %swap3A_95 = vector.load %arg5[%swap3A_92, %swap3A_93, %swap3A_94] : memref<16x3x2048xf32, #tpu.memory_space<vmem>>, vector<1x3x2048xf32>
    %swap3A_96 = vector.shape_cast %swap3A_95 : vector<1x3x2048xf32> to vector<3x2048xf32>
    %swap3A_97 = vector.shape_cast %slice3A_91 : vector<3x2048xf32> to vector<1x3x2048xf32>
    tpu.vector_store %arg5[%swap3A_92, %swap3A_93, %swap3A_94], %swap3A_97 {strides = array<i32>} : memref<16x3x2048xf32, #tpu.memory_space<vmem>>, vector<1x3x2048xf32>,
    %slice3A_98 = vector.extract_strided_slice %dot_general3A_21 {offsets = [33, 0], sizes = [3, 2048], strides = [1, 1]} : vector<48x2048xf32> to vector<3x2048xf32>
    %swap3A_99 = arith.constant 11 : index
    %swap3A_100 = arith.constant 0 : index
    %swap3A_101 = arith.constant 0 : index
    %swap3A_102 = vector.load %arg5[%swap3A_99, %swap3A_100, %swap3A_101] : memref<16x3x2048xf32, #tpu.memory_space<vmem>>, vector<1x3x2048xf32>
    %swap3A_103 = vector.shape_cast %swap3A_102 : vector<1x3x2048xf32> to vector<3x2048xf32>
    %swap3A_104 = vector.shape_cast %slice3A_98 : vector<3x2048xf32> to vector<1x3x2048xf32>
    tpu.vector_store %arg5[%swap3A_99, %swap3A_100, %swap3A_101], %swap3A_104 {strides = array<i32>} : memref<16x3x2048xf32, #tpu.memory_space<vmem>>, vector<1x3x2048xf32>,
    %slice3A_105 = vector.extract_strided_slice %dot_general3A_21 {offsets = [36, 0], sizes = [3, 2048], strides = [1, 1]} : vector<48x2048xf32> to vector<3x2048xf32>
    %swap3A_106 = arith.constant 12 : index
    %swap3A_107 = arith.constant 0 : index
    %swap3A_108 = arith.constant 0 : index
    %swap3A_109 = vector.load %arg5[%swap3A_106, %swap3A_107, %swap3A_108] : memref<16x3x2048xf32, #tpu.memory_space<vmem>>, vector<1x3x2048xf32>
    %swap3A_110 = vector.shape_cast %swap3A_109 : vector<1x3x2048xf32> to vector<3x2048xf32>
    %swap3A_111 = vector.shape_cast %slice3A_105 : vector<3x2048xf32> to vector<1x3x2048xf32>
    tpu.vector_store %arg5[%swap3A_106, %swap3A_107, %swap3A_108], %swap3A_111 {strides = array<i32>} : memref<16x3x2048xf32, #tpu.memory_space<vmem>>, vector<1x3x2048xf32>,
    %slice3A_112 = vector.extract_strided_slice %dot_general3A_21 {offsets = [39, 0], sizes = [3, 2048], strides = [1, 1]} : vector<48x2048xf32> to vector<3x2048xf32>
    %swap3A_113 = arith.constant 13 : index
    %swap3A_114 = arith.constant 0 : index
    %swap3A_115 = arith.constant 0 : index
    %swap3A_116 = vector.load %arg5[%swap3A_113, %swap3A_114, %swap3A_115] : memref<16x3x2048xf32, #tpu.memory_space<vmem>>, vector<1x3x2048xf32>
    %swap3A_117 = vector.shape_cast %swap3A_116 : vector<1x3x2048xf32> to vector<3x2048xf32>
    %swap3A_118 = vector.shape_cast %slice3A_112 : vector<3x2048xf32> to vector<1x3x2048xf32>
    tpu.vector_store %arg5[%swap3A_113, %swap3A_114, %swap3A_115], %swap3A_118 {strides = array<i32>} : memref<16x3x2048xf32, #tpu.memory_space<vmem>>, vector<1x3x2048xf32>,
    %slice3A_119 = vector.extract_strided_slice %dot_general3A_21 {offsets = [42, 0], sizes = [3, 2048], strides = [1, 1]} : vector<48x2048xf32> to vector<3x2048xf32>
    %swap3A_120 = arith.constant 14 : index
    %swap3A_121 = arith.constant 0 : index
    %swap3A_122 = arith.constant 0 : index
    %swap3A_123 = vector.load %arg5[%swap3A_120, %swap3A_121, %swap3A_122] : memref<16x3x2048xf32, #tpu.memory_space<vmem>>, vector<1x3x2048xf32>
    %swap3A_124 = vector.shape_cast %swap3A_123 : vector<1x3x2048xf32> to vector<3x2048xf32>
    %swap3A_125 = vector.shape_cast %slice3A_119 : vector<3x2048xf32> to vector<1x3x2048xf32>
    tpu.vector_store %arg5[%swap3A_120, %swap3A_121, %swap3A_122], %swap3A_125 {strides = array<i32>} : memref<16x3x2048xf32, #tpu.memory_space<vmem>>, vector<1x3x2048xf32>,
    %slice3A_126 = vector.extract_strided_slice %dot_general3A_21 {offsets = [45, 0], sizes = [3, 2048], strides = [1, 1]} : vector<48x2048xf32> to vector<3x2048xf32>
    %swap3A_127 = arith.constant 15 : index
    %swap3A_128 = arith.constant 0 : index
    %swap3A_129 = arith.constant 0 : index
    %swap3A_130 = vector.load %arg5[%swap3A_127, %swap3A_128, %swap3A_129] : memref<16x3x2048xf32, #tpu.memory_space<vmem>>, vector<1x3x2048xf32>
    %swap3A_131 = vector.shape_cast %swap3A_130 : vector<1x3x2048xf32> to vector<3x2048xf32>
    %swap3A_132 = vector.shape_cast %slice3A_126 : vector<3x2048xf32> to vector<1x3x2048xf32>
    tpu.vector_store %arg5[%swap3A_127, %swap3A_128, %swap3A_129], %swap3A_132 {strides = array<i32>} : memref<16x3x2048xf32, #tpu.memory_space<vmem>>, vector<1x3x2048xf32>,
    return
  }
  func.func @transform_0(%arg0: i32) -> (i32, i32, i32) {
    %c0_i32 = arith.constant 0 : i32
    %c0_i32_0 = arith.constant 0 : i32
    %c0_i32_1 = arith.constant 0 : i32
    return %c0_i32, %c0_i32_0, %arg0 : i32, i32, i32
  }
  func.func @transform_1(%arg0: i32) -> (i32, i32) {
    %c0_i32 = arith.constant 0 : i32
    %c0_i32_0 = arith.constant 0 : i32
    %c0_i32_1 = arith.constant 0 : i32
    return %c0_i32, %c0_i32_0 : i32, i32
  }
  func.func @transform_2(%arg0: i32) -> (i32, i32) {
    %c0_i32 = arith.constant 0 : i32
    %c0_i32_0 = arith.constant 0 : i32
    %c0_i32_1 = arith.constant 0 : i32
    return %c0_i32, %c0_i32_0 : i32, i32
  }
  func.func @transform_3(%arg0: i32) -> (i32, i32) {
    %c0_i32 = arith.constant 0 : i32
    %c0_i32_0 = arith.constant 0 : i32
    return %c0_i32, %arg0 : i32, i32
  }
  func.func @transform_4(%arg0: i32) -> (i32, i32, i32) {
    %c0_i32 = arith.constant 0 : i32
    %c0_i32_0 = arith.constant 0 : i32
    %c0_i32_1 = arith.constant 0 : i32
    return %c0_i32, %c0_i32_0, %arg0 : i32, i32, i32
  }
}

module attributes {stable_mosaic.version = 14 : i64} {
  func.func @_tcc_body(%arg0: i32, %arg1: memref<2x48x2048xf32, #tpu.memory_space<vmem>>, %arg2: memref<40x1xf32, #tpu.memory_space<vmem>>, %arg3: memref<40x2048xf32, #tpu.memory_space<vmem>>) attributes {dimension_semantics = [#tpu.dimension_semantics<arbitrary>], iteration_bounds = array<i64: 5>, scalar_prefetch = 0 : i64, scratch_operands = 0 : i64, tpu.core_type = #tpu.core_type<tc>, window_params = [{transform_indices = @transform_0, window_bounds = array<i64: 2, 48, 2048>}, {pipeline_mode = #tpu.pipeline_mode<synchronous>, transform_indices = @transform_1, window_bounds = array<i64: 40, 1>}, {transform_indices = @transform_2, window_bounds = array<i64: 40, 2048>}]} {
    %get3A = arith.constant 0 : index
    %get3A_0 = arith.constant 0 : index
    %get3A_1 = arith.constant 0 : index
    %get3A_2 = vector.load %arg1[%get3A, %get3A_0, %get3A_1] : memref<2x48x2048xf32, #tpu.memory_space<vmem>>, vector<1x40x2048xf32>
    %get3A_3 = vector.shape_cast %get3A_2 : vector<1x40x2048xf32> to vector<40x2048xf32>
    %get3A_4 = arith.constant 1 : index
    %get3A_5 = arith.constant 0 : index
    %get3A_6 = arith.constant 0 : index
    %get3A_7 = vector.load %arg1[%get3A_4, %get3A_5, %get3A_6] : memref<2x48x2048xf32, #tpu.memory_space<vmem>>, vector<1x40x2048xf32>
    %get3A_8 = vector.shape_cast %get3A_7 : vector<1x40x2048xf32> to vector<40x2048xf32>
    %add3A = arith.addf %get3A_3, %get3A_8 : vector<40x2048xf32>
    %get3A_9 = arith.constant 0 : index
    %get3A_10 = arith.constant 0 : index
    %get3A_11 = vector.load %arg2[%get3A_9, %get3A_10] : memref<40x1xf32, #tpu.memory_space<vmem>>, vector<40x1xf32>
    %add3A_12 = vector.broadcast %get3A_11 : vector<40x1xf32> to vector<40x2048xf32>
    %add3A_13 = arith.addf %add3A, %add3A_12 : vector<40x2048xf32>
    %reduce_max3A = arith.constant dense<0xFF800000> : vector<2048xf32>
    %reduce_max3A_14 = vector.multi_reduction <maximumf>, %add3A_13, %reduce_max3A [0] : vector<40x2048xf32> to vector<2048xf32>
    %broadcast_in_dim3A = vector.shape_cast %reduce_max3A_14 : vector<2048xf32> to vector<1x2048xf32>
    %sub3A = vector.broadcast %broadcast_in_dim3A : vector<1x2048xf32> to vector<40x2048xf32>
    %sub3A_15 = arith.subf %add3A_13, %sub3A : vector<40x2048xf32>
    %exp3A = math.exp %sub3A_15 : vector<40x2048xf32>
    %reduce_sum3A = arith.constant dense<0.000000e+00> : vector<2048xf32>
    %reduce_sum3A_16 = vector.multi_reduction <add>, %exp3A, %reduce_sum3A [0] : vector<40x2048xf32> to vector<2048xf32>
    %broadcast_in_dim3A_17 = vector.shape_cast %reduce_sum3A_16 : vector<2048xf32> to vector<1x2048xf32>
    %log3A = math.log %broadcast_in_dim3A_17 : vector<1x2048xf32>
    %add3A_18 = arith.addf %log3A, %broadcast_in_dim3A : vector<1x2048xf32>
    %sub3A_19 = vector.broadcast %add3A_18 : vector<1x2048xf32> to vector<40x2048xf32>
    %sub3A_20 = arith.subf %add3A_13, %sub3A_19 : vector<40x2048xf32>
    %swap3A = arith.constant 0 : index
    %swap3A_21 = arith.constant 0 : index
    %swap3A_22 = vector.load %arg3[%swap3A, %swap3A_21] : memref<40x2048xf32, #tpu.memory_space<vmem>>, vector<40x2048xf32>
    tpu.vector_store %arg3[%swap3A, %swap3A_21], %sub3A_20 {strides = array<i32>} : memref<40x2048xf32, #tpu.memory_space<vmem>>, vector<40x2048xf32>,
    return
  }
  func.func @transform_0(%arg0: i32) -> (i32, i32, i32) {
    %c0_i32 = arith.constant 0 : i32
    %c0_i32_0 = arith.constant 0 : i32
    %c0_i32_1 = arith.constant 0 : i32
    return %c0_i32, %c0_i32_0, %arg0 : i32, i32, i32
  }
  func.func @transform_1(%arg0: i32) -> (i32, i32) {
    %c0_i32 = arith.constant 0 : i32
    %c0_i32_0 = arith.constant 0 : i32
    %c0_i32_1 = arith.constant 0 : i32
    return %c0_i32, %c0_i32_0 : i32, i32
  }
  func.func @transform_2(%arg0: i32) -> (i32, i32) {
    %c0_i32 = arith.constant 0 : i32
    %c0_i32_0 = arith.constant 0 : i32
    return %c0_i32, %arg0 : i32, i32
  }
}

</mosaic_0001>

<sc_bundles>
// kernel: kernel.11.cloned.1.call-start
scs
__scs_entry_jumppad:
0x0: {  	(pc) =	sbr.rel $0x88, $3  }
0x1: {  	(tag) =	ssettag $0x0;
	lr =	simm.s32 $0x1  }
0x2: {  	[smem:$0x3F9B] =	sst lr;
	_ =	strace $0xD0000000  }
0x3: {  	_ = 	snop  }
0x4: {  	_ = 	snop  }
0x5: {  	_ = 	snop  }
0x6: {  	_ = 	snop  }
0x7: {  	_ = 	snop  }
__scs_overlays_trampoline_lowered:
0x8: {  	[smem:$0x3FAA] =	sst s0  }
0x9: {  	[smem:$0x3FAB] =	sst s1  }
0xa: {  	[smem:$0x3FAC] =	sst s2  }
0xb: {  	[smem:$0x3FAD] =	sst s3  }
0xc: {  	[smem:$0x3FAE] =	sst s4  }
0xd: {  	[smem:$0x3FAF] =	sst s5  }
0xe: {  	[smem:$0x3FB0] =	sst s6  }
0xf: {  	[smem:$0x3FB1] =	sst s7  }
0x10: {  	[smem:$0x3FB2] =	sst s8  }
0x11: {  	[smem:$0x3FB3] =	sst s9;
	s0 =	simm.s32 @!p0 $0x0  }
0x12: {  	s1 =	sld [smem:$0x3F99];
	s0 =	simm.s32 @p0 $0x1  }
0x13: {  	[smem:$0x3FB4] =	sst s0;
	s0 =	simm.s32 @!p1 $0x0  }
0x14: {  	s2 =	sld [smem:$0x3F98];
	s0 =	simm.s32 @p1 $0x1  }
0x15: {  	[smem:$0x3FB5] =	sst s0;
	s0 =	simm.s32 @!p2 $0x0  }
0x16: {  	s3 =	sld [smem:$0x3FDB];
	s0 =	simm.s32 @p2 $0x1  }
0x17: {  	s4 =	simm.s32 $0x1BF5;
	[smem:$0x3FB7] =	sst s0  }
0x18: {  	s0 =	sld [smem:$0x3F9A];
	_ =	swait.ge [sflag:s4], $0x0  }
0x19: {  	s7 =	sld [smem:$0x3F9B]  }
0x1a: {  	s8 =	sadd.s32 $0xFFFFE003, lr  }
0x1b: {  	s9 =	sadd.s32 $0xFFFFFEF7, lr;
	s5 =	simm.s32 $0xFFFFFFFF;
	p2 =	slt.u32 s8, $0xFFFFF086  }
0x1c: {  	p1 =	slt.u32 s9, $0xF7A;
	s5 =	simm.s32 @!p2 $0x0  }
0x1d: {  	s5 =	simm.s32 @p1 $0x1;
	p0 =	seq.s32 s7, s2  }
0x1e: {  	s7 =	smul.u32 @!p0 $0xF7A, s2;
	p2 =	seq.s32 @!p0 s5, $0x0  }
0x1f: {  	s9 =	smul.u32 $0xF7A, s1;
	s8 =	simm.s32 @!p0 $0x1BF5;
	p2 =	por !p2, p0  }
0x20: {  	[sflag:s8] =	ssyncset.s32 @!p0 $0xFFFFF086;
	s6 =	sadd.s32 @!p0 s3, s7;
	s7 =	simm.s32 @!p0 $0x108  }
0x21: {  	s3 =	sadd.s32 s3, s9;
	s6 =	sadd.s32 @!p0 $0x88, s6;
	s7 =	simm.s32 @p2 $0x1082  }
0x22: {  	[simem:s7], [sflag:s8] =	dma.local @!p0 [hbm:s6], $0xF7A  }
0x23: {  	s9 =	sor.u32 $0xD0000000, s2;
	s6 =	simm.s32 $0x108;
	_ =	swait.ge @!p0 [sflag:s8], $0x0  }
0x24: {  	s3 =	sadd.s32 $0x88, s3;
	s6 =	simm.s32 @!p1 $0x1082;
	[sflag:s4] =	ssyncset.s32 $0xFFFFF086  }
0x25: {  	[simem:s6], [sflag:s4] =	dma.local [hbm:s3], $0xF7A  }
0x26: {  	[smem:$0x3F9B] =	sst s1;
	(tag) =	ssettag s2;
	_ =	strace s9  }
0x27: {  	s1 =	sld [smem:$0x3FAB]  }
0x28: {  	s2 =	sld [smem:$0x3FAC]  }
0x29: {  	s4 =	sld [smem:$0x3FAE]  }
0x2a: {  	p0 =	seq.s32 s5, $0x0;
	s5 =	sld [smem:$0x3FAF]  }
0x2b: {  	s6 =	sld [smem:$0x3FB0]  }
0x2c: {  	s7 =	sld [smem:$0x3FB1]  }
0x2d: {  	s3 =	simm.s32 $0x108;
	s8 =	sld [smem:$0x3FB2]  }
0x2e: {  	s3 =	simm.s32 @!p0 $0x1082;
	s9 =	sld [smem:$0x3FB3]  }
0x2f: {  	lr =	sadd.s32 s0, s3;
	s0 =	sld [smem:$0x3FAA]  }
0x30: {  	s3 =	sld [smem:$0x3FAD]  }
0x31: {  	[smem:$0x3FB6] =	sst s10  }
0x32: {  	s10 =	sld [smem:$0x3FB4];
	_ =	sdelay $0x3  }
0x33: {  	p0 =	seq.s32 s10, $0x1;
	s10 =	sld [smem:$0x3FB6];
	_ =	sdelay $0x3  }
0x34: {  	[smem:$0x3FB6] =	sst s10  }
0x35: {  	s10 =	sld [smem:$0x3FB5];
	_ =	sdelay $0x3  }
0x36: {  	p1 =	seq.s32 s10, $0x1;
	s10 =	sld [smem:$0x3FB6];
	_ =	sdelay $0x3  }
0x37: {  	[smem:$0x3FB6] =	sst s10  }
0x38: {  	s10 =	sld [smem:$0x3FB7]  }
0x39: {  	_ = 	snop;
	(pc) =	sbr.ind lr, $3  }
0x3a: {  	_ = 	snop  }
0x3b: {  	_ = 	snop  }
0x3c: {  	p2 =	seq.s32 s10, $0x1;
	s10 =	sld [smem:$0x3FB6]  }
0x3d: {  	_ =	shalt  }
0x3e: {  	_ =	shalt  }
0x3f: {  	_ =	shalt  }
0x40: {  	_ =	shalt  }
0x41: {  	_ =	shalt  }
0x42: {  	_ =	shalt  }
0x43: {  	_ =	shalt  }
0x44: {  	_ =	shalt  }
0x45: {  	_ =	shalt  }
0x46: {  	_ =	shalt  }
0x47: {  	_ =	shalt  }
0x48: {  	_ =	shalt  }
0x49: {  	_ =	shalt  }
0x4a: {  	_ =	shalt  }
0x4b: {  	_ =	shalt  }
0x4c: {  	_ =	shalt  }
0x4d: {  	_ =	shalt  }
0x4e: {  	_ =	shalt  }
0x4f: {  	_ =	shalt  }
0x50: {  	_ =	shalt  }
0x51: {  	_ =	shalt  }
0x52: {  	_ =	shalt  }
0x53: {  	_ =	shalt  }
0x54: {  	_ =	shalt  }
0x55: {  	_ =	shalt  }
0x56: {  	_ =	shalt  }
0x57: {  	_ =	shalt  }
0x58: {  	_ =	shalt  }
0x59: {  	_ =	shalt  }
0x5a: {  	_ =	shalt  }
0x5b: {  	_ =	shalt  }
0x5c: {  	_ =	shalt  }
0x5d: {  	_ =	shalt  }
0x5e: {  	_ =	shalt  }
0x5f: {  	_ =	shalt  }
0x60: {  	_ =	shalt  }
0x61: {  	_ =	shalt  }
0x62: {  	_ =	shalt  }
0x63: {  	_ =	shalt  }
0x64: {  	_ =	shalt  }
0x65: {  	_ =	shalt  }
0x66: {  	_ =	shalt  }
0x67: {  	_ =	shalt  }
0x68: {  	_ =	shalt  }
0x69: {  	_ =	shalt  }
0x6a: {  	_ =	shalt  }
0x6b: {  	_ =	shalt  }
0x6c: {  	_ =	shalt  }
0x6d: {  	_ =	shalt  }
0x6e: {  	_ =	shalt  }
0x6f: {  	_ =	shalt  }
0x70: {  	_ =	shalt  }
0x71: {  	_ =	shalt  }
0x72: {  	_ =	shalt  }
0x73: {  	_ =	shalt  }
0x74: {  	_ =	shalt  }
0x75: {  	_ =	shalt  }
0x76: {  	_ =	shalt  }
0x77: {  	_ =	shalt  }
0x78: {  	_ =	shalt  }
0x79: {  	_ =	shalt  }
0x7a: {  	_ =	shalt  }
0x7b: {  	_ =	shalt  }
0x7c: {  	_ =	shalt  }
0x7d: {  	_ =	shalt  }
0x7e: {  	_ =	shalt  }
0x7f: {  	_ =	shalt  }
0x80: {  	_ =	shalt  }
0x81: {  	_ =	shalt  }
0x82: {  	_ =	shalt  }
0x83: {  	_ =	shalt  }
0x84: {  	_ =	shalt  }
0x85: {  	_ =	shalt  }
0x86: {  	_ =	shalt  }
0x87: {  	_ =	shalt  }
.Lfunc_end0:
.L_simem_size_0:
called_computation.1_lowered:
.L_overlay_start_0:
0x88: {  	s2 =	sld [smem:$0x3FD9]  }
0x89: {  	s3 =	sld [smem:$0x3FFE];
	_ =	sdelay $0x1  }
0x8a: {  	s1 =	srdreg.scid  }
0x8b: {  	s0 =	sand.u32 $0x1, s1  }
0x8c: {  	s14 =	sshll.u32 s0, $0xA;
	s2 =	sadd.s32 s3, s2  }
0x8d: {  	s2 =	sadd.s32 s2, s14  }
0x8e: {  	[smem:$0x3FC2] =	sst s2  }
0x8f: {  	_ = 	snop  }
0x90: {  	s2 =	sld [smem:$0x3FD0];
	_ =	sdelay $0x2  }
0x91: {  	s15 =	simm.s32 $0xA;
	s4 =	simm.s32 $0x10  }
0x92: {  	[smem:s4], [sflag:s15] =	dma.local [hbm:s2], $0x1  }
0x93: {  	_ =	swait.eq [sflag:s15], $0x1  }
0x94: {  	[sflag:s15] =	ssyncset.done $0x0  }
0x95: {  	s16 =	sld [smem:$0x10];
	[sflag:s15] =	ssyncadd.s32 $0xFFFFFFFF  }
0x96: {  	s17 =	sld [smem:$0x11];
	(tm) =	ssettm $0x1  }
0x97: {  	s18 =	sld [smem:$0x3FFB];
	_ =	sdelay $0x3  }
0x98: {  	_ =	strace s18  }
0x99: {  	s4 =	sld [smem:$0x3FFC];
	_ =	sdelay $0x3  }
0x9a: {  	_ =	strace s4  }
0x9b: {  	s4 =	sld [smem:$0x3FFD];
	_ =	sdelay $0x3  }
0x9c: {  	_ =	strace s4  }
0x9d: {  	_ =	strace $0x8FFFFFFF  }
0x9e: {  	s19 =	sld [smem:$0x3FDB];
	_ =	sdelay $0x1  }
0x9f: {  	s5 =	simm.s32 $_scs_section_size  }
0xa0: {  	s6 =	simm.s32 $_size__tile_overlayer_lowered;
	s7 =	simm.s32 $_tile_overlayer_lowered  }
0xa1: {  	s22 =	simm.s32 $0x1BFF;
	s21 =	sshll.u32 s7, $0x1;
	s4 =	sadd.s32 s5, s19  }
0xa2: {  	s8 =	simm.s32 $0x0;
	s20 =	sshll.u32 s6, $0x1;
	s6 =	sadd.s32 s21, s4  }
0xa3: {  	[timem:s8], [sflag:s22] =	dma.local [hbm:s6], s20  }
0xa4: {  	_ =	swait.ge [sflag:s22], s20  }
0xa5: {  	s5 =	ssub.s32 $0x0, s20;
	[sflag:s22] =	ssyncset.done $0x0  }
0xa6: {  	[sflag:s22] =	ssyncadd.s32 s5;
	_ =	sdelay $0x1  }
0xa7: {  	s23 =	simm.s32 $0x1B8B  }
0xa8: {  	_ =	swait.ge [sflag:s23], $0x1  }
0xa9: {  	[sflag:s23] =	ssyncset.done $0x0  }
0xaa: {  	s25 =	simm.s32 $0x1B8E;
	s24 =	sld [smem:$0x3FFE];
	[sflag:s23] =	ssyncadd.s32 $0xFFFFFFFF  }
0xab: {  	s26 =	simm.s32 $execute0_lowered;
	[smem:$0x3FD2] =	sst s25  }
0xac: {  	s6 =	sshll.u32 s26, $0x1;
	_ =	strace $0x80000049;
	[dreg:$0x1] =	wrdreg $0xFFFFFFFF  }
0xad: {  	s28 =	simm.s32 $_size_execute0_lowered;
	s4 =	sadd.s32 s4, s6;
	[dreg:$0x0] =	wrdreg $0x0  }
0xae: {  	s6 =	sshll.u32 s28, $0x1;
	[dreg:$0x2] =	wrdreg s4  }
0xaf: {  	[dreg:$0x3] =	wrdreg s6  }
0xb0: {  	[dreg:$0x4] =	wrdreg $0xC0  }
0xb1: {  	_ =	task [dreg:s8], $0x5FFFF  }
0xb2: {  	[dreg:$0x1] =	wrdreg $0xFFFFFFFF  }
0xb3: {  	[dreg:$0x0] =	wrdreg $0x60  }
0xb4: {  	[dreg:$0x2] =	wrdreg s24  }
0xb5: {  	[dreg:$0x3] =	wrdreg s16  }
0xb6: {  	[dreg:$0x4] =	wrdreg s17  }
0xb7: {  	[dreg:$0x5] =	wrdreg $0x9  }
0xb8: {  	_ =	task.clear_ibuf [dreg:s8], $0x6FFFF;
	_ =	strace $0x90000049  }
0xb9: {  	s29 =	simm.s32 $0x9;
	_ =	strace $0x8000004B  }
0xba: {  	_ =	swait.ge [sflag:s29], $0x1  }
0xbb: {  	[sflag:s29] =	ssyncadd.s32 $0xFFFFFFFF  }
0xbc: {  	_ =	strace $0x9000004B  }
0xbd: {  	_ =	sfence  }
0xbe: {  	s30 =	sld [smem:$0x0];
	_ =	sdelay $0x2  }
0xbf: {  	s31 =	sshll.u32 s1, $0xD;
	s1 =	sshrl.u32 s1, $0x2  }
0xc0: {  	s3 =	sand.u32 $0x4000, s31;
	s1 =	sadd.s32 s1, s30  }
0xc1: {  	s0 =	sor.u32 s3, s0;
	s1 =	sshll.u32 s1, $0x11  }
0xc2: {  	s0 =	sor.u32 s1, s0  }
0xc3: {  	s0 =	sadd.s32 $0x8F2B, s0  }
0xc4: {  	[sflag:s0] =	ssyncadd.remote.s32 $0x1  }
0xc5: {  	_ =	sfence.sel $0xFFFF  }
0xc6: {  	[dreg:$0x0] =	wrdreg $0xFFFFFFFF;
	(pc) =	sbr.abs _section_cstart, $3  }
0xc7: {  	[dreg:$0x1] =	wrdreg $0xFFFFFFFF  }
0xc8: {  	_ =	task.clear_ibuf [dreg:s8], $0x2FFFF;
	_ =	strace $0x9FFFFFFF  }
0xc9: {  	(tm) =	ssettm $0x7FFFFFFF  }
tec
execute0_lowered:
.L_overlay_start_1:
0x0: {  	(tag) =	ssettag $0x1  }
0x1: {  	s0 =	rddreg [dreg:$0x0]  }
0x2: {  	s2 =	rddreg [dreg:$0x1]  }
0x3: {  	s3 =	rddreg [dreg:$0x2]  }
0x4: {  	s5 =	stileid.u32;
	s1 =	srdreg.scid;
	s4 =	simm.s32 $0x0  }
0x5: {  	s16 =	simm.s32 $0x5200;
	s17 =	simm.s32 $0x5;
	s18 =	simm.s32 $0xF200  }
0x6: {  	s19 =	simm.s32 $0x19200;
	s20 =	simm.s32 $0x2900;
	s21 =	simm.s32 $0x1480  }
0x7: {  	s22 =	simm.s32 $0x3D80;
	s23 =	simm.s32 $0x1;
	s24 =	simm.s32 $0x3  }
0x8: {  	s25 =	simm.s32 $0x2;
	s26 =	simm.s32 $0x4;
	s28 =	simm.s32 $0x0  }
0x9: {  	s6 =	smul.u32 $0xA000, s5;
	s1 =	sand.u32 $0x1, s1;
	[smem:$0x7FF] =	sst s4  }
0xa: {  	s7 =	smul.u32 $0xA0000, s1;
	_ =	strace $0x8000004A;
	s9 =	ssub.s32 $0x2, s1  }
0xb: {  	s1 =	smul.u32 $0x28800, s1;
	s5 =	sshrl.u32 s6, $0x3;
	s31 =	sshrl.u32 s9, $0x1  }
0xc: {  	s8 =	sadd.s32 s5, s0;
	s5 =	sadd.s32 $0x2600, s0;
	s6 =	sadd.s32 s6, s7  }
0xd: {  	s15 =	ssub.s32 s9, s31;
	s10 =	sshrl.u32 s1, $0x3;
	s12 =	sadd.s32 $0x2880, s1  }
0xe: {  	s13 =	sadd.s32 $0x3CC0, s1;
	s7 =	sshrl.u32 s6, $0x3;
	s6 =	sadd.s32 $0x2000, s0  }
0xf: {  	s9 =	sadd.s32 s2, s10;
	s11 =	sadd.s32 $0x288, s10;
	s15 =	smax.u32 s15, $0x1  }
0x10: {  	s0 =	sadd.s32 s7, s0;
	s7 =	sadd.s32 $0xC800, s8;
	s8 =	sadd.s32 s5, s10  }
0x11: {  	s10 =	sadd.s32 s5, s11;
	s11 =	sadd.s32 s2, s11;
	s14 =	sadd.s32 $0x20800, s0  }
.LBB2_1:
0x12: {  	[tilespmem:s16], [sflag:$0x5] =	stream.linear.gather [hbm4b:s7+s4], $0xA000, $0x38;
	[tilespmem:$0x1BA00] =	vst v63  }
0x13: {  	_ =	swait.ge [sflag:s17], $0xA000  }
0x14: {  	[sflag:s17] =	ssyncset.done $0x0  }
0x15: {  	[sflag:s17] =	ssyncadd.s32 $0xFFFF6000  }
0x16: {  	[tilespmem:s18], [sflag:$0x5] =	stream.linear.gather [hbm4b:s3+s4], $0xA000, $0x38;
	[tilespmem:$0x1BA00] =	vst v63  }
0x17: {  	_ =	swait.ge [sflag:s17], $0xA000  }
0x18: {  	[sflag:s17] =	ssyncset.done $0x0  }
0x19: {  	[sflag:s17] =	ssyncadd.s32 $0xFFFF6000  }
0x1a: {  	[tilespmem:s19], [sflag:$0x5] =	stream.linear.gather [hbm4b:s6+s4], $0x2800, $0x38;
	[tilespmem:$0x1BA00] =	vst v63  }
0x1b: {  	_ =	swait.ge [sflag:s17], $0x2800  }
0x1c: {  	s0 =	sand.u32 $0x70, s4;
	s1 =	sand.u32 $0xFE00, s4;
	[sflag:s17] =	ssyncset.done $0x0  }
0x1d: {  	s0 =	sor.u32 s0, s1;
	[sflag:s17] =	ssyncadd.s32 $0xFFFFD800  }
0x1e: {  	v0 =	vld [tilespmem:s0+$0x5280]  }
0x1f: {  	s31 =	simm.s32 $0x0;
	v2 =	vld [tilespmem:s0+$0x5200]  }
0x20: {  	v1 =	vld [tilespmem:s31+$0x19200]  }
0x21: {  	v3 =	vld [tilespmem:s0+$0x5380]  }
0x22: {  	s29 =	simm.s32 $0x10;
	s30 =	simm.s32 $0x0;
	v4 =	vld [tilespmem:s0+$0x5300]  }
.LBB2_2:
0x23: {  	p0 =	sne.s32 s29, $0x27F0  }
0x24: {  	s30 =	sadd.s32 $0x40, s30;
	s1 =	smov.u32 s29;
	s29 =	sadd.s32 $0x10, s29  }
0x25: {  	v2 =	vmul.f32 v2, v1;
	v0 =	vmul.f32 v0, v1  }
0x26: {  	s1 =	sand.u32 $0x70, s1;
	s31 =	sand.u32 $0xFE00, s30;
	v3 =	vmul.f32 v3, v1  }
0x27: {  	s1 =	sor.u32 s1, s31;
	[tilespmem:s0+$0x5280] =	vst v0;
	v1 =	vmul.f32 v4, v1  }
0x28: {  	v0 =	vld [tilespmem:s1+$0x5280];
	[tilespmem:s0+$0x5200] =	vst v2  }
.Ltmp0:
0x29: {  	[tilespmem:s0+$0x5300] =	vst v1;
	(pc) =	sbr.rel @p0 .LBB2_2-.Ltmp0, $4  }
0x2a: {  	s31 =	sshra.s32 s30, $0x2;
	v2 =	vld [tilespmem:s1+$0x5200];
	[tilespmem:s0+$0x5380] =	vst v3;
	s0 =	smov.u32 s1  }
0x2b: {  	v1 =	vld [tilespmem:s31+$0x19200]  }
0x2c: {  	v3 =	vld [tilespmem:s0+$0x5380]  }
0x2d: {  	v4 =	vld [tilespmem:s0+$0x5300]  }
0x2e: {  	_ =	sdelay $0x1  }
0x2f: {  	v0 =	vmul.f32 v0, v1  }
0x30: {  	v2 =	vmul.f32 v2, v1  }
0x31: {  	v63 =	vmul.f32 v3, v1;
	[tilespmem:s0+$0x5280] =	vst v0  }
0x32: {  	v62 =	vmul.f32 v4, v1;
	[tilespmem:s0+$0x5200] =	vst v2  }
0x33: {  	[tilespmem:s0+$0x5380] =	vst v63  }
0x34: {  	s29 =	simm.s32 $0x0;
	[tilespmem:s0+$0x5300] =	vst v62  }
0x35: {  	[tilespmem:s29], [sflag:$0x1] =	stream.linear.gather [hbm4b:s8+s29], $0x1440, $0x38;
	[tilespmem:$0x1BA00] =	vst v63  }
0x36: {  	_ = 	snop  }
0x37: {  	[tilespmem:s20], [sflag:$0x3] =	stream.linear.gather [hbm4b:s9+s29], $0x1440, $0x38;
	[tilespmem:$0x1BA00] =	vst v63  }
0x38: {  	_ = 	snop  }
0x39: {  	[tilespmem:s21], [sflag:$0x2] =	stream.linear.gather [hbm4b:s10+s29], $0x1440, $0x38;
	[tilespmem:$0x1BA00] =	vst v63  }
0x3a: {  	_ = 	snop  }
0x3b: {  	[tilespmem:s22], [sflag:$0x4] =	stream.linear.gather [hbm4b:s11+s29], $0x1440, $0x38;
	[tilespmem:$0x1BA00] =	vst v63  }
.LBB2_4:
0x3c: {  	_ =	swait.ge [sflag:s23], $0x1440  }
0x3d: {  	[sflag:s23] =	ssyncset.done $0x0  }
0x3e: {  	[sflag:s23] =	ssyncadd.s32 $0xFFFFEBC0  }
0x3f: {  	_ =	swait.ge [sflag:s24], $0x1440  }
0x40: {  	s30 =	simm.s32 $0xFFFFFFF0;
	[sflag:s24] =	ssyncset.done $0x0  }
0x41: {  	s31 =	simm.s32 $0x2980;
	s0 =	simm.s32 $0x80;
	[sflag:s24] =	ssyncadd.s32 $0xFFFFEBC0  }
.LBB2_5:
0x42: {  	v0 =	vld [tilespmem:s0+$0xFFFFFF80]  }
0x43: {  	v1 =	vld [tilespmem:s31+$0xFFFFFF80]  }
0x44: {  	v5 =	vld [tilespmem:s0+$0xFFFFFF90]  }
0x45: {  	v8 =	vld [tilespmem:s31+$0xFFFFFF90]  }
0x46: {  	v14 =	vld [tilespmem:s0+$0xFFFFFFA0]  }
0x47: {  	v17 =	vld [tilespmem:s31+$0xFFFFFFA0]  }
0x48: {  	v24 =	vld [tilespmem:s0+$0xFFFFFFB0];
	v2 =	vshll.u32 v0, $0x2  }
0x49: {  	v28 =	vld [tilespmem:s31+$0xFFFFFFB0];
	v0 =	vand.u32 $0x7F, v0;
	v2 =	vand.u32 $0xFFFFFE00, v2  }
0x4a: {  	v35 =	vld [tilespmem:s0+$0xFFFFFFC0];
	v0 =	vor.u32 v0, v2  }
0x4b: {  	v39 =	vld [tilespmem:s31+$0xFFFFFFC0];
	v2 =	vor.u32 $0x80, v0  }
0x4c: {  	v46 =	vld [tilespmem:s0+$0xFFFFFFD0];
	v3 =	vor.u32 $0x100, v0  }
0x4d: {  	v50 =	vld [tilespmem:s31+$0xFFFFFFD0];
	v4 =	vshll.u32 v1, $0x2  }
0x4e: {  	v57 =	vld [tilespmem:s0+$0xFFFFFFE0];
	v1 =	vand.u32 $0x7F, v1;
	v4 =	vand.u32 $0xFFFFFE00, v4;
	v6 =	vor.u32 $0x180, v0  }
0x4f: {  	v1 =	vor.u32 v1, v4;
	v0 =	vld.idx.msk [tilespmem:v0+s16+$0x0], $0xffff  }
0x50: {  	v9 =	vshll.u32 v5, $0x2;
	v4 =	vor.u32 $0x80, v1;
	v2 =	vld.idx.msk [tilespmem:v2+s16+$0x0], $0xffff  }
0x51: {  	v5 =	vand.u32 $0x7F, v5;
	v9 =	vand.u32 $0xFFFFFE00, v9;
	v7 =	vor.u32 $0x100, v1;
	v3 =	vld.idx.msk [tilespmem:v3+s16+$0x0], $0xffff  }
0x52: {  	v61 =	vld [tilespmem:s31+$0xFFFFFFE0];
	v9 =	vor.u32 v5, v9  }
0x53: {  	v5 =	vor.u32 $0x180, v9;
	v6 =	vld.idx.msk [tilespmem:v6+s16+$0x0], $0xffff  }
0x54: {  	v11 =	vor.u32 $0x80, v9;
	[tilespmem:v1+s18+$0x0] =	vst.idx.add.f32.msk $0xffff, v0  }
0x55: {  	v13 =	vshll.u32 v8, $0x2;
	v15 =	vand.u32 $0x7F, v8;
	v10 =	vor.u32 $0x180, v1;
	[tilespmem:v4+s18+$0x0] =	vst.idx.add.f32.msk $0xffff, v2  }
0x56: {  	v18 =	vshll.u32 v14, $0x2;
	v12 =	vor.u32 $0x100, v9;
	[tilespmem:v7+s18+$0x0] =	vst.idx.add.f32.msk $0xffff, v3;
	v3 =	vand.u32 $0xFFFFFE00, v13  }
0x57: {  	v0 =	vld.idx.msk [tilespmem:v9+s16+$0x0], $0xffff;
	v9 =	vand.u32 $0xFFFFFE00, v18;
	v4 =	vand.u32 $0x7F, v14;
	v3 =	vor.u32 v15, v3  }
0x58: {  	v5 =	vld.idx.msk [tilespmem:v5+s16+$0x0], $0xffff;
	v20 =	vor.u32 v4, v9  }
0x59: {  	v1 =	vld.idx.msk [tilespmem:v11+s16+$0x0], $0xffff  }
0x5a: {  	[tilespmem:v10+s18+$0x0] =	vst.idx.add.f32.msk $0xffff, v6;
	v6 =	vor.u32 $0x80, v3  }
0x5b: {  	v2 =	vld.idx.msk [tilespmem:v12+s16+$0x0], $0xffff;
	v21 =	vor.u32 $0x80, v20  }
0x5c: {  	v16 =	vor.u32 $0x100, v3;
	[tilespmem:v3+s18+$0x0] =	vst.idx.add.f32.msk $0xffff, v0  }
0x5d: {  	v22 =	vor.u32 $0x100, v20;
	v0 =	vld.idx.msk [tilespmem:v20+s16+$0x0], $0xffff  }
0x5e: {  	v25 =	vor.u32 $0x180, v20;
	v20 =	vld [tilespmem:s31+$0xFFFFFFF0]  }
0x5f: {  	v23 =	vshll.u32 v17, $0x2;
	v19 =	vor.u32 $0x180, v3;
	[tilespmem:v6+s18+$0x0] =	vst.idx.add.f32.msk $0xffff, v1  }
0x60: {  	v26 =	vand.u32 $0x7F, v17;
	v29 =	vshll.u32 v24, $0x2;
	v3 =	vand.u32 $0xFFFFFE00, v23;
	v1 =	vld.idx.msk [tilespmem:v21+s16+$0x0], $0xffff  }
0x61: {  	v4 =	vand.u32 $0x7F, v24;
	v9 =	vand.u32 $0xFFFFFE00, v29;
	v3 =	vor.u32 v26, v3;
	[tilespmem:v16+s18+$0x0] =	vst.idx.add.f32.msk $0xffff, v2  }
0x62: {  	v31 =	vor.u32 v4, v9;
	v2 =	vld.idx.msk [tilespmem:v22+s16+$0x0], $0xffff  }
0x63: {  	v16 =	vld [tilespmem:s0+$0xFFFFFFF0]  }
0x64: {  	v6 =	vor.u32 $0x80, v3;
	[tilespmem:v19+s18+$0x0] =	vst.idx.add.f32.msk $0xffff, v5  }
0x65: {  	v32 =	vor.u32 $0x80, v31;
	v5 =	vld.idx.msk [tilespmem:v25+s16+$0x0], $0xffff  }
0x66: {  	v27 =	vor.u32 $0x100, v3;
	[tilespmem:v3+s18+$0x0] =	vst.idx.add.f32.msk $0xffff, v0  }
0x67: {  	v33 =	vor.u32 $0x100, v31;
	v0 =	vld.idx.msk [tilespmem:v31+s16+$0x0], $0xffff  }
0x68: {  	v36 =	vor.u32 $0x180, v31;
	v31 =	vld [tilespmem:s31+$0x0]  }
0x69: {  	v34 =	vshll.u32 v28, $0x2;
	v30 =	vor.u32 $0x180, v3;
	[tilespmem:v6+s18+$0x0] =	vst.idx.add.f32.msk $0xffff, v1  }
0x6a: {  	v37 =	vand.u32 $0x7F, v28;
	v40 =	vshll.u32 v35, $0x2;
	v3 =	vand.u32 $0xFFFFFE00, v34;
	v1 =	vld.idx.msk [tilespmem:v32+s16+$0x0], $0xffff  }
0x6b: {  	v4 =	vand.u32 $0x7F, v35;
	v9 =	vand.u32 $0xFFFFFE00, v40;
	v3 =	vor.u32 v37, v3;
	[tilespmem:v27+s18+$0x0] =	vst.idx.add.f32.msk $0xffff, v2  }
0x6c: {  	v42 =	vor.u32 v4, v9;
	v2 =	vld.idx.msk [tilespmem:v33+s16+$0x0], $0xffff  }
0x6d: {  	v27 =	vld [tilespmem:s0+$0x0]  }
0x6e: {  	v6 =	vor.u32 $0x80, v3;
	[tilespmem:v30+s18+$0x0] =	vst.idx.add.f32.msk $0xffff, v5  }
0x6f: {  	v43 =	vor.u32 $0x80, v42;
	v5 =	vld.idx.msk [tilespmem:v36+s16+$0x0], $0xffff  }
0x70: {  	v38 =	vor.u32 $0x100, v3;
	[tilespmem:v3+s18+$0x0] =	vst.idx.add.f32.msk $0xffff, v0  }
0x71: {  	v44 =	vor.u32 $0x100, v42;
	v0 =	vld.idx.msk [tilespmem:v42+s16+$0x0], $0xffff  }
0x72: {  	v47 =	vor.u32 $0x180, v42;
	v42 =	vld [tilespmem:s31+$0x10]  }
0x73: {  	v45 =	vshll.u32 v39, $0x2;
	v41 =	vor.u32 $0x180, v3;
	[tilespmem:v6+s18+$0x0] =	vst.idx.add.f32.msk $0xffff, v1  }
0x74: {  	v48 =	vand.u32 $0x7F, v39;
	v51 =	vshll.u32 v46, $0x2;
	v3 =	vand.u32 $0xFFFFFE00, v45;
	v1 =	vld.idx.msk [tilespmem:v43+s16+$0x0], $0xffff  }
0x75: {  	v4 =	vand.u32 $0x7F, v46;
	v9 =	vand.u32 $0xFFFFFE00, v51;
	v3 =	vor.u32 v48, v3;
	[tilespmem:v38+s18+$0x0] =	vst.idx.add.f32.msk $0xffff, v2  }
0x76: {  	v53 =	vor.u32 v4, v9;
	v2 =	vld.idx.msk [tilespmem:v44+s16+$0x0], $0xffff  }
0x77: {  	v38 =	vld [tilespmem:s0+$0x10]  }
0x78: {  	v6 =	vor.u32 $0x80, v3;
	[tilespmem:v41+s18+$0x0] =	vst.idx.add.f32.msk $0xffff, v5  }
0x79: {  	v54 =	vor.u32 $0x80, v53;
	v5 =	vld.idx.msk [tilespmem:v47+s16+$0x0], $0xffff  }
0x7a: {  	v49 =	vor.u32 $0x100, v3;
	[tilespmem:v3+s18+$0x0] =	vst.idx.add.f32.msk $0xffff, v0  }
0x7b: {  	v55 =	vor.u32 $0x100, v53;
	v0 =	vld.idx.msk [tilespmem:v53+s16+$0x0], $0xffff  }
0x7c: {  	v58 =	vor.u32 $0x180, v53;
	v53 =	vld [tilespmem:s31+$0x20]  }
0x7d: {  	v52 =	vor.u32 $0x180, v3;
	[tilespmem:v6+s18+$0x0] =	vst.idx.add.f32.msk $0xffff, v1  }
0x7e: {  	v56 =	vshll.u32 v50, $0x2;
	v1 =	vld.idx.msk [tilespmem:v54+s16+$0x0], $0xffff  }
0x7f: {  	v59 =	vand.u32 $0x7F, v50;
	v62 =	vshll.u32 v57, $0x2;
	v3 =	vand.u32 $0xFFFFFE00, v56;
	[tilespmem:v49+s18+$0x0] =	vst.idx.add.f32.msk $0xffff, v2  }
0x80: {  	v4 =	vand.u32 $0x7F, v57;
	v9 =	vand.u32 $0xFFFFFE00, v62;
	v3 =	vor.u32 v59, v3;
	v2 =	vld.idx.msk [tilespmem:v55+s16+$0x0], $0xffff  }
0x81: {  	v12 =	vor.u32 v4, v9;
	v49 =	vld [tilespmem:s0+$0x20]  }
0x82: {  	[tilespmem:v52+s18+$0x0] =	vst.idx.add.f32.msk $0xffff, v5  }
0x83: {  	v6 =	vor.u32 $0x80, v3;
	v5 =	vld.idx.msk [tilespmem:v58+s16+$0x0], $0xffff  }
0x84: {  	v13 =	vor.u32 $0x80, v12;
	v59 =	vshll.u32 v53, $0x2;
	v62 =	vand.u32 $0x7F, v53;
	v53 =	vld [tilespmem:s31+$0x70]  }
0x85: {  	v60 =	vor.u32 $0x100, v3;
	[tilespmem:v3+s18+$0x0] =	vst.idx.add.f32.msk $0xffff, v0  }
0x86: {  	v14 =	vor.u32 $0x100, v12;
	v0 =	vld.idx.msk [tilespmem:v12+s16+$0x0], $0xffff  }
0x87: {  	v17 =	vor.u32 $0x180, v12;
	v12 =	vld [tilespmem:s31+$0x30]  }
0x88: {  	v15 =	vshll.u32 v61, $0x2;
	v63 =	vor.u32 $0x180, v3;
	[tilespmem:v6+s18+$0x0] =	vst.idx.add.f32.msk $0xffff, v1  }
0x89: {  	v18 =	vand.u32 $0x7F, v61;
	v21 =	vshll.u32 v16, $0x2;
	v3 =	vand.u32 $0xFFFFFE00, v15;
	v1 =	vld.idx.msk [tilespmem:v13+s16+$0x0], $0xffff  }
0x8a: {  	v4 =	vand.u32 $0x7F, v16;
	v9 =	vand.u32 $0xFFFFFE00, v21;
	v3 =	vor.u32 v18, v3;
	[tilespmem:v60+s18+$0x0] =	vst.idx.add.f32.msk $0xffff, v2  }
0x8b: {  	v23 =	vor.u32 v4, v9;
	v2 =	vld.idx.msk [tilespmem:v14+s16+$0x0], $0xffff  }
0x8c: {  	v60 =	vld [tilespmem:s0+$0x30]  }
0x8d: {  	v6 =	vor.u32 $0x80, v3;
	[tilespmem:v63+s18+$0x0] =	vst.idx.add.f32.msk $0xffff, v5  }
0x8e: {  	v24 =	vor.u32 $0x80, v23;
	v5 =	vld.idx.msk [tilespmem:v17+s16+$0x0], $0xffff  }
0x8f: {  	v19 =	vor.u32 $0x100, v3;
	[tilespmem:v3+s18+$0x0] =	vst.idx.add.f32.msk $0xffff, v0  }
0x90: {  	v25 =	vor.u32 $0x100, v23;
	v0 =	vld.idx.msk [tilespmem:v23+s16+$0x0], $0xffff  }
0x91: {  	v28 =	vor.u32 $0x180, v23;
	v23 =	vld [tilespmem:s31+$0x40]  }
0x92: {  	v26 =	vshll.u32 v20, $0x2;
	v22 =	vor.u32 $0x180, v3;
	[tilespmem:v6+s18+$0x0] =	vst.idx.add.f32.msk $0xffff, v1  }
0x93: {  	v29 =	vand.u32 $0x7F, v20;
	v32 =	vshll.u32 v27, $0x2;
	v3 =	vand.u32 $0xFFFFFE00, v26;
	v1 =	vld.idx.msk [tilespmem:v24+s16+$0x0], $0xffff  }
0x94: {  	v4 =	vand.u32 $0x7F, v27;
	v9 =	vand.u32 $0xFFFFFE00, v32;
	v3 =	vor.u32 v29, v3;
	[tilespmem:v19+s18+$0x0] =	vst.idx.add.f32.msk $0xffff, v2  }
0x95: {  	v34 =	vor.u32 v4, v9;
	v2 =	vld.idx.msk [tilespmem:v25+s16+$0x0], $0xffff  }
0x96: {  	v19 =	vld [tilespmem:s0+$0x40]  }
0x97: {  	v6 =	vor.u32 $0x80, v3;
	[tilespmem:v22+s18+$0x0] =	vst.idx.add.f32.msk $0xffff, v5  }
0x98: {  	v35 =	vor.u32 $0x80, v34;
	v5 =	vld.idx.msk [tilespmem:v28+s16+$0x0], $0xffff  }
0x99: {  	[tilespmem:v3+s18+$0x0] =	vst.idx.add.f32.msk $0xffff, v0  }
0x9a: {  	v30 =	vor.u32 $0x100, v3;
	v0 =	vld.idx.msk [tilespmem:v34+s16+$0x0], $0xffff  }
0x9b: {  	v36 =	vor.u32 $0x100, v34;
	v39 =	vor.u32 $0x180, v34;
	v34 =	vld [tilespmem:s31+$0x50]  }
0x9c: {  	v37 =	vshll.u32 v31, $0x2;
	[tilespmem:v6+s18+$0x0] =	vst.idx.add.f32.msk $0xffff, v1  }
0x9d: {  	v40 =	vand.u32 $0x7F, v31;
	v33 =	vor.u32 $0x180, v3;
	v3 =	vand.u32 $0xFFFFFE00, v37;
	v1 =	vld.idx.msk [tilespmem:v35+s16+$0x0], $0xffff  }
0x9e: {  	v43 =	vshll.u32 v38, $0x2;
	v3 =	vor.u32 v40, v3;
	v40 =	vld [tilespmem:s0+$0x60]  }
0x9f: {  	v4 =	vand.u32 $0x7F, v38;
	v9 =	vand.u32 $0xFFFFFE00, v43;
	[tilespmem:v30+s18+$0x0] =	vst.idx.add.f32.msk $0xffff, v2  }
0xa0: {  	v45 =	vor.u32 v4, v9;
	v2 =	vld.idx.msk [tilespmem:v36+s16+$0x0], $0xffff  }
0xa1: {  	v30 =	vld [tilespmem:s0+$0x50]  }
0xa2: {  	v6 =	vor.u32 $0x80, v3;
	[tilespmem:v33+s18+$0x0] =	vst.idx.add.f32.msk $0xffff, v5  }
0xa3: {  	v46 =	vor.u32 $0x80, v45;
	v5 =	vld.idx.msk [tilespmem:v39+s16+$0x0], $0xffff  }
0xa4: {  	[tilespmem:v3+s18+$0x0] =	vst.idx.add.f32.msk $0xffff, v0  }
0xa5: {  	v48 =	vshll.u32 v42, $0x2;
	v41 =	vor.u32 $0x100, v3;
	v0 =	vld.idx.msk [tilespmem:v45+s16+$0x0], $0xffff  }
0xa6: {  	v47 =	vor.u32 $0x100, v45;
	v44 =	vor.u32 $0x180, v3;
	v3 =	vand.u32 $0xFFFFFE00, v48;
	v48 =	vld [tilespmem:s0+$0x70]  }
0xa7: {  	v51 =	vand.u32 $0x7F, v42;
	v54 =	vshll.u32 v49, $0x2;
	[tilespmem:v6+s18+$0x0] =	vst.idx.add.f32.msk $0xffff, v1  }
0xa8: {  	v50 =	vor.u32 $0x180, v45;
	v4 =	vand.u32 $0x7F, v49;
	v9 =	vand.u32 $0xFFFFFE00, v54;
	v1 =	vld.idx.msk [tilespmem:v46+s16+$0x0], $0xffff  }
0xa9: {  	v56 =	vor.u32 v4, v9;
	v3 =	vor.u32 v51, v3;
	v46 =	vld [tilespmem:s31+$0x60]  }
0xaa: {  	v57 =	vor.u32 $0x80, v56;
	v58 =	vor.u32 $0x100, v56;
	v13 =	vshll.u32 v60, $0x2;
	[tilespmem:v41+s18+$0x0] =	vst.idx.add.f32.msk $0xffff, v2  }
0xab: {  	v4 =	vand.u32 $0x7F, v60;
	v9 =	vand.u32 $0xFFFFFE00, v13;
	v6 =	vor.u32 $0x80, v3;
	v2 =	vld.idx.msk [tilespmem:v47+s16+$0x0], $0xffff  }
0xac: {  	v61 =	vor.u32 $0x180, v56;
	v15 =	vor.u32 v4, v9;
	v24 =	vshll.u32 v19, $0x2;
	[tilespmem:v44+s18+$0x0] =	vst.idx.add.f32.msk $0xffff, v5  }
0xad: {  	v4 =	vand.u32 $0x7F, v19;
	v9 =	vand.u32 $0xFFFFFE00, v24;
	v52 =	vor.u32 $0x100, v3;
	v5 =	vld.idx.msk [tilespmem:v50+s16+$0x0], $0xffff  }
0xae: {  	v26 =	vor.u32 v4, v9;
	v35 =	vshll.u32 v30, $0x2;
	v4 =	vand.u32 $0x7F, v30;
	[tilespmem:v3+s18+$0x0] =	vst.idx.add.f32.msk $0xffff, v0  }
0xaf: {  	v55 =	vor.u32 $0x180, v3;
	v9 =	vand.u32 $0xFFFFFE00, v35;
	v44 =	vshll.u32 v40, $0x2;
	v0 =	vld.idx.msk [tilespmem:v56+s16+$0x0], $0xffff  }
0xb0: {  	v37 =	vor.u32 v4, v9;
	v4 =	vand.u32 $0x7F, v40;
	v7 =	vand.u32 $0xFFFFFE00, v44;
	[tilespmem:v6+s18+$0x0] =	vst.idx.add.f32.msk $0xffff, v1  }
0xb1: {  	v4 =	vor.u32 v4, v7;
	v3 =	vand.u32 $0xFFFFFE00, v59;
	v1 =	vld.idx.msk [tilespmem:v57+s16+$0x0], $0xffff  }
0xb2: {  	v3 =	vor.u32 v62, v3;
	[tilespmem:v52+s18+$0x0] =	vst.idx.add.f32.msk $0xffff, v2  }
0xb3: {  	v2 =	vld.idx.msk [tilespmem:v58+s16+$0x0], $0xffff  }
0xb4: {  	v6 =	vor.u32 $0x80, v3;
	[tilespmem:v55+s18+$0x0] =	vst.idx.add.f32.msk $0xffff, v5  }
0xb5: {  	v16 =	vor.u32 $0x80, v15;
	v5 =	vld.idx.msk [tilespmem:v61+s16+$0x0], $0xffff  }
0xb6: {  	v63 =	vor.u32 $0x100, v3;
	v51 =	vld.idx.msk [tilespmem:v4+s16+$0x0], $0xffff  }
0xb7: {  	v17 =	vor.u32 $0x100, v15;
	[tilespmem:v3+s18+$0x0] =	vst.idx.add.f32.msk $0xffff, v0  }
0xb8: {  	v18 =	vshll.u32 v12, $0x2;
	v14 =	vor.u32 $0x180, v3;
	v0 =	vld.idx.msk [tilespmem:v15+s16+$0x0], $0xffff  }
0xb9: {  	v21 =	vand.u32 $0x7F, v12;
	v20 =	vor.u32 $0x180, v15;
	v47 =	vor.u32 $0x80, v4;
	[tilespmem:v6+s18+$0x0] =	vst.idx.add.f32.msk $0xffff, v1  }
0xba: {  	v49 =	vor.u32 $0x100, v4;
	v4 =	vor.u32 $0x180, v4;
	v3 =	vand.u32 $0xFFFFFE00, v18;
	v1 =	vld.idx.msk [tilespmem:v16+s16+$0x0], $0xffff  }
0xbb: {  	v3 =	vor.u32 v21, v3;
	[tilespmem:v63+s18+$0x0] =	vst.idx.add.f32.msk $0xffff, v2  }
0xbc: {  	v2 =	vld.idx.msk [tilespmem:v17+s16+$0x0], $0xffff  }
0xbd: {  	v6 =	vor.u32 $0x80, v3;
	[tilespmem:v14+s18+$0x0] =	vst.idx.add.f32.msk $0xffff, v5  }
0xbe: {  	v27 =	vor.u32 $0x80, v26;
	v5 =	vld.idx.msk [tilespmem:v20+s16+$0x0], $0xffff  }
0xbf: {  	v22 =	vor.u32 $0x100, v3;
	v4 =	vld.idx.msk [tilespmem:v4+s16+$0x0], $0xffff  }
0xc0: {  	v28 =	vor.u32 $0x100, v26;
	[tilespmem:v3+s18+$0x0] =	vst.idx.add.f32.msk $0xffff, v0  }
0xc1: {  	v29 =	vshll.u32 v23, $0x2;
	v25 =	vor.u32 $0x180, v3;
	v0 =	vld.idx.msk [tilespmem:v26+s16+$0x0], $0xffff  }
0xc2: {  	v32 =	vand.u32 $0x7F, v23;
	v31 =	vor.u32 $0x180, v26;
	v3 =	vand.u32 $0xFFFFFE00, v29;
	[tilespmem:v6+s18+$0x0] =	vst.idx.add.f32.msk $0xffff, v1  }
0xc3: {  	v3 =	vor.u32 v32, v3;
	v1 =	vld.idx.msk [tilespmem:v27+s16+$0x0], $0xffff  }
0xc4: {  	[tilespmem:v22+s18+$0x0] =	vst.idx.add.f32.msk $0xffff, v2;
	v6 =	vor.u32 $0x80, v3  }
0xc5: {  	v2 =	vld.idx.msk [tilespmem:v28+s16+$0x0], $0xffff;
	v33 =	vor.u32 $0x100, v3  }
0xc6: {  	[tilespmem:v25+s18+$0x0] =	vst.idx.add.f32.msk $0xffff, v5  }
0xc7: {  	v39 =	vor.u32 $0x100, v37;
	v5 =	vld.idx.msk [tilespmem:v31+s16+$0x0], $0xffff  }
0xc8: {  	v38 =	vor.u32 $0x80, v37;
	[tilespmem:v3+s18+$0x0] =	vst.idx.add.f32.msk $0xffff, v0  }
0xc9: {  	v41 =	vshll.u32 v34, $0x2;
	v36 =	vor.u32 $0x180, v3;
	[tilespmem:v6+s18+$0x0] =	vst.idx.add.f32.msk $0xffff, v1  }
0xca: {  	v43 =	vand.u32 $0x7F, v34;
	v42 =	vor.u32 $0x180, v37;
	[tilespmem:v33+s18+$0x0] =	vst.idx.add.f32.msk $0xffff, v2;
	v2 =	vand.u32 $0xFFFFFE00, v41  }
0xcb: {  	v0 =	vld.idx.msk [tilespmem:v37+s16+$0x0], $0xffff;
	v2 =	vor.u32 v43, v2  }
0xcc: {  	v3 =	vld.idx.msk [tilespmem:v39+s16+$0x0], $0xffff  }
0xcd: {  	v54 =	vshll.u32 v48, $0x2;
	v1 =	vld.idx.msk [tilespmem:v38+s16+$0x0], $0xffff;
	v6 =	vor.u32 $0x80, v2  }
0xce: {  	v7 =	vand.u32 $0x7F, v48;
	v10 =	vand.u32 $0xFFFFFE00, v54;
	[tilespmem:v36+s18+$0x0] =	vst.idx.add.f32.msk $0xffff, v5;
	v45 =	vor.u32 $0x100, v2  }
0xcf: {  	v55 =	vor.u32 v7, v10;
	v5 =	vld.idx.msk [tilespmem:v42+s16+$0x0], $0xffff  }
0xd0: {  	v57 =	vor.u32 $0x100, v55;
	[tilespmem:v2+s18+$0x0] =	vst.idx.add.f32.msk $0xffff, v0  }
0xd1: {  	v2 =	vor.u32 $0x180, v2;
	v0 =	vld.idx.msk [tilespmem:v47+s16+$0x0], $0xffff  }
0xd2: {  	v50 =	vshll.u32 v46, $0x2;
	[tilespmem:v6+s18+$0x0] =	vst.idx.add.f32.msk $0xffff, v1  }
0xd3: {  	v52 =	vand.u32 $0x7F, v46;
	v56 =	vor.u32 $0x80, v55;
	[tilespmem:v45+s18+$0x0] =	vst.idx.add.f32.msk $0xffff, v3;
	v3 =	vand.u32 $0xFFFFFE00, v50  }
0xd4: {  	v1 =	vld.idx.msk [tilespmem:v49+s16+$0x0], $0xffff;
	v3 =	vor.u32 v52, v3  }
0xd5: {  	v6 =	vld.idx.msk [tilespmem:v57+s16+$0x0], $0xffff;
	v8 =	vor.u32 $0x80, v3  }
0xd6: {  	v58 =	vor.u32 $0x180, v55;
	[tilespmem:v2+s18+$0x0] =	vst.idx.add.f32.msk $0xffff, v5  }
0xd7: {  	v59 =	vshll.u32 v53, $0x2;
	v11 =	vor.u32 $0x100, v3;
	v2 =	vld.idx.msk [tilespmem:v55+s16+$0x0], $0xffff  }
0xd8: {  	v61 =	vand.u32 $0x7F, v53;
	v7 =	vand.u32 $0xFFFFFE00, v59;
	v60 =	vor.u32 $0x180, v3;
	v5 =	vld.idx.msk [tilespmem:v56+s16+$0x0], $0xffff  }
0xd9: {  	[tilespmem:v3+s18+$0x0] =	vst.idx.add.f32.msk $0xffff, v51;
	v3 =	vor.u32 v61, v7  }
0xda: {  	[tilespmem:v8+s18+$0x0] =	vst.idx.add.f32.msk $0xffff, v0;
	v7 =	vor.u32 $0x80, v3  }
0xdb: {  	s30 =	sadd.s32 $0x10, s30;
	v62 =	vor.u32 $0x100, v3;
	v0 =	vld.idx.msk [tilespmem:v58+s16+$0x0], $0xffff  }
0xdc: {  	p0 =	slt.u32 s30, $0x130;
	v63 =	vor.u32 $0x180, v3;
	[tilespmem:v11+s18+$0x0] =	vst.idx.add.f32.msk $0xffff, v1  }
.Ltmp1:
0xdd: {  	[tilespmem:v60+s18+$0x0] =	vst.idx.add.f32.msk $0xffff, v4;
	(pc) =	sbr.rel @p0 .LBB2_5-.Ltmp1, $4  }
0xde: {  	[tilespmem:v3+s18+$0x0] =	vst.idx.add.f32.msk $0xffff, v2  }
0xdf: {  	[tilespmem:v7+s18+$0x0] =	vst.idx.add.f32.msk $0xffff, v5  }
0xe0: {  	[tilespmem:v62+s18+$0x0] =	vst.idx.add.f32.msk $0xffff, v6  }
0xe1: {  	s1 =	simm.s32 $0x0;
	s0 =	sadd.s32 $0x100, s0;
	s31 =	sadd.s32 $0x100, s31;
	[tilespmem:v63+s18+$0x0] =	vst.idx.add.f32.msk $0xffff, v0  }
.LBB2_6:
0xe2: {  	s0 =	sshra.s32 s1, $0x2  }
0xe3: {  	v0 =	vld [tilespmem:s0+$0x1400];
	_ =	sdelay $0x4  }
0xe4: {  	v1 =	vld [tilespmem:s0+$0x3D00];
	v2 =	vshll.u32 v0, $0x2  }
0xe5: {  	v0 =	vand.u32 $0x7F, v0;
	v2 =	vand.u32 $0xFFFFFE00, v2  }
0xe6: {  	v0 =	vor.u32 v0, v2  }
0xe7: {  	v2 =	vor.u32 $0x80, v0  }
0xe8: {  	v3 =	vor.u32 $0x100, v0  }
0xe9: {  	v5 =	vshll.u32 v1, $0x2;
	v4 =	vor.u32 $0x180, v0  }
0xea: {  	v1 =	vand.u32 $0x7F, v1;
	v5 =	vand.u32 $0xFFFFFE00, v5  }
0xeb: {  	v1 =	vor.u32 v1, v5;
	v0 =	vld.idx.msk [tilespmem:v0+s16+$0x0], $0xffff  }
0xec: {  	v5 =	vor.u32 $0x80, v1;
	v2 =	vld.idx.msk [tilespmem:v2+s16+$0x0], $0xffff  }
0xed: {  	v6 =	vor.u32 $0x100, v1;
	v3 =	vld.idx.msk [tilespmem:v3+s16+$0x0], $0xffff  }
0xee: {  	p0 =	sne.s32 s1, $0xC0;
	v7 =	vor.u32 $0x180, v1;
	v4 =	vld.idx.msk [tilespmem:v4+s16+$0x0], $0xffff  }
.Ltmp2:
0xef: {  	_ = 	snop;
	(pc) =	sbr.rel @p0 .LBB2_6-.Ltmp2, $4  }
0xf0: {  	[tilespmem:v1+s18+$0x0] =	vst.idx.add.f32.msk $0xffff, v0  }
0xf1: {  	[tilespmem:v5+s18+$0x0] =	vst.idx.add.f32.msk $0xffff, v2  }
0xf2: {  	[tilespmem:v6+s18+$0x0] =	vst.idx.add.f32.msk $0xffff, v3  }
0xf3: {  	s1 =	sadd.s32 $0x40, s1;
	[tilespmem:v7+s18+$0x0] =	vst.idx.add.f32.msk $0xffff, v4  }
0xf4: {  	p0 =	seq.s32 s29, $0xF  }
0xf5: {  	s0 =	smul.u32 @!p0 $0x2880, s29;
	_ =	sdelay $0x1  }
0xf6: {  	s0 =	sadd.s32 @!p0 s0, s12  }
0xf7: {  	s0 =	sshrl.u32 @!p0 s0, $0x3  }
0xf8: {  	s30 =	simm.s32 @!p0 $0x0;
	s1 =	sadd.s32 @!p0 s5, s0  }
0xf9: {  	[tilespmem:s30], [sflag:$0x1] =	stream.linear.gather @!p0 [hbm4b:s1+s30], $0x1440, $0x38;
	[tilespmem:$0x1BA00] =	vst v63  }
0xfa: {  	s0 =	sadd.s32 @!p0 s2, s0;
	s1 =	simm.s32 @!p0 $0x2900  }
0xfb: {  	[tilespmem:s1], [sflag:$0x3] =	stream.linear.gather @!p0 [hbm4b:s0+s30], $0x1440, $0x38;
	[tilespmem:$0x1BA00] =	vst v63  }
0xfc: {  	_ =	swait.ge [sflag:s25], $0x1440  }
0xfd: {  	[sflag:s25] =	ssyncset.done $0x0  }
0xfe: {  	[sflag:s25] =	ssyncadd.s32 $0xFFFFEBC0  }
0xff: {  	_ =	swait.ge [sflag:s26], $0x1440  }
0x100: {  	s31 =	simm.s32 $0x3E00;
	[sflag:s26] =	ssyncset.done $0x0  }
0x101: {  	s30 =	simm.s32 $0xFFFFFFF0;
	s0 =	simm.s32 $0x1500;
	[sflag:s26] =	ssyncadd.s32 $0xFFFFEBC0  }
.LBB2_8:
0x102: {  	v0 =	vld [tilespmem:s0+$0xFFFFFF80]  }
0x103: {  	v1 =	vld [tilespmem:s31+$0xFFFFFF80]  }
0x104: {  	v5 =	vld [tilespmem:s0+$0xFFFFFF90]  }
0x105: {  	v8 =	vld [tilespmem:s31+$0xFFFFFF90]  }
0x106: {  	v14 =	vld [tilespmem:s0+$0xFFFFFFA0]  }
0x107: {  	v17 =	vld [tilespmem:s31+$0xFFFFFFA0]  }
0x108: {  	v24 =	vld [tilespmem:s0+$0xFFFFFFB0];
	v2 =	vshll.u32 v0, $0x2  }
0x109: {  	v28 =	vld [tilespmem:s31+$0xFFFFFFB0];
	v0 =	vand.u32 $0x7F, v0;
	v2 =	vand.u32 $0xFFFFFE00, v2  }
0x10a: {  	v35 =	vld [tilespmem:s0+$0xFFFFFFC0];
	v0 =	vor.u32 v0, v2  }
0x10b: {  	v39 =	vld [tilespmem:s31+$0xFFFFFFC0];
	v2 =	vor.u32 $0x80, v0  }
0x10c: {  	v46 =	vld [tilespmem:s0+$0xFFFFFFD0];
	v3 =	vor.u32 $0x100, v0  }
0x10d: {  	v50 =	vld [tilespmem:s31+$0xFFFFFFD0];
	v4 =	vshll.u32 v1, $0x2  }
0x10e: {  	v57 =	vld [tilespmem:s0+$0xFFFFFFE0];
	v1 =	vand.u32 $0x7F, v1;
	v4 =	vand.u32 $0xFFFFFE00, v4;
	v6 =	vor.u32 $0x180, v0  }
0x10f: {  	v1 =	vor.u32 v1, v4;
	v0 =	vld.idx.msk [tilespmem:v0+s16+$0x0], $0xffff  }
0x110: {  	v9 =	vshll.u32 v5, $0x2;
	v4 =	vor.u32 $0x80, v1;
	v2 =	vld.idx.msk [tilespmem:v2+s16+$0x0], $0xffff  }
0x111: {  	v5 =	vand.u32 $0x7F, v5;
	v9 =	vand.u32 $0xFFFFFE00, v9;
	v7 =	vor.u32 $0x100, v1;
	v3 =	vld.idx.msk [tilespmem:v3+s16+$0x0], $0xffff  }
0x112: {  	v61 =	vld [tilespmem:s31+$0xFFFFFFE0];
	v9 =	vor.u32 v5, v9  }
0x113: {  	v5 =	vor.u32 $0x180, v9;
	v6 =	vld.idx.msk [tilespmem:v6+s16+$0x0], $0xffff  }
0x114: {  	v11 =	vor.u32 $0x80, v9;
	[tilespmem:v1+s18+$0x0] =	vst.idx.add.f32.msk $0xffff, v0  }
0x115: {  	v13 =	vshll.u32 v8, $0x2;
	v15 =	vand.u32 $0x7F, v8;
	v10 =	vor.u32 $0x180, v1;
	[tilespmem:v4+s18+$0x0] =	vst.idx.add.f32.msk $0xffff, v2  }
0x116: {  	v18 =	vshll.u32 v14, $0x2;
	v12 =	vor.u32 $0x100, v9;
	[tilespmem:v7+s18+$0x0] =	vst.idx.add.f32.msk $0xffff, v3;
	v3 =	vand.u32 $0xFFFFFE00, v13  }
0x117: {  	v0 =	vld.idx.msk [tilespmem:v9+s16+$0x0], $0xffff;
	v9 =	vand.u32 $0xFFFFFE00, v18;
	v4 =	vand.u32 $0x7F, v14;
	v3 =	vor.u32 v15, v3  }
0x118: {  	v5 =	vld.idx.msk [tilespmem:v5+s16+$0x0], $0xffff;
	v20 =	vor.u32 v4, v9  }
0x119: {  	v1 =	vld.idx.msk [tilespmem:v11+s16+$0x0], $0xffff  }
0x11a: {  	[tilespmem:v10+s18+$0x0] =	vst.idx.add.f32.msk $0xffff, v6;
	v6 =	vor.u32 $0x80, v3  }
0x11b: {  	v2 =	vld.idx.msk [tilespmem:v12+s16+$0x0], $0xffff;
	v21 =	vor.u32 $0x80, v20  }
0x11c: {  	v16 =	vor.u32 $0x100, v3;
	[tilespmem:v3+s18+$0x0] =	vst.idx.add.f32.msk $0xffff, v0  }
0x11d: {  	v22 =	vor.u32 $0x100, v20;
	v0 =	vld.idx.msk [tilespmem:v20+s16+$0x0], $0xffff  }
0x11e: {  	v25 =	vor.u32 $0x180, v20;
	v20 =	vld [tilespmem:s31+$0xFFFFFFF0]  }
0x11f: {  	v23 =	vshll.u32 v17, $0x2;
	v19 =	vor.u32 $0x180, v3;
	[tilespmem:v6+s18+$0x0] =	vst.idx.add.f32.msk $0xffff, v1  }
0x120: {  	v26 =	vand.u32 $0x7F, v17;
	v29 =	vshll.u32 v24, $0x2;
	v3 =	vand.u32 $0xFFFFFE00, v23;
	v1 =	vld.idx.msk [tilespmem:v21+s16+$0x0], $0xffff  }
0x121: {  	v4 =	vand.u32 $0x7F, v24;
	v9 =	vand.u32 $0xFFFFFE00, v29;
	v3 =	vor.u32 v26, v3;
	[tilespmem:v16+s18+$0x0] =	vst.idx.add.f32.msk $0xffff, v2  }
0x122: {  	v31 =	vor.u32 v4, v9;
	v2 =	vld.idx.msk [tilespmem:v22+s16+$0x0], $0xffff  }
0x123: {  	v16 =	vld [tilespmem:s0+$0xFFFFFFF0]  }
0x124: {  	v6 =	vor.u32 $0x80, v3;
	[tilespmem:v19+s18+$0x0] =	vst.idx.add.f32.msk $0xffff, v5  }
0x125: {  	v32 =	vor.u32 $0x80, v31;
	v5 =	vld.idx.msk [tilespmem:v25+s16+$0x0], $0xffff  }
0x126: {  	v27 =	vor.u32 $0x100, v3;
	[tilespmem:v3+s18+$0x0] =	vst.idx.add.f32.msk $0xffff, v0  }
0x127: {  	v33 =	vor.u32 $0x100, v31;
	v0 =	vld.idx.msk [tilespmem:v31+s16+$0x0], $0xffff  }
0x128: {  	v36 =	vor.u32 $0x180, v31;
	v31 =	vld [tilespmem:s31+$0x0]  }
0x129: {  	v34 =	vshll.u32 v28, $0x2;
	v30 =	vor.u32 $0x180, v3;
	[tilespmem:v6+s18+$0x0] =	vst.idx.add.f32.msk $0xffff, v1  }
0x12a: {  	v37 =	vand.u32 $0x7F, v28;
	v40 =	vshll.u32 v35, $0x2;
	v3 =	vand.u32 $0xFFFFFE00, v34;
	v1 =	vld.idx.msk [tilespmem:v32+s16+$0x0], $0xffff  }
0x12b: {  	v4 =	vand.u32 $0x7F, v35;
	v9 =	vand.u32 $0xFFFFFE00, v40;
	v3 =	vor.u32 v37, v3;
	[tilespmem:v27+s18+$0x0] =	vst.idx.add.f32.msk $0xffff, v2  }
0x12c: {  	v42 =	vor.u32 v4, v9;
	v2 =	vld.idx.msk [tilespmem:v33+s16+$0x0], $0xffff  }
0x12d: {  	v27 =	vld [tilespmem:s0+$0x0]  }
0x12e: {  	v6 =	vor.u32 $0x80, v3;
	[tilespmem:v30+s18+$0x0] =	vst.idx.add.f32.msk $0xffff, v5  }
0x12f: {  	v43 =	vor.u32 $0x80, v42;
	v5 =	vld.idx.msk [tilespmem:v36+s16+$0x0], $0xffff  }
0x130: {  	v38 =	vor.u32 $0x100, v3;
	[tilespmem:v3+s18+$0x0] =	vst.idx.add.f32.msk $0xffff, v0  }
0x131: {  	v44 =	vor.u32 $0x100, v42;
	v0 =	vld.idx.msk [tilespmem:v42+s16+$0x0], $0xffff  }
0x132: {  	v47 =	vor.u32 $0x180, v42;
	v42 =	vld [tilespmem:s31+$0x10]  }
0x133: {  	v45 =	vshll.u32 v39, $0x2;
	v41 =	vor.u32 $0x180, v3;
	[tilespmem:v6+s18+$0x0] =	vst.idx.add.f32.msk $0xffff, v1  }
0x134: {  	v48 =	vand.u32 $0x7F, v39;
	v51 =	vshll.u32 v46, $0x2;
	v3 =	vand.u32 $0xFFFFFE00, v45;
	v1 =	vld.idx.msk [tilespmem:v43+s16+$0x0], $0xffff  }
0x135: {  	v4 =	vand.u32 $0x7F, v46;
	v9 =	vand.u32 $0xFFFFFE00, v51;
	v3 =	vor.u32 v48, v3;
	[tilespmem:v38+s18+$0x0] =	vst.idx.add.f32.msk $0xffff, v2  }
0x136: {  	v53 =	vor.u32 v4, v9;
	v2 =	vld.idx.msk [tilespmem:v44+s16+$0x0], $0xffff  }
0x137: {  	v38 =	vld [tilespmem:s0+$0x10]  }
0x138: {  	v6 =	vor.u32 $0x80, v3;
	[tilespmem:v41+s18+$0x0] =	vst.idx.add.f32.msk $0xffff, v5  }
0x139: {  	v54 =	vor.u32 $0x80, v53;
	v5 =	vld.idx.msk [tilespmem:v47+s16+$0x0], $0xffff  }
0x13a: {  	v49 =	vor.u32 $0x100, v3;
	[tilespmem:v3+s18+$0x0] =	vst.idx.add.f32.msk $0xffff, v0  }
0x13b: {  	v55 =	vor.u32 $0x100, v53;
	v0 =	vld.idx.msk [tilespmem:v53+s16+$0x0], $0xffff  }
0x13c: {  	v58 =	vor.u32 $0x180, v53;
	v53 =	vld [tilespmem:s31+$0x20]  }
0x13d: {  	v52 =	vor.u32 $0x180, v3;
	[tilespmem:v6+s18+$0x0] =	vst.idx.add.f32.msk $0xffff, v1  }
0x13e: {  	v56 =	vshll.u32 v50, $0x2;
	v1 =	vld.idx.msk [tilespmem:v54+s16+$0x0], $0xffff  }
0x13f: {  	v59 =	vand.u32 $0x7F, v50;
	v62 =	vshll.u32 v57, $0x2;
	v3 =	vand.u32 $0xFFFFFE00, v56;
	[tilespmem:v49+s18+$0x0] =	vst.idx.add.f32.msk $0xffff, v2  }
0x140: {  	v4 =	vand.u32 $0x7F, v57;
	v9 =	vand.u32 $0xFFFFFE00, v62;
	v3 =	vor.u32 v59, v3;
	v2 =	vld.idx.msk [tilespmem:v55+s16+$0x0], $0xffff  }
0x141: {  	v12 =	vor.u32 v4, v9;
	v49 =	vld [tilespmem:s0+$0x20]  }
0x142: {  	[tilespmem:v52+s18+$0x0] =	vst.idx.add.f32.msk $0xffff, v5  }
0x143: {  	v6 =	vor.u32 $0x80, v3;
	v5 =	vld.idx.msk [tilespmem:v58+s16+$0x0], $0xffff  }
0x144: {  	v13 =	vor.u32 $0x80, v12;
	v59 =	vshll.u32 v53, $0x2;
	v62 =	vand.u32 $0x7F, v53;
	v53 =	vld [tilespmem:s31+$0x70]  }
0x145: {  	v60 =	vor.u32 $0x100, v3;
	[tilespmem:v3+s18+$0x0] =	vst.idx.add.f32.msk $0xffff, v0  }
0x146: {  	v14 =	vor.u32 $0x100, v12;
	v0 =	vld.idx.msk [tilespmem:v12+s16+$0x0], $0xffff  }
0x147: {  	v17 =	vor.u32 $0x180, v12;
	v12 =	vld [tilespmem:s31+$0x30]  }
0x148: {  	v15 =	vshll.u32 v61, $0x2;
	v63 =	vor.u32 $0x180, v3;
	[tilespmem:v6+s18+$0x0] =	vst.idx.add.f32.msk $0xffff, v1  }
0x149: {  	v18 =	vand.u32 $0x7F, v61;
	v21 =	vshll.u32 v16, $0x2;
	v3 =	vand.u32 $0xFFFFFE00, v15;
	v1 =	vld.idx.msk [tilespmem:v13+s16+$0x0], $0xffff  }
0x14a: {  	v4 =	vand.u32 $0x7F, v16;
	v9 =	vand.u32 $0xFFFFFE00, v21;
	v3 =	vor.u32 v18, v3;
	[tilespmem:v60+s18+$0x0] =	vst.idx.add.f32.msk $0xffff, v2  }
0x14b: {  	v23 =	vor.u32 v4, v9;
	v2 =	vld.idx.msk [tilespmem:v14+s16+$0x0], $0xffff  }
0x14c: {  	v60 =	vld [tilespmem:s0+$0x30]  }
0x14d: {  	v6 =	vor.u32 $0x80, v3;
	[tilespmem:v63+s18+$0x0] =	vst.idx.add.f32.msk $0xffff, v5  }
0x14e: {  	v24 =	vor.u32 $0x80, v23;
	v5 =	vld.idx.msk [tilespmem:v17+s16+$0x0], $0xffff  }
0x14f: {  	v19 =	vor.u32 $0x100, v3;
	[tilespmem:v3+s18+$0x0] =	vst.idx.add.f32.msk $0xffff, v0  }
0x150: {  	v25 =	vor.u32 $0x100, v23;
	v0 =	vld.idx.msk [tilespmem:v23+s16+$0x0], $0xffff  }
0x151: {  	v28 =	vor.u32 $0x180, v23;
	v23 =	vld [tilespmem:s31+$0x40]  }
0x152: {  	v26 =	vshll.u32 v20, $0x2;
	v22 =	vor.u32 $0x180, v3;
	[tilespmem:v6+s18+$0x0] =	vst.idx.add.f32.msk $0xffff, v1  }
0x153: {  	v29 =	vand.u32 $0x7F, v20;
	v32 =	vshll.u32 v27, $0x2;
	v3 =	vand.u32 $0xFFFFFE00, v26;
	v1 =	vld.idx.msk [tilespmem:v24+s16+$0x0], $0xffff  }
0x154: {  	v4 =	vand.u32 $0x7F, v27;
	v9 =	vand.u32 $0xFFFFFE00, v32;
	v3 =	vor.u32 v29, v3;
	[tilespmem:v19+s18+$0x0] =	vst.idx.add.f32.msk $0xffff, v2  }
0x155: {  	v34 =	vor.u32 v4, v9;
	v2 =	vld.idx.msk [tilespmem:v25+s16+$0x0], $0xffff  }
0x156: {  	v19 =	vld [tilespmem:s0+$0x40]  }
0x157: {  	v6 =	vor.u32 $0x80, v3;
	[tilespmem:v22+s18+$0x0] =	vst.idx.add.f32.msk $0xffff, v5  }
0x158: {  	v35 =	vor.u32 $0x80, v34;
	v5 =	vld.idx.msk [tilespmem:v28+s16+$0x0], $0xffff  }
0x159: {  	[tilespmem:v3+s18+$0x0] =	vst.idx.add.f32.msk $0xffff, v0  }
0x15a: {  	v30 =	vor.u32 $0x100, v3;
	v0 =	vld.idx.msk [tilespmem:v34+s16+$0x0], $0xffff  }
0x15b: {  	v36 =	vor.u32 $0x100, v34;
	v39 =	vor.u32 $0x180, v34;
	v34 =	vld [tilespmem:s31+$0x50]  }
0x15c: {  	v37 =	vshll.u32 v31, $0x2;
	[tilespmem:v6+s18+$0x0] =	vst.idx.add.f32.msk $0xffff, v1  }
0x15d: {  	v40 =	vand.u32 $0x7F, v31;
	v33 =	vor.u32 $0x180, v3;
	v3 =	vand.u32 $0xFFFFFE00, v37;
	v1 =	vld.idx.msk [tilespmem:v35+s16+$0x0], $0xffff  }
0x15e: {  	v43 =	vshll.u32 v38, $0x2;
	v3 =	vor.u32 v40, v3;
	v40 =	vld [tilespmem:s0+$0x60]  }
0x15f: {  	v4 =	vand.u32 $0x7F, v38;
	v9 =	vand.u32 $0xFFFFFE00, v43;
	[tilespmem:v30+s18+$0x0] =	vst.idx.add.f32.msk $0xffff, v2  }
0x160: {  	v45 =	vor.u32 v4, v9;
	v2 =	vld.idx.msk [tilespmem:v36+s16+$0x0], $0xffff  }
0x161: {  	v30 =	vld [tilespmem:s0+$0x50]  }
0x162: {  	v6 =	vor.u32 $0x80, v3;
	[tilespmem:v33+s18+$0x0] =	vst.idx.add.f32.msk $0xffff, v5  }
0x163: {  	v46 =	vor.u32 $0x80, v45;
	v5 =	vld.idx.msk [tilespmem:v39+s16+$0x0], $0xffff  }
0x164: {  	[tilespmem:v3+s18+$0x0] =	vst.idx.add.f32.msk $0xffff, v0  }
0x165: {  	v48 =	vshll.u32 v42, $0x2;
	v41 =	vor.u32 $0x100, v3;
	v0 =	vld.idx.msk [tilespmem:v45+s16+$0x0], $0xffff  }
0x166: {  	v47 =	vor.u32 $0x100, v45;
	v44 =	vor.u32 $0x180, v3;
	v3 =	vand.u32 $0xFFFFFE00, v48;
	v48 =	vld [tilespmem:s0+$0x70]  }
0x167: {  	v51 =	vand.u32 $0x7F, v42;
	v54 =	vshll.u32 v49, $0x2;
	[tilespmem:v6+s18+$0x0] =	vst.idx.add.f32.msk $0xffff, v1  }
0x168: {  	v50 =	vor.u32 $0x180, v45;
	v4 =	vand.u32 $0x7F, v49;
	v9 =	vand.u32 $0xFFFFFE00, v54;
	v1 =	vld.idx.msk [tilespmem:v46+s16+$0x0], $0xffff  }
0x169: {  	v56 =	vor.u32 v4, v9;
	v3 =	vor.u32 v51, v3;
	v46 =	vld [tilespmem:s31+$0x60]  }
0x16a: {  	v57 =	vor.u32 $0x80, v56;
	v58 =	vor.u32 $0x100, v56;
	v13 =	vshll.u32 v60, $0x2;
	[tilespmem:v41+s18+$0x0] =	vst.idx.add.f32.msk $0xffff, v2  }
0x16b: {  	v4 =	vand.u32 $0x7F, v60;
	v9 =	vand.u32 $0xFFFFFE00, v13;
	v6 =	vor.u32 $0x80, v3;
	v2 =	vld.idx.msk [tilespmem:v47+s16+$0x0], $0xffff  }
0x16c: {  	v61 =	vor.u32 $0x180, v56;
	v15 =	vor.u32 v4, v9;
	v24 =	vshll.u32 v19, $0x2;
	[tilespmem:v44+s18+$0x0] =	vst.idx.add.f32.msk $0xffff, v5  }
0x16d: {  	v4 =	vand.u32 $0x7F, v19;
	v9 =	vand.u32 $0xFFFFFE00, v24;
	v52 =	vor.u32 $0x100, v3;
	v5 =	vld.idx.msk [tilespmem:v50+s16+$0x0], $0xffff  }
0x16e: {  	v26 =	vor.u32 v4, v9;
	v35 =	vshll.u32 v30, $0x2;
	v4 =	vand.u32 $0x7F, v30;
	[tilespmem:v3+s18+$0x0] =	vst.idx.add.f32.msk $0xffff, v0  }
0x16f: {  	v55 =	vor.u32 $0x180, v3;
	v9 =	vand.u32 $0xFFFFFE00, v35;
	v44 =	vshll.u32 v40, $0x2;
	v0 =	vld.idx.msk [tilespmem:v56+s16+$0x0], $0xffff  }
0x170: {  	v37 =	vor.u32 v4, v9;
	v4 =	vand.u32 $0x7F, v40;
	v7 =	vand.u32 $0xFFFFFE00, v44;
	[tilespmem:v6+s18+$0x0] =	vst.idx.add.f32.msk $0xffff, v1  }
0x171: {  	v4 =	vor.u32 v4, v7;
	v3 =	vand.u32 $0xFFFFFE00, v59;
	v1 =	vld.idx.msk [tilespmem:v57+s16+$0x0], $0xffff  }
0x172: {  	v3 =	vor.u32 v62, v3;
	[tilespmem:v52+s18+$0x0] =	vst.idx.add.f32.msk $0xffff, v2  }
0x173: {  	v2 =	vld.idx.msk [tilespmem:v58+s16+$0x0], $0xffff  }
0x174: {  	v6 =	vor.u32 $0x80, v3;
	[tilespmem:v55+s18+$0x0] =	vst.idx.add.f32.msk $0xffff, v5  }
0x175: {  	v16 =	vor.u32 $0x80, v15;
	v5 =	vld.idx.msk [tilespmem:v61+s16+$0x0], $0xffff  }
0x176: {  	v63 =	vor.u32 $0x100, v3;
	v51 =	vld.idx.msk [tilespmem:v4+s16+$0x0], $0xffff  }
0x177: {  	v17 =	vor.u32 $0x100, v15;
	[tilespmem:v3+s18+$0x0] =	vst.idx.add.f32.msk $0xffff, v0  }
0x178: {  	v18 =	vshll.u32 v12, $0x2;
	v14 =	vor.u32 $0x180, v3;
	v0 =	vld.idx.msk [tilespmem:v15+s16+$0x0], $0xffff  }
0x179: {  	v21 =	vand.u32 $0x7F, v12;
	v20 =	vor.u32 $0x180, v15;
	v47 =	vor.u32 $0x80, v4;
	[tilespmem:v6+s18+$0x0] =	vst.idx.add.f32.msk $0xffff, v1  }
0x17a: {  	v49 =	vor.u32 $0x100, v4;
	v4 =	vor.u32 $0x180, v4;
	v3 =	vand.u32 $0xFFFFFE00, v18;
	v1 =	vld.idx.msk [tilespmem:v16+s16+$0x0], $0xffff  }
0x17b: {  	v3 =	vor.u32 v21, v3;
	[tilespmem:v63+s18+$0x0] =	vst.idx.add.f32.msk $0xffff, v2  }
0x17c: {  	v2 =	vld.idx.msk [tilespmem:v17+s16+$0x0], $0xffff  }
0x17d: {  	v6 =	vor.u32 $0x80, v3;
	[tilespmem:v14+s18+$0x0] =	vst.idx.add.f32.msk $0xffff, v5  }
0x17e: {  	v27 =	vor.u32 $0x80, v26;
	v5 =	vld.idx.msk [tilespmem:v20+s16+$0x0], $0xffff  }
0x17f: {  	v22 =	vor.u32 $0x100, v3;
	v4 =	vld.idx.msk [tilespmem:v4+s16+$0x0], $0xffff  }
0x180: {  	v28 =	vor.u32 $0x100, v26;
	[tilespmem:v3+s18+$0x0] =	vst.idx.add.f32.msk $0xffff, v0  }
0x181: {  	v29 =	vshll.u32 v23, $0x2;
	v25 =	vor.u32 $0x180, v3;
	v0 =	vld.idx.msk [tilespmem:v26+s16+$0x0], $0xffff  }
0x182: {  	v32 =	vand.u32 $0x7F, v23;
	v31 =	vor.u32 $0x180, v26;
	v3 =	vand.u32 $0xFFFFFE00, v29;
	[tilespmem:v6+s18+$0x0] =	vst.idx.add.f32.msk $0xffff, v1  }
0x183: {  	v3 =	vor.u32 v32, v3;
	v1 =	vld.idx.msk [tilespmem:v27+s16+$0x0], $0xffff  }
0x184: {  	[tilespmem:v22+s18+$0x0] =	vst.idx.add.f32.msk $0xffff, v2;
	v6 =	vor.u32 $0x80, v3  }
0x185: {  	v2 =	vld.idx.msk [tilespmem:v28+s16+$0x0], $0xffff;
	v33 =	vor.u32 $0x100, v3  }
0x186: {  	[tilespmem:v25+s18+$0x0] =	vst.idx.add.f32.msk $0xffff, v5  }
0x187: {  	v39 =	vor.u32 $0x100, v37;
	v5 =	vld.idx.msk [tilespmem:v31+s16+$0x0], $0xffff  }
0x188: {  	v38 =	vor.u32 $0x80, v37;
	[tilespmem:v3+s18+$0x0] =	vst.idx.add.f32.msk $0xffff, v0  }
0x189: {  	v41 =	vshll.u32 v34, $0x2;
	v36 =	vor.u32 $0x180, v3;
	[tilespmem:v6+s18+$0x0] =	vst.idx.add.f32.msk $0xffff, v1  }
0x18a: {  	v43 =	vand.u32 $0x7F, v34;
	v42 =	vor.u32 $0x180, v37;
	[tilespmem:v33+s18+$0x0] =	vst.idx.add.f32.msk $0xffff, v2;
	v2 =	vand.u32 $0xFFFFFE00, v41  }
0x18b: {  	v0 =	vld.idx.msk [tilespmem:v37+s16+$0x0], $0xffff;
	v2 =	vor.u32 v43, v2  }
0x18c: {  	v3 =	vld.idx.msk [tilespmem:v39+s16+$0x0], $0xffff  }
0x18d: {  	v54 =	vshll.u32 v48, $0x2;
	v1 =	vld.idx.msk [tilespmem:v38+s16+$0x0], $0xffff;
	v6 =	vor.u32 $0x80, v2  }
0x18e: {  	v7 =	vand.u32 $0x7F, v48;
	v10 =	vand.u32 $0xFFFFFE00, v54;
	[tilespmem:v36+s18+$0x0] =	vst.idx.add.f32.msk $0xffff, v5;
	v45 =	vor.u32 $0x100, v2  }
0x18f: {  	v55 =	vor.u32 v7, v10;
	v5 =	vld.idx.msk [tilespmem:v42+s16+$0x0], $0xffff  }
0x190: {  	v57 =	vor.u32 $0x100, v55;
	[tilespmem:v2+s18+$0x0] =	vst.idx.add.f32.msk $0xffff, v0  }
0x191: {  	v2 =	vor.u32 $0x180, v2;
	v0 =	vld.idx.msk [tilespmem:v47+s16+$0x0], $0xffff  }
0x192: {  	v50 =	vshll.u32 v46, $0x2;
	[tilespmem:v6+s18+$0x0] =	vst.idx.add.f32.msk $0xffff, v1  }
0x193: {  	v52 =	vand.u32 $0x7F, v46;
	v56 =	vor.u32 $0x80, v55;
	[tilespmem:v45+s18+$0x0] =	vst.idx.add.f32.msk $0xffff, v3;
	v3 =	vand.u32 $0xFFFFFE00, v50  }
0x194: {  	v1 =	vld.idx.msk [tilespmem:v49+s16+$0x0], $0xffff;
	v3 =	vor.u32 v52, v3  }
0x195: {  	v6 =	vld.idx.msk [tilespmem:v57+s16+$0x0], $0xffff;
	v8 =	vor.u32 $0x80, v3  }
0x196: {  	v58 =	vor.u32 $0x180, v55;
	[tilespmem:v2+s18+$0x0] =	vst.idx.add.f32.msk $0xffff, v5  }
0x197: {  	v59 =	vshll.u32 v53, $0x2;
	v11 =	vor.u32 $0x100, v3;
	v2 =	vld.idx.msk [tilespmem:v55+s16+$0x0], $0xffff  }
0x198: {  	v61 =	vand.u32 $0x7F, v53;
	v7 =	vand.u32 $0xFFFFFE00, v59;
	v60 =	vor.u32 $0x180, v3;
	v5 =	vld.idx.msk [tilespmem:v56+s16+$0x0], $0xffff  }
0x199: {  	[tilespmem:v3+s18+$0x0] =	vst.idx.add.f32.msk $0xffff, v51;
	v3 =	vor.u32 v61, v7  }
0x19a: {  	[tilespmem:v8+s18+$0x0] =	vst.idx.add.f32.msk $0xffff, v0;
	v7 =	vor.u32 $0x80, v3  }
0x19b: {  	s30 =	sadd.s32 $0x10, s30;
	v62 =	vor.u32 $0x100, v3;
	v0 =	vld.idx.msk [tilespmem:v58+s16+$0x0], $0xffff  }
0x19c: {  	p1 =	slt.u32 s30, $0x130;
	v63 =	vor.u32 $0x180, v3;
	[tilespmem:v11+s18+$0x0] =	vst.idx.add.f32.msk $0xffff, v1  }
.Ltmp3:
0x19d: {  	[tilespmem:v60+s18+$0x0] =	vst.idx.add.f32.msk $0xffff, v4;
	(pc) =	sbr.rel @p1 .LBB2_8-.Ltmp3, $4  }
0x19e: {  	[tilespmem:v3+s18+$0x0] =	vst.idx.add.f32.msk $0xffff, v2  }
0x19f: {  	[tilespmem:v7+s18+$0x0] =	vst.idx.add.f32.msk $0xffff, v5  }
0x1a0: {  	[tilespmem:v62+s18+$0x0] =	vst.idx.add.f32.msk $0xffff, v6  }
0x1a1: {  	s1 =	simm.s32 $0x0;
	s0 =	sadd.s32 $0x100, s0;
	s31 =	sadd.s32 $0x100, s31;
	[tilespmem:v63+s18+$0x0] =	vst.idx.add.f32.msk $0xffff, v0  }
.LBB2_9:
0x1a2: {  	s0 =	sshra.s32 s1, $0x2  }
0x1a3: {  	v0 =	vld [tilespmem:s0+$0x2880];
	_ =	sdelay $0x4  }
0x1a4: {  	v1 =	vld [tilespmem:s0+$0x5180];
	v2 =	vshll.u32 v0, $0x2  }
0x1a5: {  	v0 =	vand.u32 $0x7F, v0;
	v2 =	vand.u32 $0xFFFFFE00, v2  }
0x1a6: {  	v0 =	vor.u32 v0, v2  }
0x1a7: {  	v2 =	vor.u32 $0x80, v0  }
0x1a8: {  	v3 =	vor.u32 $0x100, v0  }
0x1a9: {  	v5 =	vshll.u32 v1, $0x2;
	v4 =	vor.u32 $0x180, v0  }
0x1aa: {  	v1 =	vand.u32 $0x7F, v1;
	v5 =	vand.u32 $0xFFFFFE00, v5  }
0x1ab: {  	v1 =	vor.u32 v1, v5;
	v0 =	vld.idx.msk [tilespmem:v0+s16+$0x0], $0xffff  }
0x1ac: {  	v5 =	vor.u32 $0x80, v1;
	v2 =	vld.idx.msk [tilespmem:v2+s16+$0x0], $0xffff  }
0x1ad: {  	v6 =	vor.u32 $0x100, v1;
	v3 =	vld.idx.msk [tilespmem:v3+s16+$0x0], $0xffff  }
0x1ae: {  	p1 =	sne.s32 s1, $0xC0;
	v7 =	vor.u32 $0x180, v1;
	v4 =	vld.idx.msk [tilespmem:v4+s16+$0x0], $0xffff  }
.Ltmp4:
0x1af: {  	_ = 	snop;
	(pc) =	sbr.rel @p1 .LBB2_9-.Ltmp4, $4  }
0x1b0: {  	[tilespmem:v1+s18+$0x0] =	vst.idx.add.f32.msk $0xffff, v0  }
0x1b1: {  	[tilespmem:v5+s18+$0x0] =	vst.idx.add.f32.msk $0xffff, v2  }
0x1b2: {  	[tilespmem:v6+s18+$0x0] =	vst.idx.add.f32.msk $0xffff, v3  }
0x1b3: {  	s1 =	sadd.s32 $0x40, s1;
	[tilespmem:v7+s18+$0x0] =	vst.idx.add.f32.msk $0xffff, v4  }
.Ltmp5:
0x1b4: {  	(pc) =	sbr.rel @p0 .LBB2_11-.Ltmp5, $1  }
0x1b5: {  	_ =	sdelay $0x3  }
0x1b6: {  	s0 =	smul.u32 $0x2880, s29;
	_ =	sdelay $0x1  }
0x1b7: {  	s0 =	sadd.s32 s0, s13  }
.Ltmp6:
0x1b8: {  	s0 =	sshrl.u32 s0, $0x3;
	(pc) =	sbr.rel .LBB2_4-.Ltmp6, $4  }
0x1b9: {  	s1 =	sadd.s32 s5, s0  }
0x1ba: {  	[tilespmem:s21], [sflag:$0x2] =	stream.linear.gather [hbm4b:s1+s4], $0x1440, $0x38;
	[tilespmem:$0x1BA00] =	vst v63  }
0x1bb: {  	s29 =	sadd.s32 $0x1, s29;
	s0 =	sadd.s32 s2, s0  }
0x1bc: {  	[tilespmem:s22], [sflag:$0x4] =	stream.linear.gather [hbm4b:s0+s4], $0x1440, $0x38;
	[tilespmem:$0x1BA00] =	vst v63  }
.LBB2_11:
0x1bd: {  	s29 =	simm.s32 $0x0  }
0x1be: {  	s31 =	simm.s32 $0x0;
	s0 =	sand.u32 $0x70, s29;
	s1 =	sand.u32 $0xFE00, s29  }
0x1bf: {  	v1 =	vld [tilespmem:s31+$0x19200];
	s0 =	sor.u32 s0, s1  }
0x1c0: {  	v0 =	vld [tilespmem:s0+$0xF280]  }
0x1c1: {  	v2 =	vld [tilespmem:s0+$0xF200]  }
0x1c2: {  	v3 =	vld [tilespmem:s0+$0xF380]  }
0x1c3: {  	s30 =	simm.s32 $0x10;
	v4 =	vld [tilespmem:s0+$0xF300]  }
.LBB2_12:
0x1c4: {  	p0 =	sne.s32 s30, $0x27F0  }
0x1c5: {  	s29 =	sadd.s32 $0x40, s29;
	s1 =	smov.u32 s30;
	s30 =	sadd.s32 $0x10, s30  }
0x1c6: {  	v2 =	vmul.f32 v2, v1;
	v0 =	vmul.f32 v0, v1  }
0x1c7: {  	s1 =	sand.u32 $0x70, s1;
	s31 =	sand.u32 $0xFE00, s29;
	v3 =	vmul.f32 v3, v1  }
0x1c8: {  	s1 =	sor.u32 s1, s31;
	[tilespmem:s0+$0xF280] =	vst v0;
	v1 =	vmul.f32 v4, v1  }
0x1c9: {  	v0 =	vld [tilespmem:s1+$0xF280];
	[tilespmem:s0+$0xF200] =	vst v2  }
.Ltmp7:
0x1ca: {  	[tilespmem:s0+$0xF300] =	vst v1;
	(pc) =	sbr.rel @p0 .LBB2_12-.Ltmp7, $4  }
0x1cb: {  	s31 =	sshra.s32 s29, $0x2;
	v2 =	vld [tilespmem:s1+$0xF200];
	[tilespmem:s0+$0xF380] =	vst v3;
	s0 =	smov.u32 s1  }
0x1cc: {  	v1 =	vld [tilespmem:s31+$0x19200]  }
0x1cd: {  	v3 =	vld [tilespmem:s0+$0xF380]  }
0x1ce: {  	v4 =	vld [tilespmem:s0+$0xF300]  }
0x1cf: {  	_ =	sdelay $0x1  }
0x1d0: {  	v0 =	vmul.f32 v0, v1  }
0x1d1: {  	v2 =	vmul.f32 v2, v1  }
0x1d2: {  	v63 =	vmul.f32 v3, v1;
	[tilespmem:s0+$0xF280] =	vst v0  }
0x1d3: {  	s28 =	sadd.s32 $0x1, s28;
	v62 =	vmul.f32 v4, v1;
	[tilespmem:s0+$0xF200] =	vst v2  }
0x1d4: {  	p0 =	sne.s32 s28, s15;
	[tilespmem:s0+$0xF380] =	vst v63  }
.Ltmp8:
0x1d5: {  	[tilespmem:s0+$0xF300] =	vst v62;
	(pc) =	sbr.rel @p0 .LBB2_1-.Ltmp8, $4  }
0x1d6: {  	[hbm4b:s14+s4] =	stream.linear.scatter [tilespmem:s18], [sflag:$0x5], $0xA000, $0x38;
	[tilespmem:$0x1BA00] =	vst v63  }
0x1d7: {  	_ =	swait.ge [sflag:s17], $0xA000  }
0x1d8: {  	[sflag:s17] =	ssyncset.done $0x0  }
0x1d9: {  	[sflag:s17] =	ssyncadd.s32 $0xFFFF6000  }
0x1da: {  	_ =	sfence.sel $0x180000  }
0x1db: {  	[bflag:$0x0] =	sbarrier.arrive $0xFFFF  }
0x1dc: {  	_ =	strace $0x9000004A  }
0x1dd: {  	s0 =	stileid.u32;
	[bflag:$0x2] =	sbarrier.arrive $0xFFFF  }
0x1de: {  	p0 =	sne.s32 s0, $0x0;
	s0 =	rddreg [dreg:$0x3]  }
0x1df: {  	s0 =	sadd.s32 @!p0 $0x100000, s0  }
0x1e0: {  	[sflag:s0] =	ssyncadd.tile.s32 @!p0 $0x1;
	_ =	shalt  }
.Lfunc_end2:
_tile_overlayer_lowered:
.L_overlay_start_2:
0x1e1: {  	(tag) =	ssettag $0x2  }
0x1e2: {  	s0 =	rddreg [dreg:$0x0];
	s2 =	stileid.u32  }
0x1e3: {  	s1 =	rddreg [dreg:$0x1];
	p0 =	sne.s32 s2, $0x0  }
0x1e4: {  	s3 =	rddreg [dreg:$0x2];
	[bflag:$0x3] =	sbarrier.arrive $0xFFFF;
	s2 =	simm.s32 @!p0 $0x1C05  }
0x1e5: {  	[timem:s3], [sflag:s2] =	dma.local @!p0 [hbm:s0], s1  }
0x1e6: {  	s0 =	simm.s32 @!p0 $0x5  }
0x1e7: {  	_ =	swait.ge @!p0 [sflag:s0], s1  }
0x1e8: {  	s1 =	ssub.s32 @!p0 $0x0, s1;
	[sflag:s0] =	ssyncset.done @!p0 $0x0  }
0x1e9: {  	[sflag:s0] =	ssyncadd.s32 @!p0 s1  }
0x1ea: {  	[bflag:$0x3] =	sbarrier.arrive $0xFFFF  }
0x1eb: {  	_ =	shalt  }

// kernel: kernel.14.cloned.1.call-start
scs
__scs_entry_jumppad:
0x0: {  	(pc) =	sbr.rel $0x88, $3  }
0x1: {  	(tag) =	ssettag $0x0;
	lr =	simm.s32 $0x1  }
0x2: {  	[smem:$0x3F9B] =	sst lr;
	_ =	strace $0xD0000000  }
0x3: {  	_ = 	snop  }
0x4: {  	_ = 	snop  }
0x5: {  	_ = 	snop  }
0x6: {  	_ = 	snop  }
0x7: {  	_ = 	snop  }
__scs_overlays_trampoline_lowered:
0x8: {  	[smem:$0x3FAA] =	sst s0  }
0x9: {  	[smem:$0x3FAB] =	sst s1  }
0xa: {  	[smem:$0x3FAC] =	sst s2  }
0xb: {  	[smem:$0x3FAD] =	sst s3  }
0xc: {  	[smem:$0x3FAE] =	sst s4  }
0xd: {  	[smem:$0x3FAF] =	sst s5  }
0xe: {  	[smem:$0x3FB0] =	sst s6  }
0xf: {  	[smem:$0x3FB1] =	sst s7  }
0x10: {  	[smem:$0x3FB2] =	sst s8  }
0x11: {  	[smem:$0x3FB3] =	sst s9;
	s0 =	simm.s32 @!p0 $0x0  }
0x12: {  	s1 =	sld [smem:$0x3F99];
	s0 =	simm.s32 @p0 $0x1  }
0x13: {  	[smem:$0x3FB4] =	sst s0;
	s0 =	simm.s32 @!p1 $0x0  }
0x14: {  	s2 =	sld [smem:$0x3F98];
	s0 =	simm.s32 @p1 $0x1  }
0x15: {  	[smem:$0x3FB5] =	sst s0;
	s0 =	simm.s32 @!p2 $0x0  }
0x16: {  	s3 =	sld [smem:$0x3FDB];
	s0 =	simm.s32 @p2 $0x1  }
0x17: {  	s4 =	simm.s32 $0x1BF5;
	[smem:$0x3FB7] =	sst s0  }
0x18: {  	s0 =	sld [smem:$0x3F9A];
	_ =	swait.ge [sflag:s4], $0x0  }
0x19: {  	s7 =	sld [smem:$0x3F9B]  }
0x1a: {  	s8 =	sadd.s32 $0xFFFFE003, lr  }
0x1b: {  	s9 =	sadd.s32 $0xFFFFFEF7, lr;
	s5 =	simm.s32 $0xFFFFFFFF;
	p2 =	slt.u32 s8, $0xFFFFF086  }
0x1c: {  	p1 =	slt.u32 s9, $0xF7A;
	s5 =	simm.s32 @!p2 $0x0  }
0x1d: {  	s5 =	simm.s32 @p1 $0x1;
	p0 =	seq.s32 s7, s2  }
0x1e: {  	s7 =	smul.u32 @!p0 $0xF7A, s2;
	p2 =	seq.s32 @!p0 s5, $0x0  }
0x1f: {  	s9 =	smul.u32 $0xF7A, s1;
	s8 =	simm.s32 @!p0 $0x1BF5;
	p2 =	por !p2, p0  }
0x20: {  	[sflag:s8] =	ssyncset.s32 @!p0 $0xFFFFF086;
	s6 =	sadd.s32 @!p0 s3, s7;
	s7 =	simm.s32 @!p0 $0x108  }
0x21: {  	s3 =	sadd.s32 s3, s9;
	s6 =	sadd.s32 @!p0 $0x88, s6;
	s7 =	simm.s32 @p2 $0x1082  }
0x22: {  	[simem:s7], [sflag:s8] =	dma.local @!p0 [hbm:s6], $0xF7A  }
0x23: {  	s9 =	sor.u32 $0xD0000000, s2;
	s6 =	simm.s32 $0x108;
	_ =	swait.ge @!p0 [sflag:s8], $0x0  }
0x24: {  	s3 =	sadd.s32 $0x88, s3;
	s6 =	simm.s32 @!p1 $0x1082;
	[sflag:s4] =	ssyncset.s32 $0xFFFFF086  }
0x25: {  	[simem:s6], [sflag:s4] =	dma.local [hbm:s3], $0xF7A  }
0x26: {  	[smem:$0x3F9B] =	sst s1;
	(tag) =	ssettag s2;
	_ =	strace s9  }
0x27: {  	s1 =	sld [smem:$0x3FAB]  }
0x28: {  	s2 =	sld [smem:$0x3FAC]  }
0x29: {  	s4 =	sld [smem:$0x3FAE]  }
0x2a: {  	p0 =	seq.s32 s5, $0x0;
	s5 =	sld [smem:$0x3FAF]  }
0x2b: {  	s6 =	sld [smem:$0x3FB0]  }
0x2c: {  	s7 =	sld [smem:$0x3FB1]  }
0x2d: {  	s3 =	simm.s32 $0x108;
	s8 =	sld [smem:$0x3FB2]  }
0x2e: {  	s3 =	simm.s32 @!p0 $0x1082;
	s9 =	sld [smem:$0x3FB3]  }
0x2f: {  	lr =	sadd.s32 s0, s3;
	s0 =	sld [smem:$0x3FAA]  }
0x30: {  	s3 =	sld [smem:$0x3FAD]  }
0x31: {  	[smem:$0x3FB6] =	sst s10  }
0x32: {  	s10 =	sld [smem:$0x3FB4];
	_ =	sdelay $0x3  }
0x33: {  	p0 =	seq.s32 s10, $0x1;
	s10 =	sld [smem:$0x3FB6];
	_ =	sdelay $0x3  }
0x34: {  	[smem:$0x3FB6] =	sst s10  }
0x35: {  	s10 =	sld [smem:$0x3FB5];
	_ =	sdelay $0x3  }
0x36: {  	p1 =	seq.s32 s10, $0x1;
	s10 =	sld [smem:$0x3FB6];
	_ =	sdelay $0x3  }
0x37: {  	[smem:$0x3FB6] =	sst s10  }
0x38: {  	s10 =	sld [smem:$0x3FB7]  }
0x39: {  	_ = 	snop;
	(pc) =	sbr.ind lr, $3  }
0x3a: {  	_ = 	snop  }
0x3b: {  	_ = 	snop  }
0x3c: {  	p2 =	seq.s32 s10, $0x1;
	s10 =	sld [smem:$0x3FB6]  }
0x3d: {  	_ =	shalt  }
0x3e: {  	_ =	shalt  }
0x3f: {  	_ =	shalt  }
0x40: {  	_ =	shalt  }
0x41: {  	_ =	shalt  }
0x42: {  	_ =	shalt  }
0x43: {  	_ =	shalt  }
0x44: {  	_ =	shalt  }
0x45: {  	_ =	shalt  }
0x46: {  	_ =	shalt  }
0x47: {  	_ =	shalt  }
0x48: {  	_ =	shalt  }
0x49: {  	_ =	shalt  }
0x4a: {  	_ =	shalt  }
0x4b: {  	_ =	shalt  }
0x4c: {  	_ =	shalt  }
0x4d: {  	_ =	shalt  }
0x4e: {  	_ =	shalt  }
0x4f: {  	_ =	shalt  }
0x50: {  	_ =	shalt  }
0x51: {  	_ =	shalt  }
0x52: {  	_ =	shalt  }
0x53: {  	_ =	shalt  }
0x54: {  	_ =	shalt  }
0x55: {  	_ =	shalt  }
0x56: {  	_ =	shalt  }
0x57: {  	_ =	shalt  }
0x58: {  	_ =	shalt  }
0x59: {  	_ =	shalt  }
0x5a: {  	_ =	shalt  }
0x5b: {  	_ =	shalt  }
0x5c: {  	_ =	shalt  }
0x5d: {  	_ =	shalt  }
0x5e: {  	_ =	shalt  }
0x5f: {  	_ =	shalt  }
0x60: {  	_ =	shalt  }
0x61: {  	_ =	shalt  }
0x62: {  	_ =	shalt  }
0x63: {  	_ =	shalt  }
0x64: {  	_ =	shalt  }
0x65: {  	_ =	shalt  }
0x66: {  	_ =	shalt  }
0x67: {  	_ =	shalt  }
0x68: {  	_ =	shalt  }
0x69: {  	_ =	shalt  }
0x6a: {  	_ =	shalt  }
0x6b: {  	_ =	shalt  }
0x6c: {  	_ =	shalt  }
0x6d: {  	_ =	shalt  }
0x6e: {  	_ =	shalt  }
0x6f: {  	_ =	shalt  }
0x70: {  	_ =	shalt  }
0x71: {  	_ =	shalt  }
0x72: {  	_ =	shalt  }
0x73: {  	_ =	shalt  }
0x74: {  	_ =	shalt  }
0x75: {  	_ =	shalt  }
0x76: {  	_ =	shalt  }
0x77: {  	_ =	shalt  }
0x78: {  	_ =	shalt  }
0x79: {  	_ =	shalt  }
0x7a: {  	_ =	shalt  }
0x7b: {  	_ =	shalt  }
0x7c: {  	_ =	shalt  }
0x7d: {  	_ =	shalt  }
0x7e: {  	_ =	shalt  }
0x7f: {  	_ =	shalt  }
0x80: {  	_ =	shalt  }
0x81: {  	_ =	shalt  }
0x82: {  	_ =	shalt  }
0x83: {  	_ =	shalt  }
0x84: {  	_ =	shalt  }
0x85: {  	_ =	shalt  }
0x86: {  	_ =	shalt  }
0x87: {  	_ =	shalt  }
.Lfunc_end0:
.L_simem_size_0:
called_computation.2_lowered:
.L_overlay_start_0:
0x88: {  	s2 =	sld [smem:$0x3FD9]  }
0x89: {  	s3 =	sld [smem:$0x3FFE];
	_ =	sdelay $0x1  }
0x8a: {  	s1 =	srdreg.scid  }
0x8b: {  	s0 =	sand.u32 $0x1, s1  }
0x8c: {  	s14 =	sshll.u32 s0, $0xA;
	s2 =	sadd.s32 s3, s2  }
0x8d: {  	s2 =	sadd.s32 s2, s14  }
0x8e: {  	[smem:$0x3FC2] =	sst s2  }
0x8f: {  	_ = 	snop  }
0x90: {  	s2 =	sld [smem:$0x3FD0];
	_ =	sdelay $0x2  }
0x91: {  	s15 =	simm.s32 $0xA;
	s4 =	simm.s32 $0x10  }
0x92: {  	[smem:s4], [sflag:s15] =	dma.local [hbm:s2], $0x1  }
0x93: {  	_ =	swait.eq [sflag:s15], $0x1  }
0x94: {  	[sflag:s15] =	ssyncset.done $0x0  }
0x95: {  	[sflag:s15] =	ssyncadd.s32 $0xFFFFFFFF  }
0x96: {  	s16 =	sld [smem:$0x10];
	(tm) =	ssettm $0x1  }
0x97: {  	s17 =	sld [smem:$0x3FFB];
	_ =	sdelay $0x3  }
0x98: {  	_ =	strace s17  }
0x99: {  	s3 =	sld [smem:$0x3FFC];
	_ =	sdelay $0x3  }
0x9a: {  	_ =	strace s3  }
0x9b: {  	s3 =	sld [smem:$0x3FFD];
	_ =	sdelay $0x3  }
0x9c: {  	_ =	strace s3  }
0x9d: {  	_ =	strace $0x8FFFFFFF  }
0x9e: {  	s18 =	sld [smem:$0x3FDB];
	_ =	sdelay $0x1  }
0x9f: {  	s19 =	simm.s32 $_scs_section_size  }
0xa0: {  	s5 =	simm.s32 $_size__tile_overlayer_lowered;
	s6 =	simm.s32 $_tile_overlayer_lowered  }
0xa1: {  	s22 =	simm.s32 $0x1BFF;
	s21 =	sshll.u32 s6, $0x1;
	s3 =	sadd.s32 s19, s18  }
0xa2: {  	s7 =	simm.s32 $0x0;
	s20 =	sshll.u32 s5, $0x1;
	s5 =	sadd.s32 s21, s3  }
0xa3: {  	[timem:s7], [sflag:s22] =	dma.local [hbm:s5], s20  }
0xa4: {  	_ =	swait.ge [sflag:s22], s20  }
0xa5: {  	s4 =	ssub.s32 $0x0, s20;
	[sflag:s22] =	ssyncset.done $0x0  }
0xa6: {  	[sflag:s22] =	ssyncadd.s32 s4;
	_ =	sdelay $0x1  }
0xa7: {  	s23 =	simm.s32 $0x1B8B  }
0xa8: {  	_ =	swait.ge [sflag:s23], $0x1  }
0xa9: {  	[sflag:s23] =	ssyncset.done $0x0  }
0xaa: {  	s25 =	simm.s32 $0x1B8E;
	s24 =	sld [smem:$0x3FFE];
	[sflag:s23] =	ssyncadd.s32 $0xFFFFFFFF  }
0xab: {  	s26 =	simm.s32 $execute0_lowered;
	[smem:$0x3FD2] =	sst s25  }
0xac: {  	s5 =	sshll.u32 s26, $0x1;
	_ =	strace $0x8000004C;
	[dreg:$0x1] =	wrdreg $0xFFFFFFFF  }
0xad: {  	s28 =	simm.s32 $_size_execute0_lowered;
	s3 =	sadd.s32 s3, s5;
	[dreg:$0x0] =	wrdreg $0x0  }
0xae: {  	s5 =	sshll.u32 s28, $0x1;
	[dreg:$0x2] =	wrdreg s3  }
0xaf: {  	[dreg:$0x3] =	wrdreg s5  }
0xb0: {  	[dreg:$0x4] =	wrdreg $0xC0  }
0xb1: {  	_ =	task [dreg:s7], $0x5FFFF  }
0xb2: {  	[dreg:$0x1] =	wrdreg $0xFFFFFFFF  }
0xb3: {  	[dreg:$0x0] =	wrdreg $0x60  }
0xb4: {  	[dreg:$0x2] =	wrdreg s24  }
0xb5: {  	[dreg:$0x3] =	wrdreg s16  }
0xb6: {  	[dreg:$0x4] =	wrdreg $0x9  }
0xb7: {  	_ =	task.clear_ibuf [dreg:s7], $0x5FFFF;
	_ =	strace $0x9000004C  }
0xb8: {  	s29 =	simm.s32 $0x9;
	_ =	strace $0x8000004E  }
0xb9: {  	_ =	swait.ge [sflag:s29], $0x1  }
0xba: {  	[sflag:s29] =	ssyncadd.s32 $0xFFFFFFFF  }
0xbb: {  	_ =	strace $0x9000004E  }
0xbc: {  	_ =	sfence  }
0xbd: {  	s30 =	sld [smem:$0x0];
	_ =	sdelay $0x2  }
0xbe: {  	s31 =	sshll.u32 s1, $0xD;
	s1 =	sshrl.u32 s1, $0x2  }
0xbf: {  	s3 =	sand.u32 $0x4000, s31;
	s1 =	sadd.s32 s1, s30  }
0xc0: {  	s0 =	sor.u32 s3, s0;
	s1 =	sshll.u32 s1, $0x11  }
0xc1: {  	s0 =	sor.u32 s1, s0  }
0xc2: {  	s0 =	sadd.s32 $0x8F2B, s0  }
0xc3: {  	[sflag:s0] =	ssyncadd.remote.s32 $0x1  }
0xc4: {  	_ =	sfence.sel $0xFFFF  }
0xc5: {  	[dreg:$0x0] =	wrdreg $0xFFFFFFFF;
	(pc) =	sbr.abs _section_cstart, $3  }
0xc6: {  	[dreg:$0x1] =	wrdreg $0xFFFFFFFF  }
0xc7: {  	_ =	task.clear_ibuf [dreg:s7], $0x2FFFF;
	_ =	strace $0x9FFFFFFF  }
0xc8: {  	(tm) =	ssettm $0x7FFFFFFF  }
0xc9: {  	_ =	shalt  }
tec
execute0_lowered:
.L_overlay_start_1:
0x0: {  	(tag) =	ssettag $0x1  }
0x1: {  	s0 =	rddreg [dreg:$0x0]  }
0x2: {  	s2 =	rddreg [dreg:$0x1]  }
0x3: {  	s1 =	stileid.u32;
	s4 =	srdreg.scid;
	s3 =	simm.s32 $0x0  }
0x4: {  	s16 =	simm.s32 $0x5200;
	s17 =	simm.s32 $0x5;
	s18 =	simm.s32 $0xF200  }
0x5: {  	s20 =	simm.s32 $0x2900;
	s21 =	simm.s32 $0x1480;
	s22 =	simm.s32 $0x3D80  }
0x6: {  	s23 =	simm.s32 $0x1;
	s24 =	simm.s32 $0x3;
	s25 =	simm.s32 $0x2  }
0x7: {  	s26 =	simm.s32 $0x4;
	s28 =	simm.s32 $0x0;
	s1 =	smul.u32 $0xA000, s1  }
0x8: {  	s6 =	sand.u32 $0x1, s4;
	[smem:$0x7FF] =	sst s3;
	s4 =	sadd.s32 $0x2600, s0  }
0x9: {  	s5 =	sadd.s32 $0x2000, s0;
	s7 =	smul.u32 $0xA0000, s6;
	_ =	strace $0x8000004D  }
0xa: {  	s30 =	ssub.s32 $0x2, s6;
	s13 =	smul.u32 $0x28800, s6;
	s29 =	sshrl.u32 s1, $0x3  }
0xb: {  	s6 =	sadd.s32 $0x20800, s0;
	s31 =	sshrl.u32 s30, $0x1;
	s8 =	sadd.s32 s29, s0  }
0xc: {  	s1 =	sadd.s32 s1, s7;
	s10 =	sshrl.u32 s13, $0x3;
	s12 =	sadd.s32 $0x2880, s13  }
0xd: {  	s13 =	sadd.s32 $0x3CC0, s13;
	s1 =	sshrl.u32 s1, $0x3;
	s7 =	sadd.s32 $0xC800, s8  }
0xe: {  	s8 =	sadd.s32 s4, s10;
	s9 =	sadd.s32 s2, s10;
	s11 =	sadd.s32 $0x288, s10  }
0xf: {  	s0 =	sadd.s32 s1, s0;
	s1 =	ssub.s32 s30, s31;
	s10 =	sadd.s32 s4, s11  }
0x10: {  	s11 =	sadd.s32 s2, s11;
	s14 =	sadd.s32 $0x21C00, s0;
	s15 =	smax.u32 s1, $0x1  }
.LBB2_1:
0x11: {  	[tilespmem:s16], [sflag:$0x5] =	stream.linear.gather [hbm4b:s7+s3], $0xA000, $0x38;
	[tilespmem:$0x1BA00] =	vst v63  }
0x12: {  	_ =	swait.ge [sflag:s17], $0xA000  }
0x13: {  	[sflag:s17] =	ssyncset.done $0x0  }
0x14: {  	[sflag:s17] =	ssyncadd.s32 $0xFFFF6000  }
0x15: {  	[tilespmem:s18], [sflag:$0x5] =	stream.linear.gather [hbm4b:s6+s3], $0xA000, $0x38;
	[tilespmem:$0x1BA00] =	vst v63  }
0x16: {  	_ =	swait.ge [sflag:s17], $0xA000  }
0x17: {  	[sflag:s17] =	ssyncset.done $0x0  }
0x18: {  	s0 =	simm.s32 $0x19200;
	[sflag:s17] =	ssyncadd.s32 $0xFFFF6000  }
0x19: {  	[tilespmem:s0], [sflag:$0x5] =	stream.linear.gather [hbm4b:s5+s3], $0x2800, $0x38;
	[tilespmem:$0x1BA00] =	vst v63  }
0x1a: {  	_ =	swait.ge [sflag:s17], $0x2800  }
0x1b: {  	s19 =	sand.u32 $0x70, s3;
	s1 =	sand.u32 $0xFE00, s3;
	[sflag:s17] =	ssyncset.done $0x0  }
0x1c: {  	s1 =	sor.u32 s19, s1;
	[sflag:s17] =	ssyncadd.s32 $0xFFFFD800  }
0x1d: {  	v2 =	vld [tilespmem:s1+$0x5280]  }
0x1e: {  	s31 =	simm.s32 $0x0;
	v0 =	vld [tilespmem:s1+$0x5200]  }
0x1f: {  	v1 =	vld [tilespmem:s31+$0x19200]  }
0x20: {  	s29 =	simm.s32 $0x10;
	s30 =	simm.s32 $0x0;
	v3 =	vld [tilespmem:s1+$0x5300]  }
.LBB2_2:
0x21: {  	_ =	sdelay $0x1  }
0x22: {  	p0 =	sne.s32 s29, $0x27F0  }
0x23: {  	s30 =	sadd.s32 $0x40, s30;
	s0 =	smov.u32 s29;
	s29 =	sadd.s32 $0x10, s29;
	v2 =	vmul.f32 v2, v1  }
0x24: {  	s0 =	sand.u32 $0x70, s0;
	s31 =	sand.u32 $0xFE00, s30;
	v0 =	vmul.f32 v0, v1;
	v1 =	vmul.f32 v3, v1  }
.Ltmp0:
0x25: {  	s19 =	sshra.s32 s30, $0x2;
	s0 =	sor.u32 s0, s31;
	[tilespmem:s1+$0x5280] =	vst v2;
	(pc) =	sbr.rel @p0 .LBB2_2-.Ltmp0, $4  }
0x26: {  	v2 =	vld [tilespmem:s0+$0x5280];
	[tilespmem:s1+$0x5200] =	vst v0  }
0x27: {  	v0 =	vld [tilespmem:s0+$0x5200];
	[tilespmem:s1+$0x5300] =	vst v1;
	s1 =	smov.u32 s0  }
0x28: {  	v1 =	vld [tilespmem:s19+$0x19200]  }
0x29: {  	v3 =	vld [tilespmem:s1+$0x5300]  }
0x2a: {  	_ =	sdelay $0x2  }
0x2b: {  	v2 =	vmul.f32 v2, v1  }
0x2c: {  	v0 =	vmul.f32 v0, v1  }
0x2d: {  	v63 =	vmul.f32 v3, v1;
	[tilespmem:s1+$0x5280] =	vst v2  }
0x2e: {  	[tilespmem:s1+$0x5200] =	vst v0  }
0x2f: {  	s29 =	simm.s32 $0x0;
	[tilespmem:s1+$0x5300] =	vst v63  }
0x30: {  	[tilespmem:s29], [sflag:$0x1] =	stream.linear.gather [hbm4b:s8+s29], $0x1440, $0x38;
	[tilespmem:$0x1BA00] =	vst v63  }
0x31: {  	_ = 	snop  }
0x32: {  	[tilespmem:s20], [sflag:$0x3] =	stream.linear.gather [hbm4b:s9+s29], $0x1440, $0x38;
	[tilespmem:$0x1BA00] =	vst v63  }
0x33: {  	_ = 	snop  }
0x34: {  	[tilespmem:s21], [sflag:$0x2] =	stream.linear.gather [hbm4b:s10+s29], $0x1440, $0x38;
	[tilespmem:$0x1BA00] =	vst v63  }
0x35: {  	_ = 	snop  }
0x36: {  	[tilespmem:s22], [sflag:$0x4] =	stream.linear.gather [hbm4b:s11+s29], $0x1440, $0x38;
	[tilespmem:$0x1BA00] =	vst v63  }
.LBB2_4:
0x37: {  	_ =	swait.ge [sflag:s23], $0x1440  }
0x38: {  	[sflag:s23] =	ssyncset.done $0x0  }
0x39: {  	[sflag:s23] =	ssyncadd.s32 $0xFFFFEBC0  }
0x3a: {  	_ =	swait.ge [sflag:s24], $0x1440  }
0x3b: {  	s30 =	simm.s32 $0xFFFFFFF0;
	[sflag:s24] =	ssyncset.done $0x0  }
0x3c: {  	s31 =	simm.s32 $0x2980;
	s1 =	simm.s32 $0x80;
	[sflag:s24] =	ssyncadd.s32 $0xFFFFEBC0  }
.LBB2_5:
0x3d: {  	v0 =	vld [tilespmem:s1+$0xFFFFFF80]  }
0x3e: {  	v2 =	vld [tilespmem:s31+$0xFFFFFF80]  }
0x3f: {  	v3 =	vld [tilespmem:s1+$0xFFFFFF90]  }
0x40: {  	v7 =	vld [tilespmem:s31+$0xFFFFFF90]  }
0x41: {  	v8 =	vld [tilespmem:s1+$0xFFFFFFA0]  }
0x42: {  	v9 =	vld [tilespmem:s31+$0xFFFFFFA0]  }
0x43: {  	v48 =	vld [tilespmem:s1+$0xFFFFFFB0]  }
0x44: {  	v54 =	vld [tilespmem:s31+$0xFFFFFFB0]  }
0x45: {  	v57 =	vld [tilespmem:s1+$0xFFFFFFC0]  }
0x46: {  	v63 =	vld [tilespmem:s31+$0xFFFFFFC0]  }
0x47: {  	v12 =	vld [tilespmem:s1+$0xFFFFFFD0]  }
0x48: {  	v18 =	vld [tilespmem:s31+$0xFFFFFFD0];
	v1 =	vshll.u32 v0, $0x2  }
0x49: {  	v21 =	vld [tilespmem:s1+$0xFFFFFFE0];
	v0 =	vand.u32 $0x7F, v0;
	v1 =	vand.u32 $0xFFFFFE00, v1  }
0x4a: {  	v27 =	vld [tilespmem:s31+$0xFFFFFFE0];
	v0 =	vor.u32 v0, v1  }
0x4b: {  	v30 =	vld [tilespmem:s1+$0xFFFFFFF0];
	v4 =	vshll.u32 v2, $0x2;
	v2 =	vand.u32 $0x7F, v2  }
0x4c: {  	v36 =	vld [tilespmem:s31+$0xFFFFFFF0];
	v40 =	vshll.u32 v3, $0x2;
	v4 =	vand.u32 $0xFFFFFE00, v4;
	v1 =	vor.u32 $0x80, v0  }
0x4d: {  	v39 =	vld [tilespmem:s1+$0x0];
	v3 =	vand.u32 $0x7F, v3;
	v2 =	vor.u32 v2, v4;
	v4 =	vand.u32 $0xFFFFFE00, v40  }
0x4e: {  	v58 =	vshll.u32 v54, $0x2;
	v60 =	vand.u32 $0x7F, v54;
	v54 =	vld [tilespmem:s31+$0x10];
	v3 =	vor.u32 v3, v4  }
0x4f: {  	v5 =	vld.idx.msk [tilespmem:v0+s16+$0x0], $0xffff;
	v0 =	vor.u32 $0x100, v0  }
0x50: {  	v13 =	vshll.u32 v63, $0x2;
	v15 =	vand.u32 $0x7F, v63;
	v63 =	vld [tilespmem:s31+$0x20]  }
0x51: {  	v6 =	vor.u32 $0x80, v2;
	v1 =	vld.idx.msk [tilespmem:v1+s16+$0x0], $0xffff  }
0x52: {  	v22 =	vshll.u32 v18, $0x2;
	v24 =	vand.u32 $0x7F, v18;
	v18 =	vld [tilespmem:s31+$0x30]  }
0x53: {  	v4 =	vor.u32 $0x80, v3;
	v42 =	vld.idx.msk [tilespmem:v3+s16+$0x0], $0xffff  }
0x54: {  	v3 =	vor.u32 $0x100, v3;
	v0 =	vld.idx.msk [tilespmem:v0+s16+$0x0], $0xffff  }
0x55: {  	v41 =	vshll.u32 v7, $0x2;
	v43 =	vand.u32 $0x7F, v7;
	[tilespmem:v2+s18+$0x0] =	vst.idx.add.f32.msk $0xffff, v5  }
0x56: {  	v44 =	vshll.u32 v8, $0x2;
	v2 =	vor.u32 $0x100, v2;
	[tilespmem:v6+s18+$0x0] =	vst.idx.add.f32.msk $0xffff, v1;
	v1 =	vand.u32 $0xFFFFFE00, v41  }
0x57: {  	v31 =	vshll.u32 v27, $0x2;
	v33 =	vand.u32 $0x7F, v27;
	v27 =	vld [tilespmem:s31+$0x40];
	v1 =	vor.u32 v43, v1  }
0x58: {  	v8 =	vand.u32 $0x7F, v8;
	v4 =	vld.idx.msk [tilespmem:v4+s16+$0x0], $0xffff;
	v6 =	vand.u32 $0xFFFFFE00, v44;
	v45 =	vor.u32 $0x80, v1  }
0x59: {  	v3 =	vld.idx.msk [tilespmem:v3+s16+$0x0], $0xffff;
	v46 =	vor.u32 v8, v6  }
0x5a: {  	v52 =	vshll.u32 v48, $0x2;
	v6 =	vand.u32 $0x7F, v48;
	v48 =	vld [tilespmem:s1+$0x10];
	v47 =	vor.u32 $0x80, v46  }
0x5b: {  	[tilespmem:v2+s18+$0x0] =	vst.idx.add.f32.msk $0xffff, v0  }
0x5c: {  	v49 =	vshll.u32 v9, $0x2;
	v0 =	vor.u32 $0x100, v46;
	[tilespmem:v1+s18+$0x0] =	vst.idx.add.f32.msk $0xffff, v42  }
0x5d: {  	v51 =	vand.u32 $0x7F, v9;
	v1 =	vor.u32 $0x100, v1;
	[tilespmem:v45+s18+$0x0] =	vst.idx.add.f32.msk $0xffff, v4;
	v4 =	vand.u32 $0xFFFFFE00, v49  }
0x5e: {  	v50 =	vld.idx.msk [tilespmem:v46+s16+$0x0], $0xffff;
	v4 =	vor.u32 v51, v4  }
0x5f: {  	v7 =	vand.u32 $0xFFFFFE00, v52;
	v2 =	vld.idx.msk [tilespmem:v47+s16+$0x0], $0xffff;
	v53 =	vor.u32 $0x80, v4  }
0x60: {  	v61 =	vshll.u32 v57, $0x2;
	v55 =	vor.u32 v6, v7;
	v6 =	vand.u32 $0x7F, v57;
	v57 =	vld [tilespmem:s1+$0x20]  }
0x61: {  	v56 =	vor.u32 $0x80, v55;
	v0 =	vld.idx.msk [tilespmem:v0+s16+$0x0], $0xffff  }
0x62: {  	[tilespmem:v1+s18+$0x0] =	vst.idx.add.f32.msk $0xffff, v3  }
0x63: {  	v1 =	vor.u32 $0x100, v55;
	[tilespmem:v4+s18+$0x0] =	vst.idx.add.f32.msk $0xffff, v50  }
0x64: {  	v4 =	vor.u32 $0x100, v4;
	[tilespmem:v53+s18+$0x0] =	vst.idx.add.f32.msk $0xffff, v2;
	v2 =	vand.u32 $0xFFFFFE00, v58  }
0x65: {  	v59 =	vld.idx.msk [tilespmem:v55+s16+$0x0], $0xffff;
	v2 =	vor.u32 v60, v2  }
0x66: {  	v7 =	vand.u32 $0xFFFFFE00, v61;
	v3 =	vld.idx.msk [tilespmem:v56+s16+$0x0], $0xffff;
	v62 =	vor.u32 $0x80, v2  }
0x67: {  	v16 =	vshll.u32 v12, $0x2;
	v10 =	vor.u32 v6, v7;
	v6 =	vand.u32 $0x7F, v12;
	v12 =	vld [tilespmem:s1+$0x30]  }
0x68: {  	v11 =	vor.u32 $0x80, v10;
	v1 =	vld.idx.msk [tilespmem:v1+s16+$0x0], $0xffff  }
0x69: {  	[tilespmem:v4+s18+$0x0] =	vst.idx.add.f32.msk $0xffff, v0  }
0x6a: {  	v0 =	vor.u32 $0x100, v10;
	[tilespmem:v2+s18+$0x0] =	vst.idx.add.f32.msk $0xffff, v59  }
0x6b: {  	v2 =	vor.u32 $0x100, v2;
	[tilespmem:v62+s18+$0x0] =	vst.idx.add.f32.msk $0xffff, v3;
	v3 =	vand.u32 $0xFFFFFE00, v13  }
0x6c: {  	v14 =	vld.idx.msk [tilespmem:v10+s16+$0x0], $0xffff;
	v3 =	vor.u32 v15, v3  }
0x6d: {  	v7 =	vand.u32 $0xFFFFFE00, v16;
	v4 =	vld.idx.msk [tilespmem:v11+s16+$0x0], $0xffff;
	v17 =	vor.u32 $0x80, v3  }
0x6e: {  	v25 =	vshll.u32 v21, $0x2;
	v19 =	vor.u32 v6, v7;
	v6 =	vand.u32 $0x7F, v21;
	v21 =	vld [tilespmem:s1+$0x40]  }
0x6f: {  	v20 =	vor.u32 $0x80, v19;
	v0 =	vld.idx.msk [tilespmem:v0+s16+$0x0], $0xffff  }
0x70: {  	[tilespmem:v2+s18+$0x0] =	vst.idx.add.f32.msk $0xffff, v1  }
0x71: {  	v1 =	vor.u32 $0x100, v19;
	[tilespmem:v3+s18+$0x0] =	vst.idx.add.f32.msk $0xffff, v14  }
0x72: {  	v3 =	vor.u32 $0x100, v3;
	[tilespmem:v17+s18+$0x0] =	vst.idx.add.f32.msk $0xffff, v4;
	v4 =	vand.u32 $0xFFFFFE00, v22  }
0x73: {  	v23 =	vld.idx.msk [tilespmem:v19+s16+$0x0], $0xffff;
	v4 =	vor.u32 v24, v4  }
0x74: {  	v7 =	vand.u32 $0xFFFFFE00, v25;
	v2 =	vld.idx.msk [tilespmem:v20+s16+$0x0], $0xffff;
	v26 =	vor.u32 $0x80, v4  }
0x75: {  	v34 =	vshll.u32 v30, $0x2;
	v28 =	vor.u32 v6, v7;
	v6 =	vand.u32 $0x7F, v30;
	v30 =	vld [tilespmem:s1+$0x50]  }
0x76: {  	v29 =	vor.u32 $0x80, v28;
	v1 =	vld.idx.msk [tilespmem:v1+s16+$0x0], $0xffff  }
0x77: {  	[tilespmem:v3+s18+$0x0] =	vst.idx.add.f32.msk $0xffff, v0  }
0x78: {  	v0 =	vor.u32 $0x100, v28;
	[tilespmem:v4+s18+$0x0] =	vst.idx.add.f32.msk $0xffff, v23  }
0x79: {  	v4 =	vor.u32 $0x100, v4;
	[tilespmem:v26+s18+$0x0] =	vst.idx.add.f32.msk $0xffff, v2;
	v2 =	vand.u32 $0xFFFFFE00, v31  }
0x7a: {  	v32 =	vld.idx.msk [tilespmem:v28+s16+$0x0], $0xffff;
	v2 =	vor.u32 v33, v2  }
0x7b: {  	v7 =	vand.u32 $0xFFFFFE00, v34;
	v3 =	vld.idx.msk [tilespmem:v29+s16+$0x0], $0xffff;
	v35 =	vor.u32 $0x80, v2  }
0x7c: {  	v37 =	vor.u32 v6, v7;
	v45 =	vld [tilespmem:s31+$0x0]  }
0x7d: {  	v38 =	vor.u32 $0x80, v37;
	v0 =	vld.idx.msk [tilespmem:v0+s16+$0x0], $0xffff  }
0x7e: {  	[tilespmem:v4+s18+$0x0] =	vst.idx.add.f32.msk $0xffff, v1  }
0x7f: {  	v40 =	vshll.u32 v36, $0x2;
	v1 =	vor.u32 $0x100, v37;
	[tilespmem:v2+s18+$0x0] =	vst.idx.add.f32.msk $0xffff, v32  }
0x80: {  	v42 =	vand.u32 $0x7F, v36;
	v2 =	vor.u32 $0x100, v2;
	[tilespmem:v35+s18+$0x0] =	vst.idx.add.f32.msk $0xffff, v3;
	v3 =	vand.u32 $0xFFFFFE00, v40  }
0x81: {  	v43 =	vshll.u32 v39, $0x2;
	v41 =	vld.idx.msk [tilespmem:v37+s16+$0x0], $0xffff;
	v3 =	vor.u32 v42, v3  }
0x82: {  	v6 =	vand.u32 $0x7F, v39;
	v7 =	vand.u32 $0xFFFFFE00, v43;
	v4 =	vld.idx.msk [tilespmem:v38+s16+$0x0], $0xffff;
	v44 =	vor.u32 $0x80, v3  }
0x83: {  	v52 =	vshll.u32 v48, $0x2;
	v36 =	vld [tilespmem:s31+$0x50];
	v46 =	vor.u32 v6, v7  }
0x84: {  	v6 =	vand.u32 $0x7F, v48;
	v7 =	vand.u32 $0xFFFFFE00, v52;
	v47 =	vor.u32 $0x80, v46;
	v1 =	vld.idx.msk [tilespmem:v1+s16+$0x0], $0xffff  }
0x85: {  	v55 =	vor.u32 v6, v7;
	[tilespmem:v2+s18+$0x0] =	vst.idx.add.f32.msk $0xffff, v0  }
0x86: {  	v49 =	vshll.u32 v45, $0x2;
	v0 =	vor.u32 $0x100, v46;
	[tilespmem:v3+s18+$0x0] =	vst.idx.add.f32.msk $0xffff, v41  }
0x87: {  	v51 =	vand.u32 $0x7F, v45;
	v3 =	vor.u32 $0x100, v3;
	[tilespmem:v44+s18+$0x0] =	vst.idx.add.f32.msk $0xffff, v4;
	v4 =	vand.u32 $0xFFFFFE00, v49  }
0x88: {  	v61 =	vshll.u32 v57, $0x2;
	v50 =	vld.idx.msk [tilespmem:v46+s16+$0x0], $0xffff;
	v4 =	vor.u32 v51, v4  }
0x89: {  	v6 =	vand.u32 $0x7F, v57;
	v7 =	vand.u32 $0xFFFFFE00, v61;
	v2 =	vld.idx.msk [tilespmem:v47+s16+$0x0], $0xffff;
	v53 =	vor.u32 $0x80, v4  }
0x8a: {  	v16 =	vshll.u32 v12, $0x2;
	v10 =	vor.u32 v6, v7;
	v59 =	vld.idx.msk [tilespmem:v55+s16+$0x0], $0xffff  }
0x8b: {  	v56 =	vor.u32 $0x80, v55;
	v6 =	vand.u32 $0x7F, v12;
	v7 =	vand.u32 $0xFFFFFE00, v16;
	v0 =	vld.idx.msk [tilespmem:v0+s16+$0x0], $0xffff  }
0x8c: {  	v19 =	vor.u32 v6, v7;
	[tilespmem:v3+s18+$0x0] =	vst.idx.add.f32.msk $0xffff, v1  }
0x8d: {  	v58 =	vshll.u32 v54, $0x2;
	v1 =	vor.u32 $0x100, v55;
	[tilespmem:v4+s18+$0x0] =	vst.idx.add.f32.msk $0xffff, v50  }
0x8e: {  	v60 =	vand.u32 $0x7F, v54;
	v4 =	vor.u32 $0x100, v4;
	[tilespmem:v53+s18+$0x0] =	vst.idx.add.f32.msk $0xffff, v2;
	v2 =	vand.u32 $0xFFFFFE00, v58  }
0x8f: {  	v14 =	vld.idx.msk [tilespmem:v10+s16+$0x0], $0xffff;
	v2 =	vor.u32 v60, v2  }
0x90: {  	v3 =	vld.idx.msk [tilespmem:v56+s16+$0x0], $0xffff;
	v62 =	vor.u32 $0x80, v2  }
0x91: {  	v25 =	vshll.u32 v21, $0x2;
	v23 =	vld.idx.msk [tilespmem:v19+s16+$0x0], $0xffff  }
0x92: {  	v11 =	vor.u32 $0x80, v10;
	v6 =	vand.u32 $0x7F, v21;
	v7 =	vand.u32 $0xFFFFFE00, v25;
	v1 =	vld.idx.msk [tilespmem:v1+s16+$0x0], $0xffff  }
0x93: {  	v28 =	vor.u32 v6, v7;
	[tilespmem:v4+s18+$0x0] =	vst.idx.add.f32.msk $0xffff, v0  }
0x94: {  	v13 =	vshll.u32 v63, $0x2;
	v0 =	vor.u32 $0x100, v10;
	[tilespmem:v2+s18+$0x0] =	vst.idx.add.f32.msk $0xffff, v59  }
0x95: {  	v15 =	vand.u32 $0x7F, v63;
	v2 =	vor.u32 $0x100, v2;
	[tilespmem:v62+s18+$0x0] =	vst.idx.add.f32.msk $0xffff, v3;
	v3 =	vand.u32 $0xFFFFFE00, v13  }
0x96: {  	v38 =	vld [tilespmem:s1+$0x60];
	v3 =	vor.u32 v15, v3  }
0x97: {  	v34 =	vshll.u32 v30, $0x2;
	v4 =	vld.idx.msk [tilespmem:v11+s16+$0x0], $0xffff;
	v17 =	vor.u32 $0x80, v3  }
0x98: {  	v6 =	vand.u32 $0x7F, v30;
	v7 =	vand.u32 $0xFFFFFE00, v34;
	v32 =	vld.idx.msk [tilespmem:v28+s16+$0x0], $0xffff  }
0x99: {  	v37 =	vor.u32 v6, v7;
	v0 =	vld.idx.msk [tilespmem:v0+s16+$0x0], $0xffff  }
0x9a: {  	v20 =	vor.u32 $0x80, v19;
	[tilespmem:v2+s18+$0x0] =	vst.idx.add.f32.msk $0xffff, v1  }
0x9b: {  	v22 =	vshll.u32 v18, $0x2;
	v39 =	vor.u32 $0x80, v37;
	[tilespmem:v3+s18+$0x0] =	vst.idx.add.f32.msk $0xffff, v14  }
0x9c: {  	v24 =	vand.u32 $0x7F, v18;
	v1 =	vor.u32 $0x100, v19;
	[tilespmem:v17+s18+$0x0] =	vst.idx.add.f32.msk $0xffff, v4;
	v4 =	vand.u32 $0xFFFFFE00, v22  }
0x9d: {  	v42 =	vld [tilespmem:s31+$0x60];
	v4 =	vor.u32 v24, v4  }
0x9e: {  	v6 =	vld.idx.msk [tilespmem:v37+s16+$0x0], $0xffff;
	v3 =	vor.u32 $0x100, v3  }
0x9f: {  	v2 =	vld.idx.msk [tilespmem:v20+s16+$0x0], $0xffff;
	v26 =	vor.u32 $0x80, v4  }
0xa0: {  	v46 =	vld.idx.msk [tilespmem:v39+s16+$0x0], $0xffff  }
0xa1: {  	v29 =	vor.u32 $0x80, v28;
	v1 =	vld.idx.msk [tilespmem:v1+s16+$0x0], $0xffff  }
0xa2: {  	[tilespmem:v4+s18+$0x0] =	vst.idx.add.f32.msk $0xffff, v23;
	v4 =	vor.u32 $0x100, v4  }
0xa3: {  	v31 =	vshll.u32 v27, $0x2;
	[tilespmem:v3+s18+$0x0] =	vst.idx.add.f32.msk $0xffff, v0  }
0xa4: {  	v33 =	vand.u32 $0x7F, v27;
	v0 =	vor.u32 $0x100, v28;
	[tilespmem:v26+s18+$0x0] =	vst.idx.add.f32.msk $0xffff, v2;
	v2 =	vand.u32 $0xFFFFFE00, v31  }
0xa5: {  	v44 =	vld [tilespmem:s1+$0x70];
	v2 =	vor.u32 v33, v2  }
0xa6: {  	v40 =	vshll.u32 v36, $0x2;
	v3 =	vld.idx.msk [tilespmem:v29+s16+$0x0], $0xffff;
	v35 =	vor.u32 $0x80, v2  }
0xa7: {  	v5 =	vand.u32 $0xFFFFFE00, v40;
	v41 =	vand.u32 $0x7F, v36;
	[tilespmem:v4+s18+$0x0] =	vst.idx.add.f32.msk $0xffff, v1;
	v1 =	vor.u32 $0x100, v37  }
0xa8: {  	v5 =	vor.u32 v41, v5;
	v10 =	vld [tilespmem:s31+$0x70]  }
0xa9: {  	v43 =	vshll.u32 v38, $0x2;
	v47 =	vor.u32 $0x80, v5;
	v0 =	vld.idx.msk [tilespmem:v0+s16+$0x0], $0xffff  }
0xaa: {  	v8 =	vand.u32 $0xFFFFFE00, v43;
	v4 =	vand.u32 $0x7F, v38;
	[tilespmem:v2+s18+$0x0] =	vst.idx.add.f32.msk $0xffff, v32;
	v2 =	vor.u32 $0x100, v2  }
0xab: {  	v45 =	vor.u32 v4, v8;
	[tilespmem:v35+s18+$0x0] =	vst.idx.add.f32.msk $0xffff, v3  }
0xac: {  	v11 =	vshll.u32 v44, $0x2;
	v49 =	vor.u32 $0x80, v45;
	v1 =	vld.idx.msk [tilespmem:v1+s16+$0x0], $0xffff  }
0xad: {  	v52 =	vand.u32 $0x7F, v44;
	v53 =	vand.u32 $0xFFFFFE00, v11;
	v50 =	vor.u32 $0x100, v45;
	[tilespmem:v5+s18+$0x0] =	vst.idx.add.f32.msk $0xffff, v6  }
0xae: {  	v51 =	vshll.u32 v42, $0x2;
	v54 =	vor.u32 v52, v53;
	[tilespmem:v47+s18+$0x0] =	vst.idx.add.f32.msk $0xffff, v46  }
0xaf: {  	v7 =	vand.u32 $0x7F, v42;
	v48 =	vor.u32 $0x100, v5;
	v8 =	vand.u32 $0xFFFFFE00, v51;
	[tilespmem:v2+s18+$0x0] =	vst.idx.add.f32.msk $0xffff, v0  }
0xb0: {  	v7 =	vor.u32 v7, v8;
	v0 =	vld.idx.msk [tilespmem:v45+s16+$0x0], $0xffff  }
0xb1: {  	v55 =	vor.u32 $0x80, v54;
	v56 =	vld.idx.msk [tilespmem:v49+s16+$0x0], $0xffff  }
0xb2: {  	v57 =	vor.u32 $0x100, v54;
	v58 =	vld.idx.msk [tilespmem:v50+s16+$0x0], $0xffff  }
0xb3: {  	v60 =	vshll.u32 v10, $0x2;
	v59 =	vor.u32 $0x80, v7;
	v2 =	vld.idx.msk [tilespmem:v54+s16+$0x0], $0xffff  }
0xb4: {  	v62 =	vand.u32 $0x7F, v10;
	v8 =	vand.u32 $0xFFFFFE00, v60;
	v61 =	vor.u32 $0x100, v7;
	[tilespmem:v48+s18+$0x0] =	vst.idx.add.f32.msk $0xffff, v1  }
0xb5: {  	[tilespmem:v7+s18+$0x0] =	vst.idx.add.f32.msk $0xffff, v0;
	v7 =	vor.u32 v62, v8  }
0xb6: {  	s30 =	sadd.s32 $0x10, s30;
	v1 =	vld.idx.msk [tilespmem:v55+s16+$0x0], $0xffff;
	v8 =	vor.u32 $0x80, v7  }
0xb7: {  	p0 =	slt.u32 s30, $0x130;
	v4 =	vld.idx.msk [tilespmem:v57+s16+$0x0], $0xffff;
	v63 =	vor.u32 $0x100, v7  }
.Ltmp1:
0xb8: {  	[tilespmem:v59+s18+$0x0] =	vst.idx.add.f32.msk $0xffff, v56;
	(pc) =	sbr.rel @p0 .LBB2_5-.Ltmp1, $4  }
0xb9: {  	[tilespmem:v61+s18+$0x0] =	vst.idx.add.f32.msk $0xffff, v58  }
0xba: {  	[tilespmem:v7+s18+$0x0] =	vst.idx.add.f32.msk $0xffff, v2  }
0xbb: {  	[tilespmem:v8+s18+$0x0] =	vst.idx.add.f32.msk $0xffff, v1  }
0xbc: {  	s0 =	simm.s32 $0x0;
	s1 =	sadd.s32 $0x100, s1;
	s31 =	sadd.s32 $0x100, s31;
	[tilespmem:v63+s18+$0x0] =	vst.idx.add.f32.msk $0xffff, v4  }
.LBB2_6:
0xbd: {  	s1 =	sshra.s32 s0, $0x2  }
0xbe: {  	v0 =	vld [tilespmem:s1+$0x1400];
	_ =	sdelay $0x4  }
0xbf: {  	v1 =	vld [tilespmem:s1+$0x3D00];
	v2 =	vshll.u32 v0, $0x2  }
0xc0: {  	v0 =	vand.u32 $0x7F, v0;
	v2 =	vand.u32 $0xFFFFFE00, v2  }
0xc1: {  	v0 =	vor.u32 v0, v2  }
0xc2: {  	v2 =	vor.u32 $0x80, v0  }
0xc3: {  	v3 =	vor.u32 $0x100, v0  }
0xc4: {  	v4 =	vshll.u32 v1, $0x2  }
0xc5: {  	v1 =	vand.u32 $0x7F, v1;
	v4 =	vand.u32 $0xFFFFFE00, v4  }
0xc6: {  	v1 =	vor.u32 v1, v4;
	v0 =	vld.idx.msk [tilespmem:v0+s16+$0x0], $0xffff  }
0xc7: {  	v4 =	vor.u32 $0x80, v1;
	v2 =	vld.idx.msk [tilespmem:v2+s16+$0x0], $0xffff  }
0xc8: {  	p0 =	sne.s32 s0, $0xC0;
	v5 =	vor.u32 $0x100, v1;
	v3 =	vld.idx.msk [tilespmem:v3+s16+$0x0], $0xffff  }
.Ltmp2:
0xc9: {  	_ = 	snop;
	(pc) =	sbr.rel @p0 .LBB2_6-.Ltmp2, $4  }
0xca: {  	_ = 	snop  }
0xcb: {  	[tilespmem:v1+s18+$0x0] =	vst.idx.add.f32.msk $0xffff, v0  }
0xcc: {  	[tilespmem:v4+s18+$0x0] =	vst.idx.add.f32.msk $0xffff, v2  }
0xcd: {  	s0 =	sadd.s32 $0x40, s0;
	[tilespmem:v5+s18+$0x0] =	vst.idx.add.f32.msk $0xffff, v3  }
0xce: {  	p0 =	seq.s32 s29, $0xF  }
0xcf: {  	s0 =	smul.u32 @!p0 $0x2880, s29;
	_ =	sdelay $0x1  }
0xd0: {  	s0 =	sadd.s32 @!p0 s0, s12  }
0xd1: {  	s0 =	sshrl.u32 @!p0 s0, $0x3  }
0xd2: {  	s19 =	simm.s32 @!p0 $0x0;
	s1 =	sadd.s32 @!p0 s4, s0  }
0xd3: {  	[tilespmem:s19], [sflag:$0x1] =	stream.linear.gather @!p0 [hbm4b:s1+s19], $0x1440, $0x38;
	[tilespmem:$0x1BA00] =	vst v63  }
0xd4: {  	s0 =	sadd.s32 @!p0 s2, s0;
	s1 =	simm.s32 @!p0 $0x2900  }
0xd5: {  	[tilespmem:s1], [sflag:$0x3] =	stream.linear.gather @!p0 [hbm4b:s0+s19], $0x1440, $0x38;
	[tilespmem:$0x1BA00] =	vst v63  }
0xd6: {  	_ =	swait.ge [sflag:s25], $0x1440  }
0xd7: {  	[sflag:s25] =	ssyncset.done $0x0  }
0xd8: {  	[sflag:s25] =	ssyncadd.s32 $0xFFFFEBC0  }
0xd9: {  	_ =	swait.ge [sflag:s26], $0x1440  }
0xda: {  	s30 =	simm.s32 $0xFFFFFFF0;
	[sflag:s26] =	ssyncset.done $0x0  }
0xdb: {  	s31 =	simm.s32 $0x3E00;
	s1 =	simm.s32 $0x1500;
	[sflag:s26] =	ssyncadd.s32 $0xFFFFEBC0  }
.LBB2_8:
0xdc: {  	v0 =	vld [tilespmem:s1+$0xFFFFFF80]  }
0xdd: {  	v2 =	vld [tilespmem:s31+$0xFFFFFF80]  }
0xde: {  	v3 =	vld [tilespmem:s1+$0xFFFFFF90]  }
0xdf: {  	v7 =	vld [tilespmem:s31+$0xFFFFFF90]  }
0xe0: {  	v8 =	vld [tilespmem:s1+$0xFFFFFFA0]  }
0xe1: {  	v9 =	vld [tilespmem:s31+$0xFFFFFFA0]  }
0xe2: {  	v48 =	vld [tilespmem:s1+$0xFFFFFFB0]  }
0xe3: {  	v54 =	vld [tilespmem:s31+$0xFFFFFFB0]  }
0xe4: {  	v57 =	vld [tilespmem:s1+$0xFFFFFFC0]  }
0xe5: {  	v63 =	vld [tilespmem:s31+$0xFFFFFFC0]  }
0xe6: {  	v12 =	vld [tilespmem:s1+$0xFFFFFFD0]  }
0xe7: {  	v18 =	vld [tilespmem:s31+$0xFFFFFFD0];
	v1 =	vshll.u32 v0, $0x2  }
0xe8: {  	v21 =	vld [tilespmem:s1+$0xFFFFFFE0];
	v0 =	vand.u32 $0x7F, v0;
	v1 =	vand.u32 $0xFFFFFE00, v1  }
0xe9: {  	v27 =	vld [tilespmem:s31+$0xFFFFFFE0];
	v0 =	vor.u32 v0, v1  }
0xea: {  	v30 =	vld [tilespmem:s1+$0xFFFFFFF0];
	v4 =	vshll.u32 v2, $0x2;
	v2 =	vand.u32 $0x7F, v2  }
0xeb: {  	v36 =	vld [tilespmem:s31+$0xFFFFFFF0];
	v40 =	vshll.u32 v3, $0x2;
	v4 =	vand.u32 $0xFFFFFE00, v4;
	v1 =	vor.u32 $0x80, v0  }
0xec: {  	v39 =	vld [tilespmem:s1+$0x0];
	v3 =	vand.u32 $0x7F, v3;
	v2 =	vor.u32 v2, v4;
	v4 =	vand.u32 $0xFFFFFE00, v40  }
0xed: {  	v58 =	vshll.u32 v54, $0x2;
	v60 =	vand.u32 $0x7F, v54;
	v54 =	vld [tilespmem:s31+$0x10];
	v3 =	vor.u32 v3, v4  }
0xee: {  	v5 =	vld.idx.msk [tilespmem:v0+s16+$0x0], $0xffff;
	v0 =	vor.u32 $0x100, v0  }
0xef: {  	v13 =	vshll.u32 v63, $0x2;
	v15 =	vand.u32 $0x7F, v63;
	v63 =	vld [tilespmem:s31+$0x20]  }
0xf0: {  	v6 =	vor.u32 $0x80, v2;
	v1 =	vld.idx.msk [tilespmem:v1+s16+$0x0], $0xffff  }
0xf1: {  	v22 =	vshll.u32 v18, $0x2;
	v24 =	vand.u32 $0x7F, v18;
	v18 =	vld [tilespmem:s31+$0x30]  }
0xf2: {  	v4 =	vor.u32 $0x80, v3;
	v42 =	vld.idx.msk [tilespmem:v3+s16+$0x0], $0xffff  }
0xf3: {  	v3 =	vor.u32 $0x100, v3;
	v0 =	vld.idx.msk [tilespmem:v0+s16+$0x0], $0xffff  }
0xf4: {  	v41 =	vshll.u32 v7, $0x2;
	v43 =	vand.u32 $0x7F, v7;
	[tilespmem:v2+s18+$0x0] =	vst.idx.add.f32.msk $0xffff, v5  }
0xf5: {  	v44 =	vshll.u32 v8, $0x2;
	v2 =	vor.u32 $0x100, v2;
	[tilespmem:v6+s18+$0x0] =	vst.idx.add.f32.msk $0xffff, v1;
	v1 =	vand.u32 $0xFFFFFE00, v41  }
0xf6: {  	v31 =	vshll.u32 v27, $0x2;
	v33 =	vand.u32 $0x7F, v27;
	v27 =	vld [tilespmem:s31+$0x40];
	v1 =	vor.u32 v43, v1  }
0xf7: {  	v8 =	vand.u32 $0x7F, v8;
	v4 =	vld.idx.msk [tilespmem:v4+s16+$0x0], $0xffff;
	v6 =	vand.u32 $0xFFFFFE00, v44;
	v45 =	vor.u32 $0x80, v1  }
0xf8: {  	v3 =	vld.idx.msk [tilespmem:v3+s16+$0x0], $0xffff;
	v46 =	vor.u32 v8, v6  }
0xf9: {  	v52 =	vshll.u32 v48, $0x2;
	v6 =	vand.u32 $0x7F, v48;
	v48 =	vld [tilespmem:s1+$0x10];
	v47 =	vor.u32 $0x80, v46  }
0xfa: {  	[tilespmem:v2+s18+$0x0] =	vst.idx.add.f32.msk $0xffff, v0  }
0xfb: {  	v49 =	vshll.u32 v9, $0x2;
	v0 =	vor.u32 $0x100, v46;
	[tilespmem:v1+s18+$0x0] =	vst.idx.add.f32.msk $0xffff, v42  }
0xfc: {  	v51 =	vand.u32 $0x7F, v9;
	v1 =	vor.u32 $0x100, v1;
	[tilespmem:v45+s18+$0x0] =	vst.idx.add.f32.msk $0xffff, v4;
	v4 =	vand.u32 $0xFFFFFE00, v49  }
0xfd: {  	v50 =	vld.idx.msk [tilespmem:v46+s16+$0x0], $0xffff;
	v4 =	vor.u32 v51, v4  }
0xfe: {  	v7 =	vand.u32 $0xFFFFFE00, v52;
	v2 =	vld.idx.msk [tilespmem:v47+s16+$0x0], $0xffff;
	v53 =	vor.u32 $0x80, v4  }
0xff: {  	v61 =	vshll.u32 v57, $0x2;
	v55 =	vor.u32 v6, v7;
	v6 =	vand.u32 $0x7F, v57;
	v57 =	vld [tilespmem:s1+$0x20]  }
0x100: {  	v56 =	vor.u32 $0x80, v55;
	v0 =	vld.idx.msk [tilespmem:v0+s16+$0x0], $0xffff  }
0x101: {  	[tilespmem:v1+s18+$0x0] =	vst.idx.add.f32.msk $0xffff, v3  }
0x102: {  	v1 =	vor.u32 $0x100, v55;
	[tilespmem:v4+s18+$0x0] =	vst.idx.add.f32.msk $0xffff, v50  }
0x103: {  	v4 =	vor.u32 $0x100, v4;
	[tilespmem:v53+s18+$0x0] =	vst.idx.add.f32.msk $0xffff, v2;
	v2 =	vand.u32 $0xFFFFFE00, v58  }
0x104: {  	v59 =	vld.idx.msk [tilespmem:v55+s16+$0x0], $0xffff;
	v2 =	vor.u32 v60, v2  }
0x105: {  	v7 =	vand.u32 $0xFFFFFE00, v61;
	v3 =	vld.idx.msk [tilespmem:v56+s16+$0x0], $0xffff;
	v62 =	vor.u32 $0x80, v2  }
0x106: {  	v16 =	vshll.u32 v12, $0x2;
	v10 =	vor.u32 v6, v7;
	v6 =	vand.u32 $0x7F, v12;
	v12 =	vld [tilespmem:s1+$0x30]  }
0x107: {  	v11 =	vor.u32 $0x80, v10;
	v1 =	vld.idx.msk [tilespmem:v1+s16+$0x0], $0xffff  }
0x108: {  	[tilespmem:v4+s18+$0x0] =	vst.idx.add.f32.msk $0xffff, v0  }
0x109: {  	v0 =	vor.u32 $0x100, v10;
	[tilespmem:v2+s18+$0x0] =	vst.idx.add.f32.msk $0xffff, v59  }
0x10a: {  	v2 =	vor.u32 $0x100, v2;
	[tilespmem:v62+s18+$0x0] =	vst.idx.add.f32.msk $0xffff, v3;
	v3 =	vand.u32 $0xFFFFFE00, v13  }
0x10b: {  	v14 =	vld.idx.msk [tilespmem:v10+s16+$0x0], $0xffff;
	v3 =	vor.u32 v15, v3  }
0x10c: {  	v7 =	vand.u32 $0xFFFFFE00, v16;
	v4 =	vld.idx.msk [tilespmem:v11+s16+$0x0], $0xffff;
	v17 =	vor.u32 $0x80, v3  }
0x10d: {  	v25 =	vshll.u32 v21, $0x2;
	v19 =	vor.u32 v6, v7;
	v6 =	vand.u32 $0x7F, v21;
	v21 =	vld [tilespmem:s1+$0x40]  }
0x10e: {  	v20 =	vor.u32 $0x80, v19;
	v0 =	vld.idx.msk [tilespmem:v0+s16+$0x0], $0xffff  }
0x10f: {  	[tilespmem:v2+s18+$0x0] =	vst.idx.add.f32.msk $0xffff, v1  }
0x110: {  	v1 =	vor.u32 $0x100, v19;
	[tilespmem:v3+s18+$0x0] =	vst.idx.add.f32.msk $0xffff, v14  }
0x111: {  	v3 =	vor.u32 $0x100, v3;
	[tilespmem:v17+s18+$0x0] =	vst.idx.add.f32.msk $0xffff, v4;
	v4 =	vand.u32 $0xFFFFFE00, v22  }
0x112: {  	v23 =	vld.idx.msk [tilespmem:v19+s16+$0x0], $0xffff;
	v4 =	vor.u32 v24, v4  }
0x113: {  	v7 =	vand.u32 $0xFFFFFE00, v25;
	v2 =	vld.idx.msk [tilespmem:v20+s16+$0x0], $0xffff;
	v26 =	vor.u32 $0x80, v4  }
0x114: {  	v34 =	vshll.u32 v30, $0x2;
	v28 =	vor.u32 v6, v7;
	v6 =	vand.u32 $0x7F, v30;
	v30 =	vld [tilespmem:s1+$0x50]  }
0x115: {  	v29 =	vor.u32 $0x80, v28;
	v1 =	vld.idx.msk [tilespmem:v1+s16+$0x0], $0xffff  }
0x116: {  	[tilespmem:v3+s18+$0x0] =	vst.idx.add.f32.msk $0xffff, v0  }
0x117: {  	v0 =	vor.u32 $0x100, v28;
	[tilespmem:v4+s18+$0x0] =	vst.idx.add.f32.msk $0xffff, v23  }
0x118: {  	v4 =	vor.u32 $0x100, v4;
	[tilespmem:v26+s18+$0x0] =	vst.idx.add.f32.msk $0xffff, v2;
	v2 =	vand.u32 $0xFFFFFE00, v31  }
0x119: {  	v32 =	vld.idx.msk [tilespmem:v28+s16+$0x0], $0xffff;
	v2 =	vor.u32 v33, v2  }
0x11a: {  	v7 =	vand.u32 $0xFFFFFE00, v34;
	v3 =	vld.idx.msk [tilespmem:v29+s16+$0x0], $0xffff;
	v35 =	vor.u32 $0x80, v2  }
0x11b: {  	v37 =	vor.u32 v6, v7;
	v45 =	vld [tilespmem:s31+$0x0]  }
0x11c: {  	v38 =	vor.u32 $0x80, v37;
	v0 =	vld.idx.msk [tilespmem:v0+s16+$0x0], $0xffff  }
0x11d: {  	[tilespmem:v4+s18+$0x0] =	vst.idx.add.f32.msk $0xffff, v1  }
0x11e: {  	v40 =	vshll.u32 v36, $0x2;
	v1 =	vor.u32 $0x100, v37;
	[tilespmem:v2+s18+$0x0] =	vst.idx.add.f32.msk $0xffff, v32  }
0x11f: {  	v42 =	vand.u32 $0x7F, v36;
	v2 =	vor.u32 $0x100, v2;
	[tilespmem:v35+s18+$0x0] =	vst.idx.add.f32.msk $0xffff, v3;
	v3 =	vand.u32 $0xFFFFFE00, v40  }
0x120: {  	v43 =	vshll.u32 v39, $0x2;
	v41 =	vld.idx.msk [tilespmem:v37+s16+$0x0], $0xffff;
	v3 =	vor.u32 v42, v3  }
0x121: {  	v6 =	vand.u32 $0x7F, v39;
	v7 =	vand.u32 $0xFFFFFE00, v43;
	v4 =	vld.idx.msk [tilespmem:v38+s16+$0x0], $0xffff;
	v44 =	vor.u32 $0x80, v3  }
0x122: {  	v52 =	vshll.u32 v48, $0x2;
	v36 =	vld [tilespmem:s31+$0x50];
	v46 =	vor.u32 v6, v7  }
0x123: {  	v6 =	vand.u32 $0x7F, v48;
	v7 =	vand.u32 $0xFFFFFE00, v52;
	v47 =	vor.u32 $0x80, v46;
	v1 =	vld.idx.msk [tilespmem:v1+s16+$0x0], $0xffff  }
0x124: {  	v55 =	vor.u32 v6, v7;
	[tilespmem:v2+s18+$0x0] =	vst.idx.add.f32.msk $0xffff, v0  }
0x125: {  	v49 =	vshll.u32 v45, $0x2;
	v0 =	vor.u32 $0x100, v46;
	[tilespmem:v3+s18+$0x0] =	vst.idx.add.f32.msk $0xffff, v41  }
0x126: {  	v51 =	vand.u32 $0x7F, v45;
	v3 =	vor.u32 $0x100, v3;
	[tilespmem:v44+s18+$0x0] =	vst.idx.add.f32.msk $0xffff, v4;
	v4 =	vand.u32 $0xFFFFFE00, v49  }
0x127: {  	v61 =	vshll.u32 v57, $0x2;
	v50 =	vld.idx.msk [tilespmem:v46+s16+$0x0], $0xffff;
	v4 =	vor.u32 v51, v4  }
0x128: {  	v6 =	vand.u32 $0x7F, v57;
	v7 =	vand.u32 $0xFFFFFE00, v61;
	v2 =	vld.idx.msk [tilespmem:v47+s16+$0x0], $0xffff;
	v53 =	vor.u32 $0x80, v4  }
0x129: {  	v16 =	vshll.u32 v12, $0x2;
	v10 =	vor.u32 v6, v7;
	v59 =	vld.idx.msk [tilespmem:v55+s16+$0x0], $0xffff  }
0x12a: {  	v56 =	vor.u32 $0x80, v55;
	v6 =	vand.u32 $0x7F, v12;
	v7 =	vand.u32 $0xFFFFFE00, v16;
	v0 =	vld.idx.msk [tilespmem:v0+s16+$0x0], $0xffff  }
0x12b: {  	v19 =	vor.u32 v6, v7;
	[tilespmem:v3+s18+$0x0] =	vst.idx.add.f32.msk $0xffff, v1  }
0x12c: {  	v58 =	vshll.u32 v54, $0x2;
	v1 =	vor.u32 $0x100, v55;
	[tilespmem:v4+s18+$0x0] =	vst.idx.add.f32.msk $0xffff, v50  }
0x12d: {  	v60 =	vand.u32 $0x7F, v54;
	v4 =	vor.u32 $0x100, v4;
	[tilespmem:v53+s18+$0x0] =	vst.idx.add.f32.msk $0xffff, v2;
	v2 =	vand.u32 $0xFFFFFE00, v58  }
0x12e: {  	v14 =	vld.idx.msk [tilespmem:v10+s16+$0x0], $0xffff;
	v2 =	vor.u32 v60, v2  }
0x12f: {  	v3 =	vld.idx.msk [tilespmem:v56+s16+$0x0], $0xffff;
	v62 =	vor.u32 $0x80, v2  }
0x130: {  	v25 =	vshll.u32 v21, $0x2;
	v23 =	vld.idx.msk [tilespmem:v19+s16+$0x0], $0xffff  }
0x131: {  	v11 =	vor.u32 $0x80, v10;
	v6 =	vand.u32 $0x7F, v21;
	v7 =	vand.u32 $0xFFFFFE00, v25;
	v1 =	vld.idx.msk [tilespmem:v1+s16+$0x0], $0xffff  }
0x132: {  	v28 =	vor.u32 v6, v7;
	[tilespmem:v4+s18+$0x0] =	vst.idx.add.f32.msk $0xffff, v0  }
0x133: {  	v13 =	vshll.u32 v63, $0x2;
	v0 =	vor.u32 $0x100, v10;
	[tilespmem:v2+s18+$0x0] =	vst.idx.add.f32.msk $0xffff, v59  }
0x134: {  	v15 =	vand.u32 $0x7F, v63;
	v2 =	vor.u32 $0x100, v2;
	[tilespmem:v62+s18+$0x0] =	vst.idx.add.f32.msk $0xffff, v3;
	v3 =	vand.u32 $0xFFFFFE00, v13  }
0x135: {  	v38 =	vld [tilespmem:s1+$0x60];
	v3 =	vor.u32 v15, v3  }
0x136: {  	v34 =	vshll.u32 v30, $0x2;
	v4 =	vld.idx.msk [tilespmem:v11+s16+$0x0], $0xffff;
	v17 =	vor.u32 $0x80, v3  }
0x137: {  	v6 =	vand.u32 $0x7F, v30;
	v7 =	vand.u32 $0xFFFFFE00, v34;
	v32 =	vld.idx.msk [tilespmem:v28+s16+$0x0], $0xffff  }
0x138: {  	v37 =	vor.u32 v6, v7;
	v0 =	vld.idx.msk [tilespmem:v0+s16+$0x0], $0xffff  }
0x139: {  	v20 =	vor.u32 $0x80, v19;
	[tilespmem:v2+s18+$0x0] =	vst.idx.add.f32.msk $0xffff, v1  }
0x13a: {  	v22 =	vshll.u32 v18, $0x2;
	v39 =	vor.u32 $0x80, v37;
	[tilespmem:v3+s18+$0x0] =	vst.idx.add.f32.msk $0xffff, v14  }
0x13b: {  	v24 =	vand.u32 $0x7F, v18;
	v1 =	vor.u32 $0x100, v19;
	[tilespmem:v17+s18+$0x0] =	vst.idx.add.f32.msk $0xffff, v4;
	v4 =	vand.u32 $0xFFFFFE00, v22  }
0x13c: {  	v42 =	vld [tilespmem:s31+$0x60];
	v4 =	vor.u32 v24, v4  }
0x13d: {  	v6 =	vld.idx.msk [tilespmem:v37+s16+$0x0], $0xffff;
	v3 =	vor.u32 $0x100, v3  }
0x13e: {  	v2 =	vld.idx.msk [tilespmem:v20+s16+$0x0], $0xffff;
	v26 =	vor.u32 $0x80, v4  }
0x13f: {  	v46 =	vld.idx.msk [tilespmem:v39+s16+$0x0], $0xffff  }
0x140: {  	v29 =	vor.u32 $0x80, v28;
	v1 =	vld.idx.msk [tilespmem:v1+s16+$0x0], $0xffff  }
0x141: {  	[tilespmem:v4+s18+$0x0] =	vst.idx.add.f32.msk $0xffff, v23;
	v4 =	vor.u32 $0x100, v4  }
0x142: {  	v31 =	vshll.u32 v27, $0x2;
	[tilespmem:v3+s18+$0x0] =	vst.idx.add.f32.msk $0xffff, v0  }
0x143: {  	v33 =	vand.u32 $0x7F, v27;
	v0 =	vor.u32 $0x100, v28;
	[tilespmem:v26+s18+$0x0] =	vst.idx.add.f32.msk $0xffff, v2;
	v2 =	vand.u32 $0xFFFFFE00, v31  }
0x144: {  	v44 =	vld [tilespmem:s1+$0x70];
	v2 =	vor.u32 v33, v2  }
0x145: {  	v40 =	vshll.u32 v36, $0x2;
	v3 =	vld.idx.msk [tilespmem:v29+s16+$0x0], $0xffff;
	v35 =	vor.u32 $0x80, v2  }
0x146: {  	v5 =	vand.u32 $0xFFFFFE00, v40;
	v41 =	vand.u32 $0x7F, v36;
	[tilespmem:v4+s18+$0x0] =	vst.idx.add.f32.msk $0xffff, v1;
	v1 =	vor.u32 $0x100, v37  }
0x147: {  	v5 =	vor.u32 v41, v5;
	v10 =	vld [tilespmem:s31+$0x70]  }
0x148: {  	v43 =	vshll.u32 v38, $0x2;
	v47 =	vor.u32 $0x80, v5;
	v0 =	vld.idx.msk [tilespmem:v0+s16+$0x0], $0xffff  }
0x149: {  	v8 =	vand.u32 $0xFFFFFE00, v43;
	v4 =	vand.u32 $0x7F, v38;
	[tilespmem:v2+s18+$0x0] =	vst.idx.add.f32.msk $0xffff, v32;
	v2 =	vor.u32 $0x100, v2  }
0x14a: {  	v45 =	vor.u32 v4, v8;
	[tilespmem:v35+s18+$0x0] =	vst.idx.add.f32.msk $0xffff, v3  }
0x14b: {  	v11 =	vshll.u32 v44, $0x2;
	v49 =	vor.u32 $0x80, v45;
	v1 =	vld.idx.msk [tilespmem:v1+s16+$0x0], $0xffff  }
0x14c: {  	v52 =	vand.u32 $0x7F, v44;
	v53 =	vand.u32 $0xFFFFFE00, v11;
	v50 =	vor.u32 $0x100, v45;
	[tilespmem:v5+s18+$0x0] =	vst.idx.add.f32.msk $0xffff, v6  }
0x14d: {  	v51 =	vshll.u32 v42, $0x2;
	v54 =	vor.u32 v52, v53;
	[tilespmem:v47+s18+$0x0] =	vst.idx.add.f32.msk $0xffff, v46  }
0x14e: {  	v7 =	vand.u32 $0x7F, v42;
	v48 =	vor.u32 $0x100, v5;
	v8 =	vand.u32 $0xFFFFFE00, v51;
	[tilespmem:v2+s18+$0x0] =	vst.idx.add.f32.msk $0xffff, v0  }
0x14f: {  	v7 =	vor.u32 v7, v8;
	v0 =	vld.idx.msk [tilespmem:v45+s16+$0x0], $0xffff  }
0x150: {  	v55 =	vor.u32 $0x80, v54;
	v56 =	vld.idx.msk [tilespmem:v49+s16+$0x0], $0xffff  }
0x151: {  	v57 =	vor.u32 $0x100, v54;
	v58 =	vld.idx.msk [tilespmem:v50+s16+$0x0], $0xffff  }
0x152: {  	v60 =	vshll.u32 v10, $0x2;
	v59 =	vor.u32 $0x80, v7;
	v2 =	vld.idx.msk [tilespmem:v54+s16+$0x0], $0xffff  }
0x153: {  	v62 =	vand.u32 $0x7F, v10;
	v8 =	vand.u32 $0xFFFFFE00, v60;
	v61 =	vor.u32 $0x100, v7;
	[tilespmem:v48+s18+$0x0] =	vst.idx.add.f32.msk $0xffff, v1  }
0x154: {  	[tilespmem:v7+s18+$0x0] =	vst.idx.add.f32.msk $0xffff, v0;
	v7 =	vor.u32 v62, v8  }
0x155: {  	s30 =	sadd.s32 $0x10, s30;
	v1 =	vld.idx.msk [tilespmem:v55+s16+$0x0], $0xffff;
	v8 =	vor.u32 $0x80, v7  }
0x156: {  	p1 =	slt.u32 s30, $0x130;
	v4 =	vld.idx.msk [tilespmem:v57+s16+$0x0], $0xffff;
	v63 =	vor.u32 $0x100, v7  }
.Ltmp3:
0x157: {  	[tilespmem:v59+s18+$0x0] =	vst.idx.add.f32.msk $0xffff, v56;
	(pc) =	sbr.rel @p1 .LBB2_8-.Ltmp3, $4  }
0x158: {  	[tilespmem:v61+s18+$0x0] =	vst.idx.add.f32.msk $0xffff, v58  }
0x159: {  	[tilespmem:v7+s18+$0x0] =	vst.idx.add.f32.msk $0xffff, v2  }
0x15a: {  	[tilespmem:v8+s18+$0x0] =	vst.idx.add.f32.msk $0xffff, v1  }
0x15b: {  	s0 =	simm.s32 $0x0;
	s1 =	sadd.s32 $0x100, s1;
	s31 =	sadd.s32 $0x100, s31;
	[tilespmem:v63+s18+$0x0] =	vst.idx.add.f32.msk $0xffff, v4  }
.LBB2_9:
0x15c: {  	s1 =	sshra.s32 s0, $0x2  }
0x15d: {  	v0 =	vld [tilespmem:s1+$0x2880];
	_ =	sdelay $0x4  }
0x15e: {  	v1 =	vld [tilespmem:s1+$0x5180];
	v2 =	vshll.u32 v0, $0x2  }
0x15f: {  	v0 =	vand.u32 $0x7F, v0;
	v2 =	vand.u32 $0xFFFFFE00, v2  }
0x160: {  	v0 =	vor.u32 v0, v2  }
0x161: {  	v2 =	vor.u32 $0x80, v0  }
0x162: {  	v3 =	vor.u32 $0x100, v0  }
0x163: {  	v4 =	vshll.u32 v1, $0x2  }
0x164: {  	v1 =	vand.u32 $0x7F, v1;
	v4 =	vand.u32 $0xFFFFFE00, v4  }
0x165: {  	v1 =	vor.u32 v1, v4;
	v0 =	vld.idx.msk [tilespmem:v0+s16+$0x0], $0xffff  }
0x166: {  	v4 =	vor.u32 $0x80, v1;
	v2 =	vld.idx.msk [tilespmem:v2+s16+$0x0], $0xffff  }
0x167: {  	p1 =	sne.s32 s0, $0xC0;
	v5 =	vor.u32 $0x100, v1;
	v3 =	vld.idx.msk [tilespmem:v3+s16+$0x0], $0xffff  }
.Ltmp4:
0x168: {  	_ = 	snop;
	(pc) =	sbr.rel @p1 .LBB2_9-.Ltmp4, $4  }
0x169: {  	_ = 	snop  }
0x16a: {  	[tilespmem:v1+s18+$0x0] =	vst.idx.add.f32.msk $0xffff, v0  }
0x16b: {  	[tilespmem:v4+s18+$0x0] =	vst.idx.add.f32.msk $0xffff, v2  }
0x16c: {  	s0 =	sadd.s32 $0x40, s0;
	[tilespmem:v5+s18+$0x0] =	vst.idx.add.f32.msk $0xffff, v3  }
.Ltmp5:
0x16d: {  	(pc) =	sbr.rel @p0 .LBB2_11-.Ltmp5, $1  }
0x16e: {  	_ =	sdelay $0x3  }
0x16f: {  	s0 =	smul.u32 $0x2880, s29;
	_ =	sdelay $0x1  }
0x170: {  	s0 =	sadd.s32 s0, s13  }
.Ltmp6:
0x171: {  	s0 =	sshrl.u32 s0, $0x3;
	(pc) =	sbr.rel .LBB2_4-.Ltmp6, $4  }
0x172: {  	s1 =	sadd.s32 s4, s0  }
0x173: {  	[tilespmem:s21], [sflag:$0x2] =	stream.linear.gather [hbm4b:s1+s3], $0x1440, $0x38;
	[tilespmem:$0x1BA00] =	vst v63  }
0x174: {  	s29 =	sadd.s32 $0x1, s29;
	s0 =	sadd.s32 s2, s0  }
0x175: {  	[tilespmem:s22], [sflag:$0x4] =	stream.linear.gather [hbm4b:s0+s3], $0x1440, $0x38;
	[tilespmem:$0x1BA00] =	vst v63  }
.LBB2_11:
0x176: {  	s29 =	simm.s32 $0x0  }
0x177: {  	s31 =	simm.s32 $0x0;
	s0 =	sand.u32 $0x70, s29;
	s1 =	sand.u32 $0xFE00, s29  }
0x178: {  	v1 =	vld [tilespmem:s31+$0x19200];
	s1 =	sor.u32 s0, s1  }
0x179: {  	v2 =	vld [tilespmem:s1+$0xF280]  }
0x17a: {  	v0 =	vld [tilespmem:s1+$0xF200]  }
0x17b: {  	s30 =	simm.s32 $0x10;
	v3 =	vld [tilespmem:s1+$0xF300]  }
.LBB2_12:
0x17c: {  	_ =	sdelay $0x1  }
0x17d: {  	p0 =	sne.s32 s30, $0x27F0  }
0x17e: {  	s29 =	sadd.s32 $0x40, s29;
	s0 =	smov.u32 s30;
	s30 =	sadd.s32 $0x10, s30;
	v2 =	vmul.f32 v2, v1  }
0x17f: {  	s0 =	sand.u32 $0x70, s0;
	s19 =	sand.u32 $0xFE00, s29;
	v0 =	vmul.f32 v0, v1;
	v1 =	vmul.f32 v3, v1  }
.Ltmp7:
0x180: {  	s31 =	sshra.s32 s29, $0x2;
	s0 =	sor.u32 s0, s19;
	[tilespmem:s1+$0xF280] =	vst v2;
	(pc) =	sbr.rel @p0 .LBB2_12-.Ltmp7, $4  }
0x181: {  	v2 =	vld [tilespmem:s0+$0xF280];
	[tilespmem:s1+$0xF200] =	vst v0  }
0x182: {  	v0 =	vld [tilespmem:s0+$0xF200];
	[tilespmem:s1+$0xF300] =	vst v1;
	s1 =	smov.u32 s0  }
0x183: {  	v1 =	vld [tilespmem:s31+$0x19200]  }
0x184: {  	v3 =	vld [tilespmem:s1+$0xF300]  }
0x185: {  	_ =	sdelay $0x2  }
0x186: {  	v2 =	vmul.f32 v2, v1  }
0x187: {  	v0 =	vmul.f32 v0, v1  }
0x188: {  	s28 =	sadd.s32 $0x1, s28;
	v63 =	vmul.f32 v3, v1;
	[tilespmem:s1+$0xF280] =	vst v2  }
0x189: {  	p0 =	sne.s32 s28, s15;
	[tilespmem:s1+$0xF200] =	vst v0  }
.Ltmp8:
0x18a: {  	[tilespmem:s1+$0xF300] =	vst v63;
	(pc) =	sbr.rel @p0 .LBB2_1-.Ltmp8, $4  }
0x18b: {  	[hbm4b:s14+s3] =	stream.linear.scatter [tilespmem:s18], [sflag:$0x5], $0xA000, $0x38;
	[tilespmem:$0x1BA00] =	vst v63  }
0x18c: {  	_ =	swait.ge [sflag:s17], $0xA000  }
0x18d: {  	[sflag:s17] =	ssyncset.done $0x0  }
0x18e: {  	[sflag:s17] =	ssyncadd.s32 $0xFFFF6000  }
0x18f: {  	_ =	sfence.sel $0x180000  }
0x190: {  	[bflag:$0x0] =	sbarrier.arrive $0xFFFF  }
0x191: {  	_ =	strace $0x9000004D  }
0x192: {  	s0 =	stileid.u32;
	[bflag:$0x2] =	sbarrier.arrive $0xFFFF  }
0x193: {  	p0 =	sne.s32 s0, $0x0;
	s0 =	rddreg [dreg:$0x2]  }
0x194: {  	s0 =	sadd.s32 @!p0 $0x100000, s0  }
0x195: {  	[sflag:s0] =	ssyncadd.tile.s32 @!p0 $0x1;
	_ =	shalt  }
.Lfunc_end2:
_tile_overlayer_lowered:
.L_overlay_start_2:
0x196: {  	(tag) =	ssettag $0x2  }
0x197: {  	s0 =	rddreg [dreg:$0x0];
	s2 =	stileid.u32  }
0x198: {  	s1 =	rddreg [dreg:$0x1];
	p0 =	sne.s32 s2, $0x0  }
0x199: {  	s3 =	rddreg [dreg:$0x2];
	[bflag:$0x3] =	sbarrier.arrive $0xFFFF;
	s2 =	simm.s32 @!p0 $0x1C05  }
0x19a: {  	[timem:s3], [sflag:s2] =	dma.local @!p0 [hbm:s0], s1  }
0x19b: {  	s0 =	simm.s32 @!p0 $0x5  }
0x19c: {  	_ =	swait.ge @!p0 [sflag:s0], s1  }
0x19d: {  	s1 =	ssub.s32 @!p0 $0x0, s1;
	[sflag:s0] =	ssyncset.done @!p0 $0x0  }
0x19e: {  	[sflag:s0] =	ssyncadd.s32 @!p0 s1  }
0x19f: {  	[bflag:$0x3] =	sbarrier.arrive $0xFFFF  }
0x1a0: {  	_ =	shalt  }

// kernel: kernel.8.cloned.1.call-start
scs
__scs_entry_jumppad:
0x0: {  	(pc) =	sbr.rel $0x88, $3  }
0x1: {  	(tag) =	ssettag $0x0;
	lr =	simm.s32 $0x1  }
0x2: {  	[smem:$0x3F9B] =	sst lr;
	_ =	strace $0xD0000000  }
0x3: {  	_ = 	snop  }
0x4: {  	_ = 	snop  }
0x5: {  	_ = 	snop  }
0x6: {  	_ = 	snop  }
0x7: {  	_ = 	snop  }
__scs_overlays_trampoline_lowered:
0x8: {  	[smem:$0x3FAA] =	sst s0  }
0x9: {  	[smem:$0x3FAB] =	sst s1  }
0xa: {  	[smem:$0x3FAC] =	sst s2  }
0xb: {  	[smem:$0x3FAD] =	sst s3  }
0xc: {  	[smem:$0x3FAE] =	sst s4  }
0xd: {  	[smem:$0x3FAF] =	sst s5  }
0xe: {  	[smem:$0x3FB0] =	sst s6  }
0xf: {  	[smem:$0x3FB1] =	sst s7  }
0x10: {  	[smem:$0x3FB2] =	sst s8  }
0x11: {  	[smem:$0x3FB3] =	sst s9;
	s0 =	simm.s32 @!p0 $0x0  }
0x12: {  	s1 =	sld [smem:$0x3F99];
	s0 =	simm.s32 @p0 $0x1  }
0x13: {  	[smem:$0x3FB4] =	sst s0;
	s0 =	simm.s32 @!p1 $0x0  }
0x14: {  	s2 =	sld [smem:$0x3F98];
	s0 =	simm.s32 @p1 $0x1  }
0x15: {  	[smem:$0x3FB5] =	sst s0;
	s0 =	simm.s32 @!p2 $0x0  }
0x16: {  	s3 =	sld [smem:$0x3FDB];
	s0 =	simm.s32 @p2 $0x1  }
0x17: {  	s4 =	simm.s32 $0x1BF5;
	[smem:$0x3FB7] =	sst s0  }
0x18: {  	s0 =	sld [smem:$0x3F9A];
	_ =	swait.ge [sflag:s4], $0x0  }
0x19: {  	s7 =	sld [smem:$0x3F9B]  }
0x1a: {  	s8 =	sadd.s32 $0xFFFFE003, lr  }
0x1b: {  	s9 =	sadd.s32 $0xFFFFFEF7, lr;
	s5 =	simm.s32 $0xFFFFFFFF;
	p2 =	slt.u32 s8, $0xFFFFF086  }
0x1c: {  	p1 =	slt.u32 s9, $0xF7A;
	s5 =	simm.s32 @!p2 $0x0  }
0x1d: {  	s5 =	simm.s32 @p1 $0x1;
	p0 =	seq.s32 s7, s2  }
0x1e: {  	s7 =	smul.u32 @!p0 $0xF7A, s2;
	p2 =	seq.s32 @!p0 s5, $0x0  }
0x1f: {  	s9 =	smul.u32 $0xF7A, s1;
	s8 =	simm.s32 @!p0 $0x1BF5;
	p2 =	por !p2, p0  }
0x20: {  	[sflag:s8] =	ssyncset.s32 @!p0 $0xFFFFF086;
	s6 =	sadd.s32 @!p0 s3, s7;
	s7 =	simm.s32 @!p0 $0x108  }
0x21: {  	s3 =	sadd.s32 s3, s9;
	s6 =	sadd.s32 @!p0 $0x88, s6;
	s7 =	simm.s32 @p2 $0x1082  }
0x22: {  	[simem:s7], [sflag:s8] =	dma.local @!p0 [hbm:s6], $0xF7A  }
0x23: {  	s9 =	sor.u32 $0xD0000000, s2;
	s6 =	simm.s32 $0x108;
	_ =	swait.ge @!p0 [sflag:s8], $0x0  }
0x24: {  	s3 =	sadd.s32 $0x88, s3;
	s6 =	simm.s32 @!p1 $0x1082;
	[sflag:s4] =	ssyncset.s32 $0xFFFFF086  }
0x25: {  	[simem:s6], [sflag:s4] =	dma.local [hbm:s3], $0xF7A  }
0x26: {  	[smem:$0x3F9B] =	sst s1;
	(tag) =	ssettag s2;
	_ =	strace s9  }
0x27: {  	s1 =	sld [smem:$0x3FAB]  }
0x28: {  	s2 =	sld [smem:$0x3FAC]  }
0x29: {  	s4 =	sld [smem:$0x3FAE]  }
0x2a: {  	p0 =	seq.s32 s5, $0x0;
	s5 =	sld [smem:$0x3FAF]  }
0x2b: {  	s6 =	sld [smem:$0x3FB0]  }
0x2c: {  	s7 =	sld [smem:$0x3FB1]  }
0x2d: {  	s3 =	simm.s32 $0x108;
	s8 =	sld [smem:$0x3FB2]  }
0x2e: {  	s3 =	simm.s32 @!p0 $0x1082;
	s9 =	sld [smem:$0x3FB3]  }
0x2f: {  	lr =	sadd.s32 s0, s3;
	s0 =	sld [smem:$0x3FAA]  }
0x30: {  	s3 =	sld [smem:$0x3FAD]  }
0x31: {  	[smem:$0x3FB6] =	sst s10  }
0x32: {  	s10 =	sld [smem:$0x3FB4];
	_ =	sdelay $0x3  }
0x33: {  	p0 =	seq.s32 s10, $0x1;
	s10 =	sld [smem:$0x3FB6];
	_ =	sdelay $0x3  }
0x34: {  	[smem:$0x3FB6] =	sst s10  }
0x35: {  	s10 =	sld [smem:$0x3FB5];
	_ =	sdelay $0x3  }
0x36: {  	p1 =	seq.s32 s10, $0x1;
	s10 =	sld [smem:$0x3FB6];
	_ =	sdelay $0x3  }
0x37: {  	[smem:$0x3FB6] =	sst s10  }
0x38: {  	s10 =	sld [smem:$0x3FB7]  }
0x39: {  	_ = 	snop;
	(pc) =	sbr.ind lr, $3  }
0x3a: {  	_ = 	snop  }
0x3b: {  	_ = 	snop  }
0x3c: {  	p2 =	seq.s32 s10, $0x1;
	s10 =	sld [smem:$0x3FB6]  }
0x3d: {  	_ =	shalt  }
0x3e: {  	_ =	shalt  }
0x3f: {  	_ =	shalt  }
0x40: {  	_ =	shalt  }
0x41: {  	_ =	shalt  }
0x42: {  	_ =	shalt  }
0x43: {  	_ =	shalt  }
0x44: {  	_ =	shalt  }
0x45: {  	_ =	shalt  }
0x46: {  	_ =	shalt  }
0x47: {  	_ =	shalt  }
0x48: {  	_ =	shalt  }
0x49: {  	_ =	shalt  }
0x4a: {  	_ =	shalt  }
0x4b: {  	_ =	shalt  }
0x4c: {  	_ =	shalt  }
0x4d: {  	_ =	shalt  }
0x4e: {  	_ =	shalt  }
0x4f: {  	_ =	shalt  }
0x50: {  	_ =	shalt  }
0x51: {  	_ =	shalt  }
0x52: {  	_ =	shalt  }
0x53: {  	_ =	shalt  }
0x54: {  	_ =	shalt  }
0x55: {  	_ =	shalt  }
0x56: {  	_ =	shalt  }
0x57: {  	_ =	shalt  }
0x58: {  	_ =	shalt  }
0x59: {  	_ =	shalt  }
0x5a: {  	_ =	shalt  }
0x5b: {  	_ =	shalt  }
0x5c: {  	_ =	shalt  }
0x5d: {  	_ =	shalt  }
0x5e: {  	_ =	shalt  }
0x5f: {  	_ =	shalt  }
0x60: {  	_ =	shalt  }
0x61: {  	_ =	shalt  }
0x62: {  	_ =	shalt  }
0x63: {  	_ =	shalt  }
0x64: {  	_ =	shalt  }
0x65: {  	_ =	shalt  }
0x66: {  	_ =	shalt  }
0x67: {  	_ =	shalt  }
0x68: {  	_ =	shalt  }
0x69: {  	_ =	shalt  }
0x6a: {  	_ =	shalt  }
0x6b: {  	_ =	shalt  }
0x6c: {  	_ =	shalt  }
0x6d: {  	_ =	shalt  }
0x6e: {  	_ =	shalt  }
0x6f: {  	_ =	shalt  }
0x70: {  	_ =	shalt  }
0x71: {  	_ =	shalt  }
0x72: {  	_ =	shalt  }
0x73: {  	_ =	shalt  }
0x74: {  	_ =	shalt  }
0x75: {  	_ =	shalt  }
0x76: {  	_ =	shalt  }
0x77: {  	_ =	shalt  }
0x78: {  	_ =	shalt  }
0x79: {  	_ =	shalt  }
0x7a: {  	_ =	shalt  }
0x7b: {  	_ =	shalt  }
0x7c: {  	_ =	shalt  }
0x7d: {  	_ =	shalt  }
0x7e: {  	_ =	shalt  }
0x7f: {  	_ =	shalt  }
0x80: {  	_ =	shalt  }
0x81: {  	_ =	shalt  }
0x82: {  	_ =	shalt  }
0x83: {  	_ =	shalt  }
0x84: {  	_ =	shalt  }
0x85: {  	_ =	shalt  }
0x86: {  	_ =	shalt  }
0x87: {  	_ =	shalt  }
.Lfunc_end0:
.L_simem_size_0:
called_computation_lowered:
.L_overlay_start_0:
0x88: {  	s2 =	sld [smem:$0x3FD9]  }
0x89: {  	s3 =	sld [smem:$0x3FFE];
	_ =	sdelay $0x1  }
0x8a: {  	s1 =	srdreg.scid  }
0x8b: {  	s0 =	sand.u32 $0x1, s1  }
0x8c: {  	s14 =	sshll.u32 s0, $0xA;
	s2 =	sadd.s32 s3, s2  }
0x8d: {  	s2 =	sadd.s32 s2, s14  }
0x8e: {  	[smem:$0x3FC2] =	sst s2  }
0x8f: {  	_ = 	snop  }
0x90: {  	s2 =	sld [smem:$0x3FD0];
	_ =	sdelay $0x2  }
0x91: {  	s15 =	simm.s32 $0xA;
	s4 =	simm.s32 $0x10  }
0x92: {  	[smem:s4], [sflag:s15] =	dma.local [hbm:s2], $0x1  }
0x93: {  	_ =	swait.eq [sflag:s15], $0x1  }
0x94: {  	[sflag:s15] =	ssyncset.done $0x0  }
0x95: {  	s16 =	sld [smem:$0x10];
	[sflag:s15] =	ssyncadd.s32 $0xFFFFFFFF  }
0x96: {  	s17 =	sld [smem:$0x11];
	(tm) =	ssettm $0x1  }
0x97: {  	s18 =	sld [smem:$0x3FFB];
	_ =	sdelay $0x3  }
0x98: {  	_ =	strace s18  }
0x99: {  	s4 =	sld [smem:$0x3FFC];
	_ =	sdelay $0x3  }
0x9a: {  	_ =	strace s4  }
0x9b: {  	s4 =	sld [smem:$0x3FFD];
	_ =	sdelay $0x3  }
0x9c: {  	_ =	strace s4  }
0x9d: {  	_ =	strace $0x8FFFFFFF  }
0x9e: {  	s19 =	sld [smem:$0x3FDB];
	_ =	sdelay $0x1  }
0x9f: {  	s5 =	simm.s32 $_scs_section_size  }
0xa0: {  	s6 =	simm.s32 $_size__tile_overlayer_lowered;
	s7 =	simm.s32 $_tile_overlayer_lowered  }
0xa1: {  	s22 =	simm.s32 $0x1BFF;
	s21 =	sshll.u32 s7, $0x1;
	s4 =	sadd.s32 s5, s19  }
0xa2: {  	s8 =	simm.s32 $0x0;
	s20 =	sshll.u32 s6, $0x1;
	s6 =	sadd.s32 s21, s4  }
0xa3: {  	[timem:s8], [sflag:s22] =	dma.local [hbm:s6], s20  }
0xa4: {  	_ =	swait.ge [sflag:s22], s20  }
0xa5: {  	s5 =	ssub.s32 $0x0, s20;
	[sflag:s22] =	ssyncset.done $0x0  }
0xa6: {  	[sflag:s22] =	ssyncadd.s32 s5;
	_ =	sdelay $0x1  }
0xa7: {  	s23 =	simm.s32 $0x1B8B  }
0xa8: {  	_ =	swait.ge [sflag:s23], $0x1  }
0xa9: {  	[sflag:s23] =	ssyncset.done $0x0  }
0xaa: {  	s25 =	simm.s32 $0x1B8E;
	s24 =	sld [smem:$0x3FFE];
	[sflag:s23] =	ssyncadd.s32 $0xFFFFFFFF  }
0xab: {  	s26 =	simm.s32 $execute0_lowered;
	[smem:$0x3FD2] =	sst s25  }
0xac: {  	s6 =	sshll.u32 s26, $0x1;
	_ =	strace $0x80000046;
	[dreg:$0x1] =	wrdreg $0xFFFFFFFF  }
0xad: {  	s28 =	simm.s32 $_size_execute0_lowered;
	s4 =	sadd.s32 s4, s6;
	[dreg:$0x0] =	wrdreg $0x0  }
0xae: {  	s6 =	sshll.u32 s28, $0x1;
	[dreg:$0x2] =	wrdreg s4  }
0xaf: {  	[dreg:$0x3] =	wrdreg s6  }
0xb0: {  	[dreg:$0x4] =	wrdreg $0xC0  }
0xb1: {  	_ =	task [dreg:s8], $0x5FFFF  }
0xb2: {  	[dreg:$0x1] =	wrdreg $0xFFFFFFFF  }
0xb3: {  	[dreg:$0x0] =	wrdreg $0x60  }
0xb4: {  	[dreg:$0x2] =	wrdreg s16  }
0xb5: {  	[dreg:$0x3] =	wrdreg s24  }
0xb6: {  	[dreg:$0x4] =	wrdreg s17  }
0xb7: {  	[dreg:$0x5] =	wrdreg $0x9  }
0xb8: {  	_ =	task.clear_ibuf [dreg:s8], $0x6FFFF;
	_ =	strace $0x90000046  }
0xb9: {  	s29 =	simm.s32 $0x9;
	_ =	strace $0x80000048  }
0xba: {  	_ =	swait.ge [sflag:s29], $0x1  }
0xbb: {  	[sflag:s29] =	ssyncadd.s32 $0xFFFFFFFF  }
0xbc: {  	_ =	strace $0x90000048  }
0xbd: {  	_ =	sfence  }
0xbe: {  	s30 =	sld [smem:$0x0];
	_ =	sdelay $0x2  }
0xbf: {  	s31 =	sshll.u32 s1, $0xD;
	s1 =	sshrl.u32 s1, $0x2  }
0xc0: {  	s3 =	sand.u32 $0x4000, s31;
	s1 =	sadd.s32 s1, s30  }
0xc1: {  	s0 =	sor.u32 s3, s0;
	s1 =	sshll.u32 s1, $0x11  }
0xc2: {  	s0 =	sor.u32 s1, s0  }
0xc3: {  	s0 =	sadd.s32 $0x8F2B, s0  }
0xc4: {  	[sflag:s0] =	ssyncadd.remote.s32 $0x1  }
0xc5: {  	_ =	sfence.sel $0xFFFF  }
0xc6: {  	[dreg:$0x0] =	wrdreg $0xFFFFFFFF;
	(pc) =	sbr.abs _section_cstart, $3  }
0xc7: {  	[dreg:$0x1] =	wrdreg $0xFFFFFFFF  }
0xc8: {  	_ =	task.clear_ibuf [dreg:s8], $0x2FFFF;
	_ =	strace $0x9FFFFFFF  }
0xc9: {  	(tm) =	ssettm $0x7FFFFFFF  }
tec
execute0_lowered:
.L_overlay_start_1:
0x0: {  	(tag) =	ssettag $0x1  }
0x1: {  	s4 =	rddreg [dreg:$0x0];
	s0 =	srdreg.scid  }
0x2: {  	s3 =	rddreg [dreg:$0x1];
	s5 =	sand.u32 $0x1, s0  }
0x3: {  	s6 =	rddreg [dreg:$0x2];
	s1 =	stileid.u32;
	s2 =	sshll.u32 s5, $0x4  }
0x4: {  	s0 =	rddreg [dreg:$0x3];
	s7 =	sor.u32 s1, s2  }
0x5: {  	s5 =	ssub.s32 $0x2, s5;
	s2 =	simm.s32 $0x0;
	s8 =	smul.u32 $0x510, s7  }
0x6: {  	s9 =	sshrl.u32 s5, $0x1;
	[smem:$0x7FF] =	sst s2;
	s7 =	smul.u32 $0x500, s7  }
0x7: {  	s3 =	sadd.s32 $0x2000, s3;
	s9 =	ssub.s32 s5, s9;
	_ =	strace $0x80000047  }
0x8: {  	s4 =	sadd.s32 s4, s8;
	s5 =	sadd.s32 s6, s7;
	s6 =	smax.u32 s9, $0x1  }
0x9: {  	v0 =	vimm.f32 $1.000000000e+00;
	s7 =	simm.s32 $0x2880;
	s8 =	simm.s32 $0x1;
	s9 =	simm.s32 $0x0  }
.LBB2_1:
0xa: {  	[tilespmem:s7], [sflag:$0x1] =	stream.linear.gather [hbm4b:s3+s2], $0x2800, $0x38;
	[tilespmem:$0x5080] =	vst v63  }
0xb: {  	_ =	swait.ge [sflag:s8], $0x2800  }
0xc: {  	[sflag:s8] =	ssyncset.done $0x0  }
0xd: {  	[sflag:s8] =	ssyncadd.s32 $0xFFFFD800  }
0xe: {  	[tilespmem:s2], [sflag:$0x1] =	stream.linear.gather [hbm4b:s4+s2], $0x2880, $0x38;
	[tilespmem:$0x5080] =	vst v63  }
0xf: {  	_ =	swait.ge [sflag:s8], $0x2880  }
0x10: {  	[sflag:s8] =	ssyncset.done $0x0  }
0x11: {  	s11 =	simm.s32 $0x0;
	s10 =	simm.s32 $0x40;
	[sflag:s8] =	ssyncadd.s32 $0xFFFFD780  }
.LBB2_2:
0x12: {  	p0 =	sne.s32 s10, $0xA1C0;
	v1 =	vld [tilespmem:s11+$0x0];
	_ =	sdelay $0x3  }
.Ltmp0:
0x13: {  	(pc) =	sbr.rel @p0 .LBB2_2-.Ltmp0, $2  }
0x14: {  	_ =	sdelay $0x2  }
0x15: {  	s11 =	sshra.s32 s10, $0x2;
	s10 =	sadd.s32 $0x40, s10;
	[tilespmem:v1+s7+$0x0] =	vst.idx.add.f32.msk $0xffff, v0  }
0x16: {  	v1 =	vld [tilespmem:s11+$0x0];
	_ =	sdelay $0x5  }
0x17: {  	s9 =	sadd.s32 $0x1, s9  }
0x18: {  	p0 =	sne.s32 s9, s6  }
.Ltmp1:
0x19: {  	[tilespmem:v1+s7+$0x0] =	vst.idx.add.f32.msk $0xffff, v0;
	(pc) =	sbr.rel @p0 .LBB2_1-.Ltmp1, $4  }
0x1a: {  	[hbm4b:s5+s2] =	stream.linear.scatter [tilespmem:s7], [sflag:$0x1], $0x2800, $0x38;
	[tilespmem:$0x5080] =	vst v63  }
0x1b: {  	_ =	swait.ge [sflag:s8], $0x2800  }
0x1c: {  	[sflag:s8] =	ssyncset.done $0x0  }
0x1d: {  	[sflag:s8] =	ssyncadd.s32 $0xFFFFD800  }
0x1e: {  	_ =	sfence.sel $0x180000  }
0x1f: {  	[bflag:$0x0] =	sbarrier.arrive $0xFFFF  }
0x20: {  	p0 =	sne.s32 s1, $0x0;
	_ =	strace $0x90000047  }
0x21: {  	s0 =	sadd.s32 @!p0 $0x100000, s0;
	[bflag:$0x2] =	sbarrier.arrive $0xFFFF  }
0x22: {  	[sflag:s0] =	ssyncadd.tile.s32 @!p0 $0x1;
	_ =	shalt  }
.Lfunc_end2:
_tile_overlayer_lowered:
.L_overlay_start_2:
0x23: {  	(tag) =	ssettag $0x2  }
0x24: {  	s0 =	rddreg [dreg:$0x0];
	s2 =	stileid.u32  }
0x25: {  	s1 =	rddreg [dreg:$0x1];
	p0 =	sne.s32 s2, $0x0  }
0x26: {  	s3 =	rddreg [dreg:$0x2];
	[bflag:$0x3] =	sbarrier.arrive $0xFFFF;
	s2 =	simm.s32 @!p0 $0x1C01  }
0x27: {  	[timem:s3], [sflag:s2] =	dma.local @!p0 [hbm:s0], s1  }
0x28: {  	s0 =	simm.s32 @!p0 $0x1  }
0x29: {  	_ =	swait.ge @!p0 [sflag:s0], s1  }
0x2a: {  	s1 =	ssub.s32 @!p0 $0x0, s1;
	[sflag:s0] =	ssyncset.done @!p0 $0x0  }
0x2b: {  	[sflag:s0] =	ssyncadd.s32 @!p0 s1  }
0x2c: {  	[bflag:$0x3] =	sbarrier.arrive $0xFFFF  }
0x2d: {  	_ =	shalt  }

</sc_bundles>
